<compile_context>
chip_gen: v7x
topology: tpu7x:2x2x1
jax: 0.10.2.dev20260603
libtpu: 0.0.44.dev20260713+nightly
codegen_flags: <defaults>
</compile_context>

<pallas_src>
import functools

import jax
import jax.numpy as jnp
from jax import lax
from jax.experimental import pallas as pl
from jax.experimental.pallas import tpu as pltpu
from jax.experimental.pallas import tpu_sc as plsc


def _build_sc_kernel(V, D, B, L):
    info = plsc.get_sparse_core_info()
    NC, NS, LN = info.num_cores, info.num_subcores, info.num_lanes
    NW = NC * NS
    assert B % NW == 0 and D % LN == 0
    b_per_w = B // NW
    CB = 16
    n_chunks = b_per_w // CB
    rows_per_chunk = CB * L
    n_vregs = D // LN
    GR = 32

    mesh = plsc.VectorSubcoreMesh(core_axis_name="c", subcore_axis_name="s")

    @functools.partial(
        pl.kernel,
        mesh=mesh,
        out_type=jax.ShapeDtypeStruct((NW, LN), jnp.float32),
        scratch_types=[
            pltpu.VMEM((b_per_w, L), jnp.int32),
            pltpu.VMEM((b_per_w * L + 4 * LN,), jnp.int32),
            pltpu.VMEM((2 * LN,), jnp.int32),
            pltpu.VMEM((b_per_w + LN,), jnp.int32),
            pltpu.VMEM((b_per_w,), jnp.int32),
            pltpu.VMEM((rows_per_chunk, D), jnp.float32),
            pltpu.VMEM((rows_per_chunk, D), jnp.float32),
            pltpu.VMEM((CB, D), jnp.float32),
            pltpu.VMEM((CB, D), jnp.float32),
            pltpu.VMEM((LN,), jnp.float32),
            pltpu.SemaphoreType.DMA,
            pltpu.SemaphoreType.DMA,
        ],
    )
    def sc_kernel(emb_hbm, cw_hbm, len_hbm, mwe_hbm, out_hbm,
                  idx_v, cidx_v, cnts_v, len_v, midx_v,
                  rows_a, rows_b, tgt_a, tgt_b,
                  out_v, sem_a, sem_b):
        wid = lax.axis_index("s") * NC + lax.axis_index("c")
        base_b = wid * b_per_w

        c1 = pltpu.async_copy(cw_hbm.at[pl.ds(base_b, b_per_w)], idx_v,
                              sem_a)
        c2 = pltpu.async_copy(len_hbm.at[pl.ds(base_b, b_per_w)],
                              len_v.at[pl.ds(0, b_per_w)], sem_a)
        c3 = pltpu.async_copy(mwe_hbm.at[pl.ds(base_b, b_per_w)], midx_v,
                              sem_a)
        c1.wait()
        c2.wait()
        c3.wait()

        zeros = jnp.zeros((LN,), jnp.float32)
        izeros = jnp.zeros((LN,), jnp.int32)
        iota = lax.broadcasted_iota(jnp.int32, (LN,), 0)
        sq = (zeros,) * n_vregs

        def compact_chunk(cb, counts_vec):
            cstart = cb * rows_per_chunk

            def pack_b(b, pos, _cb=cb):
                ln = len_v[pl.ds(_cb * CB + b, LN)][0]
                row = _cb * CB + b
                v0 = idx_v[row, pl.ds(0, LN)]
                v1 = idx_v[row, pl.ds(L - LN, LN)]
                cidx_v[pl.ds(pos, LN)] = v0
                cidx_v[pl.ds(pos + (L - LN), LN)] = v1
                return pos + ln

            pos = lax.fori_loop(0, CB, pack_b, jnp.int32(cstart))
            pad = iota + (wid * n_chunks + cb) * 2 * LN
            cidx_v[pl.ds(pos, LN)] = pad
            cidx_v[pl.ds(pos + LN, LN)] = pad + LN
            k_cb = (pos - cstart + (GR - 1)) // GR
            counts_vec = jnp.where(iota == cb, jnp.full((LN,), k_cb),
                                   counts_vec)
            return counts_vec, k_cb

        bufs = ((rows_a, tgt_a, sem_a), (rows_b, tgt_b, sem_b))

        n_gr = rows_per_chunk // GR

        def fire(cb, par, kk=None):
            rows_v, tgt_v, sem = bufs[par]
            if kk is None:
                kk = cnts_v[pl.ds(cb, LN)][0]
            for g in range(n_gr):
                @pl.when(g < kk)
                def _(_g=g):
                    src = pl.multiple_of(cb * rows_per_chunk + _g * GR, GR)
                    pltpu.async_copy(
                        emb_hbm.at[cidx_v.at[pl.ds(src, GR)]],
                        rows_v.at[pl.ds(_g * GR, GR)], sem)
            pltpu.async_copy(
                emb_hbm.at[midx_v.at[pl.ds(pl.multiple_of(cb * CB, CB), CB)]],
                tgt_v, sem)

        def drain(cb, par):
            rows_v, tgt_v, sem = bufs[par]
            kk = cnts_v[pl.ds(cb, LN)][0]
            for g in range(n_gr):
                @pl.when(g < kk)
                def _(_g=g):
                    pltpu.make_async_copy(
                        emb_hbm.at[cidx_v.at[pl.ds(0, GR)]],
                        rows_v.at[pl.ds(_g * GR, GR)], sem).wait()
            pltpu.make_async_copy(
                emb_hbm.at[midx_v.at[pl.ds(0, CB)]], tgt_v, sem).wait()

        def compute(cb, par, sq):
            rows_v, tgt_v, _ = bufs[par]

            def b_body(b, carry, _cb=cb):
                sq = carry[:n_vregs]
                rbase = carry[n_vregs]
                ln = len_v[pl.ds(_cb * CB + b, LN)][0]
                inv = jnp.full((LN,), 1.0, jnp.float32) / jnp.full(
                    (LN,), ln).astype(jnp.float32)

                def l_body(l, accs, _rb=rbase):
                    r = _rb + l
                    return tuple(accs[j] + rows_v[r, pl.ds(j * LN, LN)]
                                 for j in range(n_vregs))

                accs = lax.fori_loop(0, ln, l_body, (zeros,) * n_vregs)
                out = []
                for j in range(n_vregs):
                    diff = accs[j] * inv - tgt_v[b, pl.ds(j * LN, LN)]
                    out.append(sq[j] + diff * diff)
                return tuple(out) + (rbase + ln,)

            carry = lax.fori_loop(0, CB, b_body, sq + (jnp.int32(0),))
            return carry[:n_vregs]

        counts_vec = izeros
        counts_vec, k0 = compact_chunk(0, counts_vec)
        counts_vec, k1 = compact_chunk(1, counts_vec)
        fire(0, 0, kk=k0)
        fire(1, 1, kk=k1)
        for cb in range(2, n_chunks):
            counts_vec, _ = compact_chunk(cb, counts_vec)
        cnts_v[pl.ds(0, LN)] = counts_vec
        n_pairs = n_chunks // 2

        def pair_body(k, sq):
            c = 2 * k
            drain(c, 0)
            sq = compute(c, 0, sq)

            @pl.when(k < n_pairs - 1)
            def _():
                fire(c + 2, 0)

            drain(c + 1, 1)
            sq = compute(c + 1, 1, sq)

            @pl.when(k < n_pairs - 1)
            def _():
                fire(c + 3, 1)

            return sq

        sq = lax.fori_loop(0, n_pairs, pair_body, sq)

        total = sq[0]
        for j in range(1, n_vregs):
            total = total + sq[j]
        out_v[...] = total
        pltpu.sync_copy(out_v, out_hbm.at[wid])

    return sc_kernel


def kernel(emb, center_words, center_words_len, mwe_words):
    V, D = emb.shape
    B, L = center_words.shape
    sc = _build_sc_kernel(V, D, B, L)
    partials = sc(emb, center_words, center_words_len, mwe_words)
    return jnp.sum(partials) / jnp.float32(B * D)

# --- scband reference (transcript-rebuilt; emitter-appended) ---
"""Pipeline reference for scband-mwemean-square-error-task-model-15401752723631 (READ-ONLY COPY).

The authoritative reference and input builder live on the scoring server;
editing this copy changes nothing except your own understanding.
"""

import jax, jax.numpy as jnp
import numpy as np

VOCAB = 100000
D = 128
B = 4096
L = 20


def setup_inputs(seed: int = 0) -> dict:
    key = jax.random.key(seed)
    k1, k2, k3, k4 = jax.random.split(key, 4)
    # learned embedding table (embedding_function.center_embeddings weight)
    emb = jax.random.normal(k1, (VOCAB, D), dtype=jnp.float32) * 0.02
    center_words = jax.random.randint(k2, (B, L), 0, VOCAB, dtype=jnp.int32)
    # lengths in [1, L] so masked mean is well defined
    center_words_len = jax.random.randint(k3, (B,), 1, L + 1, dtype=jnp.int32)
    mwe_words = jax.random.randint(k4, (B,), 0, VOCAB, dtype=jnp.int32)
    return {
        "emb": emb,
        "center_words": center_words,
        "center_words_len": center_words_len,
        "mwe_words": mwe_words,
    }


def reference(emb, center_words, center_words_len, mwe_words):
    # embedding_function.center_embeddings(center_words): gather rows
    cw_emb = jnp.take(emb, center_words, axis=0)  # [B, L, D]
    # mwe_f: length-masked mean pooling over constituent words
    mask = (jnp.arange(L)[None, :] < center_words_len[:, None]).astype(jnp.float32)  # [B, L]
    summed = jnp.sum(cw_emb * mask[:, :, None], axis=1)  # [B, D]
    denom = jnp.maximum(center_words_len, 1).astype(jnp.float32)[:, None]
    mwe = summed / denom  # [B, D]
    # target: learnt MWE-token embedding
    mwe_words_embeddings = jnp.take(emb, mwe_words, axis=0)  # [B, D]
    # nn.MSELoss(): mean over all elements
    loss = jnp.mean((mwe - mwe_words_embeddings) ** 2)
    return loss

if __name__ == "__main__":
    import jax
    _d = setup_inputs()
    print(jax.jit(kernel)(*tuple(_d.values())))

</pallas_src>

<mosaic_0001>
#map = affine_map<(d0, d1) -> (0, 0)>
#map1 = affine_map<(d0, d1) -> (0)>
module attributes {stable_mosaic.version = 14 : i64} {
  func.func @sc_kernel(%arg0: i32, %arg1: i32, %arg2: memref<100000x128xf32, #tpu.memory_space<hbm>>, %arg3: memref<4096x20xi32, #tpu.memory_space<hbm>>, %arg4: memref<4096xi32, #tpu.memory_space<hbm>>, %arg5: memref<4096xi32, #tpu.memory_space<hbm>>, %arg6: memref<32x16xf32, #tpu.memory_space<hbm>>, %arg7: memref<128x20xi32, #tpu.memory_space<vmem>>, %arg8: memref<2624xi32, #tpu.memory_space<vmem>>, %arg9: memref<32xi32, #tpu.memory_space<vmem>>, %arg10: memref<144xi32, #tpu.memory_space<vmem>>, %arg11: memref<128xi32, #tpu.memory_space<vmem>>, %arg12: memref<320x128xf32, #tpu.memory_space<vmem>>, %arg13: memref<320x128xf32, #tpu.memory_space<vmem>>, %arg14: memref<16x128xf32, #tpu.memory_space<vmem>>, %arg15: memref<16x128xf32, #tpu.memory_space<vmem>>, %arg16: memref<16xf32, #tpu.memory_space<vmem>>, %arg17: memref<!tpu.dma_semaphore, #tpu.memory_space<semaphore_mem>>, %arg18: memref<!tpu.dma_semaphore, #tpu.memory_space<semaphore_mem>>) attributes {dimension_semantics = [#tpu.dimension_semantics<core_parallel>, #tpu.dimension_semantics<subcore_parallel>], iteration_bounds = array<i64: 2, 16>, scalar_prefetch = 0 : i64, scratch_operands = 12 : i64, tpu.core_type = #tpu.core_type<sc_vector_subcore>, window_params = [{transform_indices = #map}, {transform_indices = #map}, {transform_indices = #map1}, {transform_indices = #map1}, {transform_indices = #map}]} {
    %mul3A = arith.constant 2 : i32
    %mul3A_0 = arith.muli %arg1, %mul3A : i32
    %add3A = arith.addi %mul3A_0, %arg0 : i32
    %mul3A_1 = arith.constant 128 : i32
    %mul3A_2 = arith.muli %add3A, %mul3A_1 : i32
    %dma_start3A = arith.constant 0 : i32
    %dma_start3A_3 = tpu.memref_slice %arg3[%mul3A_2, %dma_start3A] : memref<4096x20xi32, #tpu.memory_space<hbm>> -> memref<128x20xi32, #tpu.memory_space<hbm>>
    %dma_start3A_4 = arith.constant 0 : i32
    %dma_start3A_5 = tpu.memref_slice %arg3[%mul3A_2, %dma_start3A_4] : memref<4096x20xi32, #tpu.memory_space<hbm>> -> memref<128x20xi32, #tpu.memory_space<hbm>>
    tpu.enqueue_dma source(%dma_start3A_5 : memref<128x20xi32, #tpu.memory_space<hbm>>) target(%arg7 : memref<128x20xi32, #tpu.memory_space<vmem>>) target_semaphore(%arg17 : memref<!tpu.dma_semaphore, #tpu.memory_space<semaphore_mem>>)
    %dma_start3A_6 = arith.constant 0 : i32
    %dma_start3A_7 = tpu.memref_slice %arg10[%dma_start3A_6] : memref<144xi32, #tpu.memory_space<vmem>> -> memref<128xi32, #tpu.memory_space<vmem>>
    %dma_start3A_8 = tpu.memref_slice %arg4[%mul3A_2] : memref<4096xi32, #tpu.memory_space<hbm>> -> memref<128xi32, #tpu.memory_space<hbm>>
    %dma_start3A_9 = arith.constant 0 : i32
    %dma_start3A_10 = tpu.memref_slice %arg10[%dma_start3A_9] : memref<144xi32, #tpu.memory_space<vmem>> -> memref<128xi32, #tpu.memory_space<vmem>>
    %dma_start3A_11 = tpu.memref_slice %arg4[%mul3A_2] : memref<4096xi32, #tpu.memory_space<hbm>> -> memref<128xi32, #tpu.memory_space<hbm>>
    tpu.enqueue_dma source(%dma_start3A_11 : memref<128xi32, #tpu.memory_space<hbm>>) target(%dma_start3A_10 : memref<128xi32, #tpu.memory_space<vmem>>) target_semaphore(%arg17 : memref<!tpu.dma_semaphore, #tpu.memory_space<semaphore_mem>>)
    %dma_start3A_12 = tpu.memref_slice %arg5[%mul3A_2] : memref<4096xi32, #tpu.memory_space<hbm>> -> memref<128xi32, #tpu.memory_space<hbm>>
    %dma_start3A_13 = tpu.memref_slice %arg5[%mul3A_2] : memref<4096xi32, #tpu.memory_space<hbm>> -> memref<128xi32, #tpu.memory_space<hbm>>
    tpu.enqueue_dma source(%dma_start3A_13 : memref<128xi32, #tpu.memory_space<hbm>>) target(%arg11 : memref<128xi32, #tpu.memory_space<vmem>>) target_semaphore(%arg17 : memref<!tpu.dma_semaphore, #tpu.memory_space<semaphore_mem>>)
    %dma_wait3A = arith.constant 0 : i32
    %dma_wait3A_14 = tpu.memref_slice %arg3[%mul3A_2, %dma_wait3A] : memref<4096x20xi32, #tpu.memory_space<hbm>> -> memref<128x20xi32, #tpu.memory_space<hbm>>
    %dma_wait3A_15 = arith.constant 0 : i32
    %dma_wait3A_16 = tpu.memref_slice %arg3[%mul3A_2, %dma_wait3A_15] : memref<4096x20xi32, #tpu.memory_space<hbm>> -> memref<128x20xi32, #tpu.memory_space<hbm>>
    tpu.wait_dma2 semaphore(%arg17 : memref<!tpu.dma_semaphore, #tpu.memory_space<semaphore_mem>>) src(%dma_wait3A_16 : memref<128x20xi32, #tpu.memory_space<hbm>>) dst(%arg7 : memref<128x20xi32, #tpu.memory_space<vmem>>)
    %dma_wait3A_17 = arith.constant 0 : i32
    %dma_wait3A_18 = tpu.memref_slice %arg10[%dma_wait3A_17] : memref<144xi32, #tpu.memory_space<vmem>> -> memref<128xi32, #tpu.memory_space<vmem>>
    %dma_wait3A_19 = tpu.memref_slice %arg4[%mul3A_2] : memref<4096xi32, #tpu.memory_space<hbm>> -> memref<128xi32, #tpu.memory_space<hbm>>
    %dma_wait3A_20 = arith.constant 0 : i32
    %dma_wait3A_21 = tpu.memref_slice %arg10[%dma_wait3A_20] : memref<144xi32, #tpu.memory_space<vmem>> -> memref<128xi32, #tpu.memory_space<vmem>>
    %dma_wait3A_22 = tpu.memref_slice %arg4[%mul3A_2] : memref<4096xi32, #tpu.memory_space<hbm>> -> memref<128xi32, #tpu.memory_space<hbm>>
    tpu.wait_dma2 semaphore(%arg17 : memref<!tpu.dma_semaphore, #tpu.memory_space<semaphore_mem>>) src(%dma_wait3A_22 : memref<128xi32, #tpu.memory_space<hbm>>) dst(%dma_wait3A_21 : memref<128xi32, #tpu.memory_space<vmem>>)
    %dma_wait3A_23 = tpu.memref_slice %arg5[%mul3A_2] : memref<4096xi32, #tpu.memory_space<hbm>> -> memref<128xi32, #tpu.memory_space<hbm>>
    %dma_wait3A_24 = tpu.memref_slice %arg5[%mul3A_2] : memref<4096xi32, #tpu.memory_space<hbm>> -> memref<128xi32, #tpu.memory_space<hbm>>
    tpu.wait_dma2 semaphore(%arg17 : memref<!tpu.dma_semaphore, #tpu.memory_space<semaphore_mem>>) src(%dma_wait3A_24 : memref<128xi32, #tpu.memory_space<hbm>>) dst(%arg11 : memref<128xi32, #tpu.memory_space<vmem>>)
    %broadcast_in_dim3A = arith.constant 0.000000e+00 : f32
    %broadcast_in_dim3A_25 = vector.broadcast %broadcast_in_dim3A : f32 to vector<16xf32>
    %broadcast_in_dim3A_26 = arith.constant 0 : i32
    %broadcast_in_dim3A_27 = vector.broadcast %broadcast_in_dim3A_26 : i32 to vector<16xi32>
    %iota3A = tpu.iota {dimensions = array<i32: 0>} : vector<16xi32>
    %scan3A = arith.constant 0 : i32
    %scan3A_28 = arith.constant 0 : i32
    %scan3A_29 = arith.constant 16 : i32
    %scan3A_30 = arith.addi %scan3A_28, %scan3A_29 : i32
    %scan3A_31 = arith.constant 1 : i32
    %scan3A_32 = scf.for %scan3A_650 = %scan3A_28 to %scan3A_30 step %scan3A_31 iter_args(%scan3A_651 = %scan3A) -> (i32)  : i32 {
      %add3A_652 = arith.constant 0 : i32
      %add3A_653 = arith.addi %add3A_652, %scan3A_650 : i32
      %get3A = arith.index_cast %add3A_653 : i32 to index
      %get3A_654 = tpu.vector_load %arg10[%get3A] {strides = array<i32>} : memref<144xi32, #tpu.memory_space<vmem>>, vector<16xi32>,
      %get3A_655 = vector.shape_cast %get3A_654 : vector<16xi32> to vector<16xi32>
      %slice3A = vector.extract_strided_slice %get3A_655 {offsets = [0], sizes = [1], strides = [1]} : vector<16xi32> to vector<1xi32>
      %squeeze3A = vector.extract %slice3A[0] : i32 from vector<1xi32>
      %add3A_656 = arith.constant 0 : i32
      %add3A_657 = arith.addi %add3A_656, %scan3A_650 : i32
      %get3A_658 = arith.index_cast %add3A_657 : i32 to index
      %get3A_659 = arith.constant 0 : index
      %get3A_660 = tpu.vector_load %arg7[%get3A_658, %get3A_659] {strides = array<i32>} : memref<128x20xi32, #tpu.memory_space<vmem>>, vector<1x16xi32>,
      %get3A_661 = vector.shape_cast %get3A_660 : vector<1x16xi32> to vector<16xi32>
      %get3A_662 = arith.index_cast %add3A_657 : i32 to index
      %get3A_663 = arith.constant 4 : index
      %get3A_664 = tpu.vector_load %arg7[%get3A_662, %get3A_663] {strides = array<i32>} : memref<128x20xi32, #tpu.memory_space<vmem>>, vector<1x16xi32>,
      %get3A_665 = vector.shape_cast %get3A_664 : vector<1x16xi32> to vector<16xi32>
      %swap3A_666 = arith.index_cast %scan3A_651 : i32 to index
      %swap3A_667 = tpu.vector_load %arg8[%swap3A_666] {strides = array<i32>} : memref<2624xi32, #tpu.memory_space<vmem>>, vector<16xi32>,
      %swap3A_668 = vector.shape_cast %swap3A_667 : vector<16xi32> to vector<16xi32>
      %swap3A_669 = vector.shape_cast %get3A_661 : vector<16xi32> to vector<16xi32>
      tpu.vector_store %arg8[%swap3A_666], %swap3A_669 {strides = array<i32>} : memref<2624xi32, #tpu.memory_space<vmem>>, vector<16xi32>,
      %add3A_670 = arith.constant 4 : i32
      %add3A_671 = arith.addi %scan3A_651, %add3A_670 : i32
      %swap3A_672 = arith.index_cast %add3A_671 : i32 to index
      %swap3A_673 = tpu.vector_load %arg8[%swap3A_672] {strides = array<i32>} : memref<2624xi32, #tpu.memory_space<vmem>>, vector<16xi32>,
      %swap3A_674 = vector.shape_cast %swap3A_673 : vector<16xi32> to vector<16xi32>
      %swap3A_675 = vector.shape_cast %get3A_665 : vector<16xi32> to vector<16xi32>
      tpu.vector_store %arg8[%swap3A_672], %swap3A_675 {strides = array<i32>} : memref<2624xi32, #tpu.memory_space<vmem>>, vector<16xi32>,
      %add3A_676 = arith.addi %scan3A_651, %squeeze3A : i32
      scf.yield %add3A_676 : i32
    }
    %scan3A_33 = arith.constant 16 : i32
    %mul3A_34 = arith.constant 8 : i32
    %mul3A_35 = arith.muli %add3A, %mul3A_34 : i32
    %add3A_36 = arith.constant 0 : i32
    %add3A_37 = arith.addi %mul3A_35, %add3A_36 : i32
    %mul3A_38 = arith.constant 2 : i32
    %mul3A_39 = arith.muli %add3A_37, %mul3A_38 : i32
    %mul3A_40 = arith.constant 16 : i32
    %mul3A_41 = arith.muli %mul3A_39, %mul3A_40 : i32
    %add3A_42 = vector.broadcast %mul3A_41 : i32 to vector<16xi32>
    %add3A_43 = arith.addi %iota3A, %add3A_42 : vector<16xi32>
    %swap3A = arith.index_cast %scan3A_32 : i32 to index
    %swap3A_44 = tpu.vector_load %arg8[%swap3A] {strides = array<i32>} : memref<2624xi32, #tpu.memory_space<vmem>>, vector<16xi32>,
    %swap3A_45 = vector.shape_cast %swap3A_44 : vector<16xi32> to vector<16xi32>
    %swap3A_46 = vector.shape_cast %add3A_43 : vector<16xi32> to vector<16xi32>
    tpu.vector_store %arg8[%swap3A], %swap3A_46 {strides = array<i32>} : memref<2624xi32, #tpu.memory_space<vmem>>, vector<16xi32>,
    %add3A_47 = arith.constant 16 : i32
    %add3A_48 = vector.broadcast %add3A_47 : i32 to vector<16xi32>
    %add3A_49 = arith.addi %add3A_43, %add3A_48 : vector<16xi32>
    %add3A_50 = arith.constant 16 : i32
    %add3A_51 = arith.addi %scan3A_32, %add3A_50 : i32
    %swap3A_52 = arith.index_cast %add3A_51 : i32 to index
    %swap3A_53 = tpu.vector_load %arg8[%swap3A_52] {strides = array<i32>} : memref<2624xi32, #tpu.memory_space<vmem>>, vector<16xi32>,
    %swap3A_54 = vector.shape_cast %swap3A_53 : vector<16xi32> to vector<16xi32>
    %swap3A_55 = vector.shape_cast %add3A_49 : vector<16xi32> to vector<16xi32>
    tpu.vector_store %arg8[%swap3A_52], %swap3A_55 {strides = array<i32>} : memref<2624xi32, #tpu.memory_space<vmem>>, vector<16xi32>,
    %sub3A = arith.constant 0 : i32
    %sub3A_56 = arith.subi %scan3A_32, %sub3A : i32
    %add3A_57 = arith.constant 31 : i32
    %add3A_58 = arith.addi %sub3A_56, %add3A_57 : i32
    %jit3A = arith.constant 32 : i32
    %div3A = arith.divsi %add3A_58, %jit3A : i32
    %sign3A = arith.constant 0 : i32
    %sign3A_59 = arith.cmpi sgt, %add3A_58, %sign3A : i32
    %sign3A_60 = arith.extui %sign3A_59 : i1 to i32
    %sign3A_61 = arith.constant 0 : i32
    %sign3A_62 = arith.cmpi slt, %add3A_58, %sign3A_61 : i32
    %sign3A_63 = arith.extui %sign3A_62 : i1 to i32
    %sign3A_64 = arith.subi %sign3A_60, %sign3A_63 : i32
    %sign3A_65 = arith.constant 0 : i32
    %sign3A_66 = arith.cmpi sgt, %jit3A, %sign3A_65 : i32
    %sign3A_67 = arith.extui %sign3A_66 : i1 to i32
    %sign3A_68 = arith.constant 0 : i32
    %sign3A_69 = arith.cmpi slt, %jit3A, %sign3A_68 : i32
    %sign3A_70 = arith.extui %sign3A_69 : i1 to i32
    %sign3A_71 = arith.subi %sign3A_67, %sign3A_70 : i32
    %ne3A = arith.cmpi ne, %sign3A_64, %sign3A_71 : i32
    %rem3A = arith.remsi %add3A_58, %jit3A : i32
    %ne3A_72 = arith.constant 0 : i32
    %ne3A_73 = arith.cmpi ne, %rem3A, %ne3A_72 : i32
    %and3A = arith.andi %ne3A, %ne3A_73 : i1
    %sub3A_74 = arith.constant 1 : i32
    %sub3A_75 = arith.subi %div3A, %sub3A_74 : i32
    %select_n3A = arith.select %and3A, %sub3A_75, %div3A : i32
    %eq3A = arith.constant 0 : i32
    %eq3A_76 = vector.broadcast %eq3A : i32 to vector<16xi32>
    %eq3A_77 = arith.cmpi eq, %iota3A, %eq3A_76 : vector<16xi32>
    %broadcast_in_dim3A_78 = vector.broadcast %select_n3A : i32 to vector<16xi32>
    %select_n3A_79 = arith.select %eq3A_77, %broadcast_in_dim3A_78, %broadcast_in_dim3A_27 : vector<16xi1>, vector<16xi32>
    %scan3A_80 = arith.constant 320 : i32
    %scan3A_81 = arith.constant 0 : i32
    %scan3A_82 = arith.constant 16 : i32
    %scan3A_83 = arith.addi %scan3A_81, %scan3A_82 : i32
    %scan3A_84 = arith.constant 1 : i32
    %scan3A_85 = scf.for %scan3A_650 = %scan3A_81 to %scan3A_83 step %scan3A_84 iter_args(%scan3A_651 = %scan3A_80) -> (i32)  : i32 {
      %add3A_652 = arith.constant 16 : i32
      %add3A_653 = arith.addi %add3A_652, %scan3A_650 : i32
      %get3A = arith.index_cast %add3A_653 : i32 to index
      %get3A_654 = tpu.vector_load %arg10[%get3A] {strides = array<i32>} : memref<144xi32, #tpu.memory_space<vmem>>, vector<16xi32>,
      %get3A_655 = vector.shape_cast %get3A_654 : vector<16xi32> to vector<16xi32>
      %slice3A = vector.extract_strided_slice %get3A_655 {offsets = [0], sizes = [1], strides = [1]} : vector<16xi32> to vector<1xi32>
      %squeeze3A = vector.extract %slice3A[0] : i32 from vector<1xi32>
      %add3A_656 = arith.constant 16 : i32
      %add3A_657 = arith.addi %add3A_656, %scan3A_650 : i32
      %get3A_658 = arith.index_cast %add3A_657 : i32 to index
      %get3A_659 = arith.constant 0 : index
      %get3A_660 = tpu.vector_load %arg7[%get3A_658, %get3A_659] {strides = array<i32>} : memref<128x20xi32, #tpu.memory_space<vmem>>, vector<1x16xi32>,
      %get3A_661 = vector.shape_cast %get3A_660 : vector<1x16xi32> to vector<16xi32>
      %get3A_662 = arith.index_cast %add3A_657 : i32 to index
      %get3A_663 = arith.constant 4 : index
      %get3A_664 = tpu.vector_load %arg7[%get3A_662, %get3A_663] {strides = array<i32>} : memref<128x20xi32, #tpu.memory_space<vmem>>, vector<1x16xi32>,
      %get3A_665 = vector.shape_cast %get3A_664 : vector<1x16xi32> to vector<16xi32>
      %swap3A_666 = arith.index_cast %scan3A_651 : i32 to index
      %swap3A_667 = tpu.vector_load %arg8[%swap3A_666] {strides = array<i32>} : memref<2624xi32, #tpu.memory_space<vmem>>, vector<16xi32>,
      %swap3A_668 = vector.shape_cast %swap3A_667 : vector<16xi32> to vector<16xi32>
      %swap3A_669 = vector.shape_cast %get3A_661 : vector<16xi32> to vector<16xi32>
      tpu.vector_store %arg8[%swap3A_666], %swap3A_669 {strides = array<i32>} : memref<2624xi32, #tpu.memory_space<vmem>>, vector<16xi32>,
      %add3A_670 = arith.constant 4 : i32
      %add3A_671 = arith.addi %scan3A_651, %add3A_670 : i32
      %swap3A_672 = arith.index_cast %add3A_671 : i32 to index
      %swap3A_673 = tpu.vector_load %arg8[%swap3A_672] {strides = array<i32>} : memref<2624xi32, #tpu.memory_space<vmem>>, vector<16xi32>,
      %swap3A_674 = vector.shape_cast %swap3A_673 : vector<16xi32> to vector<16xi32>
      %swap3A_675 = vector.shape_cast %get3A_665 : vector<16xi32> to vector<16xi32>
      tpu.vector_store %arg8[%swap3A_672], %swap3A_675 {strides = array<i32>} : memref<2624xi32, #tpu.memory_space<vmem>>, vector<16xi32>,
      %add3A_676 = arith.addi %scan3A_651, %squeeze3A : i32
      scf.yield %add3A_676 : i32
    }
    %scan3A_86 = arith.constant 16 : i32
    %mul3A_87 = arith.constant 8 : i32
    %mul3A_88 = arith.muli %add3A, %mul3A_87 : i32
    %add3A_89 = arith.constant 1 : i32
    %add3A_90 = arith.addi %mul3A_88, %add3A_89 : i32
    %mul3A_91 = arith.constant 2 : i32
    %mul3A_92 = arith.muli %add3A_90, %mul3A_91 : i32
    %mul3A_93 = arith.constant 16 : i32
    %mul3A_94 = arith.muli %mul3A_92, %mul3A_93 : i32
    %add3A_95 = vector.broadcast %mul3A_94 : i32 to vector<16xi32>
    %add3A_96 = arith.addi %iota3A, %add3A_95 : vector<16xi32>
    %swap3A_97 = arith.index_cast %scan3A_85 : i32 to index
    %swap3A_98 = tpu.vector_load %arg8[%swap3A_97] {strides = array<i32>} : memref<2624xi32, #tpu.memory_space<vmem>>, vector<16xi32>,
    %swap3A_99 = vector.shape_cast %swap3A_98 : vector<16xi32> to vector<16xi32>
    %swap3A_100 = vector.shape_cast %add3A_96 : vector<16xi32> to vector<16xi32>
    tpu.vector_store %arg8[%swap3A_97], %swap3A_100 {strides = array<i32>} : memref<2624xi32, #tpu.memory_space<vmem>>, vector<16xi32>,
    %add3A_101 = arith.constant 16 : i32
    %add3A_102 = vector.broadcast %add3A_101 : i32 to vector<16xi32>
    %add3A_103 = arith.addi %add3A_96, %add3A_102 : vector<16xi32>
    %add3A_104 = arith.constant 16 : i32
    %add3A_105 = arith.addi %scan3A_85, %add3A_104 : i32
    %swap3A_106 = arith.index_cast %add3A_105 : i32 to index
    %swap3A_107 = tpu.vector_load %arg8[%swap3A_106] {strides = array<i32>} : memref<2624xi32, #tpu.memory_space<vmem>>, vector<16xi32>,
    %swap3A_108 = vector.shape_cast %swap3A_107 : vector<16xi32> to vector<16xi32>
    %swap3A_109 = vector.shape_cast %add3A_103 : vector<16xi32> to vector<16xi32>
    tpu.vector_store %arg8[%swap3A_106], %swap3A_109 {strides = array<i32>} : memref<2624xi32, #tpu.memory_space<vmem>>, vector<16xi32>,
    %sub3A_110 = arith.constant 320 : i32
    %sub3A_111 = arith.subi %scan3A_85, %sub3A_110 : i32
    %add3A_112 = arith.constant 31 : i32
    %add3A_113 = arith.addi %sub3A_111, %add3A_112 : i32
    %jit3A_114 = arith.constant 32 : i32
    %div3A_115 = arith.divsi %add3A_113, %jit3A_114 : i32
    %sign3A_116 = arith.constant 0 : i32
    %sign3A_117 = arith.cmpi sgt, %add3A_113, %sign3A_116 : i32
    %sign3A_118 = arith.extui %sign3A_117 : i1 to i32
    %sign3A_119 = arith.constant 0 : i32
    %sign3A_120 = arith.cmpi slt, %add3A_113, %sign3A_119 : i32
    %sign3A_121 = arith.extui %sign3A_120 : i1 to i32
    %sign3A_122 = arith.subi %sign3A_118, %sign3A_121 : i32
    %sign3A_123 = arith.constant 0 : i32
    %sign3A_124 = arith.cmpi sgt, %jit3A_114, %sign3A_123 : i32
    %sign3A_125 = arith.extui %sign3A_124 : i1 to i32
    %sign3A_126 = arith.constant 0 : i32
    %sign3A_127 = arith.cmpi slt, %jit3A_114, %sign3A_126 : i32
    %sign3A_128 = arith.extui %sign3A_127 : i1 to i32
    %sign3A_129 = arith.subi %sign3A_125, %sign3A_128 : i32
    %ne3A_130 = arith.cmpi ne, %sign3A_122, %sign3A_129 : i32
    %rem3A_131 = arith.remsi %add3A_113, %jit3A_114 : i32
    %ne3A_132 = arith.constant 0 : i32
    %ne3A_133 = arith.cmpi ne, %rem3A_131, %ne3A_132 : i32
    %and3A_134 = arith.andi %ne3A_130, %ne3A_133 : i1
    %sub3A_135 = arith.constant 1 : i32
    %sub3A_136 = arith.subi %div3A_115, %sub3A_135 : i32
    %select_n3A_137 = arith.select %and3A_134, %sub3A_136, %div3A_115 : i32
    %eq3A_138 = arith.constant 1 : i32
    %eq3A_139 = vector.broadcast %eq3A_138 : i32 to vector<16xi32>
    %eq3A_140 = arith.cmpi eq, %iota3A, %eq3A_139 : vector<16xi32>
    %broadcast_in_dim3A_141 = vector.broadcast %select_n3A_137 : i32 to vector<16xi32>
    %select_n3A_142 = arith.select %eq3A_140, %broadcast_in_dim3A_141, %select_n3A_79 : vector<16xi1>, vector<16xi32>
    %gt3A = arith.constant 0 : i32
    %gt3A_143 = arith.cmpi sgt, %select_n3A, %gt3A : i32
    %convert_element_type3A = arith.extui %gt3A_143 : i1 to i32
    %cond3A = arith.constant 0 : i32
    %cond3A_144 = arith.cmpi ne, %convert_element_type3A, %cond3A : i32
    scf.if %cond3A_144 {
      %multiple_of3A_650 = arith.constant 0 : i32
      %multiple_of3A_651 = tpu.assume_multiple %multiple_of3A_650, 32 : i32
      %dma_start3A_652 = arith.constant 0 : i32
      %dma_start3A_653 = arith.constant 0 : i32
      %dma_start3A_654 = tpu.memref_slice %arg12[%dma_start3A_652, %dma_start3A_653] : memref<320x128xf32, #tpu.memory_space<vmem>> -> memref<32x128xf32, #tpu.memory_space<vmem>>
      %dma_start3A_655 = tpu.memref_slice %arg8[%multiple_of3A_651] : memref<2624xi32, #tpu.memory_space<vmem>> -> memref<32xi32, #tpu.memory_space<vmem>>
      %dma_start3A_656 = arith.constant 0 : i32
      %dma_start3A_657 = arith.constant 0 : i32
      %dma_start3A_658 = tpu.memref_slice %arg2[%dma_start3A_656, %dma_start3A_657] : memref<100000x128xf32, #tpu.memory_space<hbm>> -> memref<100000x128xf32, #tpu.memory_space<hbm>>
      tpu.enqueue_indirect_dma source(%dma_start3A_658 : memref<100000x128xf32, #tpu.memory_space<hbm>>) target(%dma_start3A_654 : memref<32x128xf32, #tpu.memory_space<vmem>>) offsets(%dma_start3A_655 : memref<32xi32, #tpu.memory_space<vmem>>) semaphore(%arg17 : memref<!tpu.dma_semaphore, #tpu.memory_space<semaphore_mem>>)
    } else {
    }
    %gt3A_145 = arith.constant 1 : i32
    %gt3A_146 = arith.cmpi sgt, %select_n3A, %gt3A_145 : i32
    %convert_element_type3A_147 = arith.extui %gt3A_146 : i1 to i32
    %cond3A_148 = arith.constant 0 : i32
    %cond3A_149 = arith.cmpi ne, %convert_element_type3A_147, %cond3A_148 : i32
    scf.if %cond3A_149 {
      %multiple_of3A_650 = arith.constant 32 : i32
      %multiple_of3A_651 = tpu.assume_multiple %multiple_of3A_650, 32 : i32
      %dma_start3A_652 = arith.constant 32 : i32
      %dma_start3A_653 = arith.constant 0 : i32
      %dma_start3A_654 = tpu.memref_slice %arg12[%dma_start3A_652, %dma_start3A_653] : memref<320x128xf32, #tpu.memory_space<vmem>> -> memref<32x128xf32, #tpu.memory_space<vmem>>
      %dma_start3A_655 = tpu.memref_slice %arg8[%multiple_of3A_651] : memref<2624xi32, #tpu.memory_space<vmem>> -> memref<32xi32, #tpu.memory_space<vmem>>
      %dma_start3A_656 = arith.constant 0 : i32
      %dma_start3A_657 = arith.constant 0 : i32
      %dma_start3A_658 = tpu.memref_slice %arg2[%dma_start3A_656, %dma_start3A_657] : memref<100000x128xf32, #tpu.memory_space<hbm>> -> memref<100000x128xf32, #tpu.memory_space<hbm>>
      tpu.enqueue_indirect_dma source(%dma_start3A_658 : memref<100000x128xf32, #tpu.memory_space<hbm>>) target(%dma_start3A_654 : memref<32x128xf32, #tpu.memory_space<vmem>>) offsets(%dma_start3A_655 : memref<32xi32, #tpu.memory_space<vmem>>) semaphore(%arg17 : memref<!tpu.dma_semaphore, #tpu.memory_space<semaphore_mem>>)
    } else {
    }
    %gt3A_150 = arith.constant 2 : i32
    %gt3A_151 = arith.cmpi sgt, %select_n3A, %gt3A_150 : i32
    %convert_element_type3A_152 = arith.extui %gt3A_151 : i1 to i32
    %cond3A_153 = arith.constant 0 : i32
    %cond3A_154 = arith.cmpi ne, %convert_element_type3A_152, %cond3A_153 : i32
    scf.if %cond3A_154 {
      %multiple_of3A_650 = arith.constant 64 : i32
      %multiple_of3A_651 = tpu.assume_multiple %multiple_of3A_650, 32 : i32
      %dma_start3A_652 = arith.constant 64 : i32
      %dma_start3A_653 = arith.constant 0 : i32
      %dma_start3A_654 = tpu.memref_slice %arg12[%dma_start3A_652, %dma_start3A_653] : memref<320x128xf32, #tpu.memory_space<vmem>> -> memref<32x128xf32, #tpu.memory_space<vmem>>
      %dma_start3A_655 = tpu.memref_slice %arg8[%multiple_of3A_651] : memref<2624xi32, #tpu.memory_space<vmem>> -> memref<32xi32, #tpu.memory_space<vmem>>
      %dma_start3A_656 = arith.constant 0 : i32
      %dma_start3A_657 = arith.constant 0 : i32
      %dma_start3A_658 = tpu.memref_slice %arg2[%dma_start3A_656, %dma_start3A_657] : memref<100000x128xf32, #tpu.memory_space<hbm>> -> memref<100000x128xf32, #tpu.memory_space<hbm>>
      tpu.enqueue_indirect_dma source(%dma_start3A_658 : memref<100000x128xf32, #tpu.memory_space<hbm>>) target(%dma_start3A_654 : memref<32x128xf32, #tpu.memory_space<vmem>>) offsets(%dma_start3A_655 : memref<32xi32, #tpu.memory_space<vmem>>) semaphore(%arg17 : memref<!tpu.dma_semaphore, #tpu.memory_space<semaphore_mem>>)
    } else {
    }
    %gt3A_155 = arith.constant 3 : i32
    %gt3A_156 = arith.cmpi sgt, %select_n3A, %gt3A_155 : i32
    %convert_element_type3A_157 = arith.extui %gt3A_156 : i1 to i32
    %cond3A_158 = arith.constant 0 : i32
    %cond3A_159 = arith.cmpi ne, %convert_element_type3A_157, %cond3A_158 : i32
    scf.if %cond3A_159 {
      %multiple_of3A_650 = arith.constant 96 : i32
      %multiple_of3A_651 = tpu.assume_multiple %multiple_of3A_650, 32 : i32
      %dma_start3A_652 = arith.constant 96 : i32
      %dma_start3A_653 = arith.constant 0 : i32
      %dma_start3A_654 = tpu.memref_slice %arg12[%dma_start3A_652, %dma_start3A_653] : memref<320x128xf32, #tpu.memory_space<vmem>> -> memref<32x128xf32, #tpu.memory_space<vmem>>
      %dma_start3A_655 = tpu.memref_slice %arg8[%multiple_of3A_651] : memref<2624xi32, #tpu.memory_space<vmem>> -> memref<32xi32, #tpu.memory_space<vmem>>
      %dma_start3A_656 = arith.constant 0 : i32
      %dma_start3A_657 = arith.constant 0 : i32
      %dma_start3A_658 = tpu.memref_slice %arg2[%dma_start3A_656, %dma_start3A_657] : memref<100000x128xf32, #tpu.memory_space<hbm>> -> memref<100000x128xf32, #tpu.memory_space<hbm>>
      tpu.enqueue_indirect_dma source(%dma_start3A_658 : memref<100000x128xf32, #tpu.memory_space<hbm>>) target(%dma_start3A_654 : memref<32x128xf32, #tpu.memory_space<vmem>>) offsets(%dma_start3A_655 : memref<32xi32, #tpu.memory_space<vmem>>) semaphore(%arg17 : memref<!tpu.dma_semaphore, #tpu.memory_space<semaphore_mem>>)
    } else {
    }
    %gt3A_160 = arith.constant 4 : i32
    %gt3A_161 = arith.cmpi sgt, %select_n3A, %gt3A_160 : i32
    %convert_element_type3A_162 = arith.extui %gt3A_161 : i1 to i32
    %cond3A_163 = arith.constant 0 : i32
    %cond3A_164 = arith.cmpi ne, %convert_element_type3A_162, %cond3A_163 : i32
    scf.if %cond3A_164 {
      %multiple_of3A_650 = arith.constant 128 : i32
      %multiple_of3A_651 = tpu.assume_multiple %multiple_of3A_650, 32 : i32
      %dma_start3A_652 = arith.constant 128 : i32
      %dma_start3A_653 = arith.constant 0 : i32
      %dma_start3A_654 = tpu.memref_slice %arg12[%dma_start3A_652, %dma_start3A_653] : memref<320x128xf32, #tpu.memory_space<vmem>> -> memref<32x128xf32, #tpu.memory_space<vmem>>
      %dma_start3A_655 = tpu.memref_slice %arg8[%multiple_of3A_651] : memref<2624xi32, #tpu.memory_space<vmem>> -> memref<32xi32, #tpu.memory_space<vmem>>
      %dma_start3A_656 = arith.constant 0 : i32
      %dma_start3A_657 = arith.constant 0 : i32
      %dma_start3A_658 = tpu.memref_slice %arg2[%dma_start3A_656, %dma_start3A_657] : memref<100000x128xf32, #tpu.memory_space<hbm>> -> memref<100000x128xf32, #tpu.memory_space<hbm>>
      tpu.enqueue_indirect_dma source(%dma_start3A_658 : memref<100000x128xf32, #tpu.memory_space<hbm>>) target(%dma_start3A_654 : memref<32x128xf32, #tpu.memory_space<vmem>>) offsets(%dma_start3A_655 : memref<32xi32, #tpu.memory_space<vmem>>) semaphore(%arg17 : memref<!tpu.dma_semaphore, #tpu.memory_space<semaphore_mem>>)
    } else {
    }
    %gt3A_165 = arith.constant 5 : i32
    %gt3A_166 = arith.cmpi sgt, %select_n3A, %gt3A_165 : i32
    %convert_element_type3A_167 = arith.extui %gt3A_166 : i1 to i32
    %cond3A_168 = arith.constant 0 : i32
    %cond3A_169 = arith.cmpi ne, %convert_element_type3A_167, %cond3A_168 : i32
    scf.if %cond3A_169 {
      %multiple_of3A_650 = arith.constant 160 : i32
      %multiple_of3A_651 = tpu.assume_multiple %multiple_of3A_650, 32 : i32
      %dma_start3A_652 = arith.constant 160 : i32
      %dma_start3A_653 = arith.constant 0 : i32
      %dma_start3A_654 = tpu.memref_slice %arg12[%dma_start3A_652, %dma_start3A_653] : memref<320x128xf32, #tpu.memory_space<vmem>> -> memref<32x128xf32, #tpu.memory_space<vmem>>
      %dma_start3A_655 = tpu.memref_slice %arg8[%multiple_of3A_651] : memref<2624xi32, #tpu.memory_space<vmem>> -> memref<32xi32, #tpu.memory_space<vmem>>
      %dma_start3A_656 = arith.constant 0 : i32
      %dma_start3A_657 = arith.constant 0 : i32
      %dma_start3A_658 = tpu.memref_slice %arg2[%dma_start3A_656, %dma_start3A_657] : memref<100000x128xf32, #tpu.memory_space<hbm>> -> memref<100000x128xf32, #tpu.memory_space<hbm>>
      tpu.enqueue_indirect_dma source(%dma_start3A_658 : memref<100000x128xf32, #tpu.memory_space<hbm>>) target(%dma_start3A_654 : memref<32x128xf32, #tpu.memory_space<vmem>>) offsets(%dma_start3A_655 : memref<32xi32, #tpu.memory_space<vmem>>) semaphore(%arg17 : memref<!tpu.dma_semaphore, #tpu.memory_space<semaphore_mem>>)
    } else {
    }
    %gt3A_170 = arith.constant 6 : i32
    %gt3A_171 = arith.cmpi sgt, %select_n3A, %gt3A_170 : i32
    %convert_element_type3A_172 = arith.extui %gt3A_171 : i1 to i32
    %cond3A_173 = arith.constant 0 : i32
    %cond3A_174 = arith.cmpi ne, %convert_element_type3A_172, %cond3A_173 : i32
    scf.if %cond3A_174 {
      %multiple_of3A_650 = arith.constant 192 : i32
      %multiple_of3A_651 = tpu.assume_multiple %multiple_of3A_650, 32 : i32
      %dma_start3A_652 = arith.constant 192 : i32
      %dma_start3A_653 = arith.constant 0 : i32
      %dma_start3A_654 = tpu.memref_slice %arg12[%dma_start3A_652, %dma_start3A_653] : memref<320x128xf32, #tpu.memory_space<vmem>> -> memref<32x128xf32, #tpu.memory_space<vmem>>
      %dma_start3A_655 = tpu.memref_slice %arg8[%multiple_of3A_651] : memref<2624xi32, #tpu.memory_space<vmem>> -> memref<32xi32, #tpu.memory_space<vmem>>
      %dma_start3A_656 = arith.constant 0 : i32
      %dma_start3A_657 = arith.constant 0 : i32
      %dma_start3A_658 = tpu.memref_slice %arg2[%dma_start3A_656, %dma_start3A_657] : memref<100000x128xf32, #tpu.memory_space<hbm>> -> memref<100000x128xf32, #tpu.memory_space<hbm>>
      tpu.enqueue_indirect_dma source(%dma_start3A_658 : memref<100000x128xf32, #tpu.memory_space<hbm>>) target(%dma_start3A_654 : memref<32x128xf32, #tpu.memory_space<vmem>>) offsets(%dma_start3A_655 : memref<32xi32, #tpu.memory_space<vmem>>) semaphore(%arg17 : memref<!tpu.dma_semaphore, #tpu.memory_space<semaphore_mem>>)
    } else {
    }
    %gt3A_175 = arith.constant 7 : i32
    %gt3A_176 = arith.cmpi sgt, %select_n3A, %gt3A_175 : i32
    %convert_element_type3A_177 = arith.extui %gt3A_176 : i1 to i32
    %cond3A_178 = arith.constant 0 : i32
    %cond3A_179 = arith.cmpi ne, %convert_element_type3A_177, %cond3A_178 : i32
    scf.if %cond3A_179 {
      %multiple_of3A_650 = arith.constant 224 : i32
      %multiple_of3A_651 = tpu.assume_multiple %multiple_of3A_650, 32 : i32
      %dma_start3A_652 = arith.constant 224 : i32
      %dma_start3A_653 = arith.constant 0 : i32
      %dma_start3A_654 = tpu.memref_slice %arg12[%dma_start3A_652, %dma_start3A_653] : memref<320x128xf32, #tpu.memory_space<vmem>> -> memref<32x128xf32, #tpu.memory_space<vmem>>
      %dma_start3A_655 = tpu.memref_slice %arg8[%multiple_of3A_651] : memref<2624xi32, #tpu.memory_space<vmem>> -> memref<32xi32, #tpu.memory_space<vmem>>
      %dma_start3A_656 = arith.constant 0 : i32
      %dma_start3A_657 = arith.constant 0 : i32
      %dma_start3A_658 = tpu.memref_slice %arg2[%dma_start3A_656, %dma_start3A_657] : memref<100000x128xf32, #tpu.memory_space<hbm>> -> memref<100000x128xf32, #tpu.memory_space<hbm>>
      tpu.enqueue_indirect_dma source(%dma_start3A_658 : memref<100000x128xf32, #tpu.memory_space<hbm>>) target(%dma_start3A_654 : memref<32x128xf32, #tpu.memory_space<vmem>>) offsets(%dma_start3A_655 : memref<32xi32, #tpu.memory_space<vmem>>) semaphore(%arg17 : memref<!tpu.dma_semaphore, #tpu.memory_space<semaphore_mem>>)
    } else {
    }
    %gt3A_180 = arith.constant 8 : i32
    %gt3A_181 = arith.cmpi sgt, %select_n3A, %gt3A_180 : i32
    %convert_element_type3A_182 = arith.extui %gt3A_181 : i1 to i32
    %cond3A_183 = arith.constant 0 : i32
    %cond3A_184 = arith.cmpi ne, %convert_element_type3A_182, %cond3A_183 : i32
    scf.if %cond3A_184 {
      %multiple_of3A_650 = arith.constant 256 : i32
      %multiple_of3A_651 = tpu.assume_multiple %multiple_of3A_650, 32 : i32
      %dma_start3A_652 = arith.constant 256 : i32
      %dma_start3A_653 = arith.constant 0 : i32
      %dma_start3A_654 = tpu.memref_slice %arg12[%dma_start3A_652, %dma_start3A_653] : memref<320x128xf32, #tpu.memory_space<vmem>> -> memref<32x128xf32, #tpu.memory_space<vmem>>
      %dma_start3A_655 = tpu.memref_slice %arg8[%multiple_of3A_651] : memref<2624xi32, #tpu.memory_space<vmem>> -> memref<32xi32, #tpu.memory_space<vmem>>
      %dma_start3A_656 = arith.constant 0 : i32
      %dma_start3A_657 = arith.constant 0 : i32
      %dma_start3A_658 = tpu.memref_slice %arg2[%dma_start3A_656, %dma_start3A_657] : memref<100000x128xf32, #tpu.memory_space<hbm>> -> memref<100000x128xf32, #tpu.memory_space<hbm>>
      tpu.enqueue_indirect_dma source(%dma_start3A_658 : memref<100000x128xf32, #tpu.memory_space<hbm>>) target(%dma_start3A_654 : memref<32x128xf32, #tpu.memory_space<vmem>>) offsets(%dma_start3A_655 : memref<32xi32, #tpu.memory_space<vmem>>) semaphore(%arg17 : memref<!tpu.dma_semaphore, #tpu.memory_space<semaphore_mem>>)
    } else {
    }
    %gt3A_185 = arith.constant 9 : i32
    %gt3A_186 = arith.cmpi sgt, %select_n3A, %gt3A_185 : i32
    %convert_element_type3A_187 = arith.extui %gt3A_186 : i1 to i32
    %cond3A_188 = arith.constant 0 : i32
    %cond3A_189 = arith.cmpi ne, %convert_element_type3A_187, %cond3A_188 : i32
    scf.if %cond3A_189 {
      %multiple_of3A_650 = arith.constant 288 : i32
      %multiple_of3A_651 = tpu.assume_multiple %multiple_of3A_650, 32 : i32
      %dma_start3A_652 = arith.constant 288 : i32
      %dma_start3A_653 = arith.constant 0 : i32
      %dma_start3A_654 = tpu.memref_slice %arg12[%dma_start3A_652, %dma_start3A_653] : memref<320x128xf32, #tpu.memory_space<vmem>> -> memref<32x128xf32, #tpu.memory_space<vmem>>
      %dma_start3A_655 = tpu.memref_slice %arg8[%multiple_of3A_651] : memref<2624xi32, #tpu.memory_space<vmem>> -> memref<32xi32, #tpu.memory_space<vmem>>
      %dma_start3A_656 = arith.constant 0 : i32
      %dma_start3A_657 = arith.constant 0 : i32
      %dma_start3A_658 = tpu.memref_slice %arg2[%dma_start3A_656, %dma_start3A_657] : memref<100000x128xf32, #tpu.memory_space<hbm>> -> memref<100000x128xf32, #tpu.memory_space<hbm>>
      tpu.enqueue_indirect_dma source(%dma_start3A_658 : memref<100000x128xf32, #tpu.memory_space<hbm>>) target(%dma_start3A_654 : memref<32x128xf32, #tpu.memory_space<vmem>>) offsets(%dma_start3A_655 : memref<32xi32, #tpu.memory_space<vmem>>) semaphore(%arg17 : memref<!tpu.dma_semaphore, #tpu.memory_space<semaphore_mem>>)
    } else {
    }
    %multiple_of3A = arith.constant 0 : i32
    %multiple_of3A_190 = tpu.assume_multiple %multiple_of3A, 16 : i32
    %dma_start3A_191 = tpu.memref_slice %arg11[%multiple_of3A_190] : memref<128xi32, #tpu.memory_space<vmem>> -> memref<16xi32, #tpu.memory_space<vmem>>
    %dma_start3A_192 = arith.constant 0 : i32
    %dma_start3A_193 = arith.constant 0 : i32
    %dma_start3A_194 = tpu.memref_slice %arg2[%dma_start3A_192, %dma_start3A_193] : memref<100000x128xf32, #tpu.memory_space<hbm>> -> memref<100000x128xf32, #tpu.memory_space<hbm>>
    tpu.enqueue_indirect_dma source(%dma_start3A_194 : memref<100000x128xf32, #tpu.memory_space<hbm>>) target(%arg14 : memref<16x128xf32, #tpu.memory_space<vmem>>) offsets(%dma_start3A_191 : memref<16xi32, #tpu.memory_space<vmem>>) semaphore(%arg17 : memref<!tpu.dma_semaphore, #tpu.memory_space<semaphore_mem>>)
    %gt3A_195 = arith.constant 0 : i32
    %gt3A_196 = arith.cmpi sgt, %select_n3A_137, %gt3A_195 : i32
    %convert_element_type3A_197 = arith.extui %gt3A_196 : i1 to i32
    %cond3A_198 = arith.constant 0 : i32
    %cond3A_199 = arith.cmpi ne, %convert_element_type3A_197, %cond3A_198 : i32
    scf.if %cond3A_199 {
      %multiple_of3A_650 = arith.constant 320 : i32
      %multiple_of3A_651 = tpu.assume_multiple %multiple_of3A_650, 32 : i32
      %dma_start3A_652 = arith.constant 0 : i32
      %dma_start3A_653 = arith.constant 0 : i32
      %dma_start3A_654 = tpu.memref_slice %arg13[%dma_start3A_652, %dma_start3A_653] : memref<320x128xf32, #tpu.memory_space<vmem>> -> memref<32x128xf32, #tpu.memory_space<vmem>>
      %dma_start3A_655 = tpu.memref_slice %arg8[%multiple_of3A_651] : memref<2624xi32, #tpu.memory_space<vmem>> -> memref<32xi32, #tpu.memory_space<vmem>>
      %dma_start3A_656 = arith.constant 0 : i32
      %dma_start3A_657 = arith.constant 0 : i32
      %dma_start3A_658 = tpu.memref_slice %arg2[%dma_start3A_656, %dma_start3A_657] : memref<100000x128xf32, #tpu.memory_space<hbm>> -> memref<100000x128xf32, #tpu.memory_space<hbm>>
      tpu.enqueue_indirect_dma source(%dma_start3A_658 : memref<100000x128xf32, #tpu.memory_space<hbm>>) target(%dma_start3A_654 : memref<32x128xf32, #tpu.memory_space<vmem>>) offsets(%dma_start3A_655 : memref<32xi32, #tpu.memory_space<vmem>>) semaphore(%arg18 : memref<!tpu.dma_semaphore, #tpu.memory_space<semaphore_mem>>)
    } else {
    }
    %gt3A_200 = arith.constant 1 : i32
    %gt3A_201 = arith.cmpi sgt, %select_n3A_137, %gt3A_200 : i32
    %convert_element_type3A_202 = arith.extui %gt3A_201 : i1 to i32
    %cond3A_203 = arith.constant 0 : i32
    %cond3A_204 = arith.cmpi ne, %convert_element_type3A_202, %cond3A_203 : i32
    scf.if %cond3A_204 {
      %multiple_of3A_650 = arith.constant 352 : i32
      %multiple_of3A_651 = tpu.assume_multiple %multiple_of3A_650, 32 : i32
      %dma_start3A_652 = arith.constant 32 : i32
      %dma_start3A_653 = arith.constant 0 : i32
      %dma_start3A_654 = tpu.memref_slice %arg13[%dma_start3A_652, %dma_start3A_653] : memref<320x128xf32, #tpu.memory_space<vmem>> -> memref<32x128xf32, #tpu.memory_space<vmem>>
      %dma_start3A_655 = tpu.memref_slice %arg8[%multiple_of3A_651] : memref<2624xi32, #tpu.memory_space<vmem>> -> memref<32xi32, #tpu.memory_space<vmem>>
      %dma_start3A_656 = arith.constant 0 : i32
      %dma_start3A_657 = arith.constant 0 : i32
      %dma_start3A_658 = tpu.memref_slice %arg2[%dma_start3A_656, %dma_start3A_657] : memref<100000x128xf32, #tpu.memory_space<hbm>> -> memref<100000x128xf32, #tpu.memory_space<hbm>>
      tpu.enqueue_indirect_dma source(%dma_start3A_658 : memref<100000x128xf32, #tpu.memory_space<hbm>>) target(%dma_start3A_654 : memref<32x128xf32, #tpu.memory_space<vmem>>) offsets(%dma_start3A_655 : memref<32xi32, #tpu.memory_space<vmem>>) semaphore(%arg18 : memref<!tpu.dma_semaphore, #tpu.memory_space<semaphore_mem>>)
    } else {
    }
    %gt3A_205 = arith.constant 2 : i32
    %gt3A_206 = arith.cmpi sgt, %select_n3A_137, %gt3A_205 : i32
    %convert_element_type3A_207 = arith.extui %gt3A_206 : i1 to i32
    %cond3A_208 = arith.constant 0 : i32
    %cond3A_209 = arith.cmpi ne, %convert_element_type3A_207, %cond3A_208 : i32
    scf.if %cond3A_209 {
      %multiple_of3A_650 = arith.constant 384 : i32
      %multiple_of3A_651 = tpu.assume_multiple %multiple_of3A_650, 32 : i32
      %dma_start3A_652 = arith.constant 64 : i32
      %dma_start3A_653 = arith.constant 0 : i32
      %dma_start3A_654 = tpu.memref_slice %arg13[%dma_start3A_652, %dma_start3A_653] : memref<320x128xf32, #tpu.memory_space<vmem>> -> memref<32x128xf32, #tpu.memory_space<vmem>>
      %dma_start3A_655 = tpu.memref_slice %arg8[%multiple_of3A_651] : memref<2624xi32, #tpu.memory_space<vmem>> -> memref<32xi32, #tpu.memory_space<vmem>>
      %dma_start3A_656 = arith.constant 0 : i32
      %dma_start3A_657 = arith.constant 0 : i32
      %dma_start3A_658 = tpu.memref_slice %arg2[%dma_start3A_656, %dma_start3A_657] : memref<100000x128xf32, #tpu.memory_space<hbm>> -> memref<100000x128xf32, #tpu.memory_space<hbm>>
      tpu.enqueue_indirect_dma source(%dma_start3A_658 : memref<100000x128xf32, #tpu.memory_space<hbm>>) target(%dma_start3A_654 : memref<32x128xf32, #tpu.memory_space<vmem>>) offsets(%dma_start3A_655 : memref<32xi32, #tpu.memory_space<vmem>>) semaphore(%arg18 : memref<!tpu.dma_semaphore, #tpu.memory_space<semaphore_mem>>)
    } else {
    }
    %gt3A_210 = arith.constant 3 : i32
    %gt3A_211 = arith.cmpi sgt, %select_n3A_137, %gt3A_210 : i32
    %convert_element_type3A_212 = arith.extui %gt3A_211 : i1 to i32
    %cond3A_213 = arith.constant 0 : i32
    %cond3A_214 = arith.cmpi ne, %convert_element_type3A_212, %cond3A_213 : i32
    scf.if %cond3A_214 {
      %multiple_of3A_650 = arith.constant 416 : i32
      %multiple_of3A_651 = tpu.assume_multiple %multiple_of3A_650, 32 : i32
      %dma_start3A_652 = arith.constant 96 : i32
      %dma_start3A_653 = arith.constant 0 : i32
      %dma_start3A_654 = tpu.memref_slice %arg13[%dma_start3A_652, %dma_start3A_653] : memref<320x128xf32, #tpu.memory_space<vmem>> -> memref<32x128xf32, #tpu.memory_space<vmem>>
      %dma_start3A_655 = tpu.memref_slice %arg8[%multiple_of3A_651] : memref<2624xi32, #tpu.memory_space<vmem>> -> memref<32xi32, #tpu.memory_space<vmem>>
      %dma_start3A_656 = arith.constant 0 : i32
      %dma_start3A_657 = arith.constant 0 : i32
      %dma_start3A_658 = tpu.memref_slice %arg2[%dma_start3A_656, %dma_start3A_657] : memref<100000x128xf32, #tpu.memory_space<hbm>> -> memref<100000x128xf32, #tpu.memory_space<hbm>>
      tpu.enqueue_indirect_dma source(%dma_start3A_658 : memref<100000x128xf32, #tpu.memory_space<hbm>>) target(%dma_start3A_654 : memref<32x128xf32, #tpu.memory_space<vmem>>) offsets(%dma_start3A_655 : memref<32xi32, #tpu.memory_space<vmem>>) semaphore(%arg18 : memref<!tpu.dma_semaphore, #tpu.memory_space<semaphore_mem>>)
    } else {
    }
    %gt3A_215 = arith.constant 4 : i32
    %gt3A_216 = arith.cmpi sgt, %select_n3A_137, %gt3A_215 : i32
    %convert_element_type3A_217 = arith.extui %gt3A_216 : i1 to i32
    %cond3A_218 = arith.constant 0 : i32
    %cond3A_219 = arith.cmpi ne, %convert_element_type3A_217, %cond3A_218 : i32
    scf.if %cond3A_219 {
      %multiple_of3A_650 = arith.constant 448 : i32
      %multiple_of3A_651 = tpu.assume_multiple %multiple_of3A_650, 32 : i32
      %dma_start3A_652 = arith.constant 128 : i32
      %dma_start3A_653 = arith.constant 0 : i32
      %dma_start3A_654 = tpu.memref_slice %arg13[%dma_start3A_652, %dma_start3A_653] : memref<320x128xf32, #tpu.memory_space<vmem>> -> memref<32x128xf32, #tpu.memory_space<vmem>>
      %dma_start3A_655 = tpu.memref_slice %arg8[%multiple_of3A_651] : memref<2624xi32, #tpu.memory_space<vmem>> -> memref<32xi32, #tpu.memory_space<vmem>>
      %dma_start3A_656 = arith.constant 0 : i32
      %dma_start3A_657 = arith.constant 0 : i32
      %dma_start3A_658 = tpu.memref_slice %arg2[%dma_start3A_656, %dma_start3A_657] : memref<100000x128xf32, #tpu.memory_space<hbm>> -> memref<100000x128xf32, #tpu.memory_space<hbm>>
      tpu.enqueue_indirect_dma source(%dma_start3A_658 : memref<100000x128xf32, #tpu.memory_space<hbm>>) target(%dma_start3A_654 : memref<32x128xf32, #tpu.memory_space<vmem>>) offsets(%dma_start3A_655 : memref<32xi32, #tpu.memory_space<vmem>>) semaphore(%arg18 : memref<!tpu.dma_semaphore, #tpu.memory_space<semaphore_mem>>)
    } else {
    }
    %gt3A_220 = arith.constant 5 : i32
    %gt3A_221 = arith.cmpi sgt, %select_n3A_137, %gt3A_220 : i32
    %convert_element_type3A_222 = arith.extui %gt3A_221 : i1 to i32
    %cond3A_223 = arith.constant 0 : i32
    %cond3A_224 = arith.cmpi ne, %convert_element_type3A_222, %cond3A_223 : i32
    scf.if %cond3A_224 {
      %multiple_of3A_650 = arith.constant 480 : i32
      %multiple_of3A_651 = tpu.assume_multiple %multiple_of3A_650, 32 : i32
      %dma_start3A_652 = arith.constant 160 : i32
      %dma_start3A_653 = arith.constant 0 : i32
      %dma_start3A_654 = tpu.memref_slice %arg13[%dma_start3A_652, %dma_start3A_653] : memref<320x128xf32, #tpu.memory_space<vmem>> -> memref<32x128xf32, #tpu.memory_space<vmem>>
      %dma_start3A_655 = tpu.memref_slice %arg8[%multiple_of3A_651] : memref<2624xi32, #tpu.memory_space<vmem>> -> memref<32xi32, #tpu.memory_space<vmem>>
      %dma_start3A_656 = arith.constant 0 : i32
      %dma_start3A_657 = arith.constant 0 : i32
      %dma_start3A_658 = tpu.memref_slice %arg2[%dma_start3A_656, %dma_start3A_657] : memref<100000x128xf32, #tpu.memory_space<hbm>> -> memref<100000x128xf32, #tpu.memory_space<hbm>>
      tpu.enqueue_indirect_dma source(%dma_start3A_658 : memref<100000x128xf32, #tpu.memory_space<hbm>>) target(%dma_start3A_654 : memref<32x128xf32, #tpu.memory_space<vmem>>) offsets(%dma_start3A_655 : memref<32xi32, #tpu.memory_space<vmem>>) semaphore(%arg18 : memref<!tpu.dma_semaphore, #tpu.memory_space<semaphore_mem>>)
    } else {
    }
    %gt3A_225 = arith.constant 6 : i32
    %gt3A_226 = arith.cmpi sgt, %select_n3A_137, %gt3A_225 : i32
    %convert_element_type3A_227 = arith.extui %gt3A_226 : i1 to i32
    %cond3A_228 = arith.constant 0 : i32
    %cond3A_229 = arith.cmpi ne, %convert_element_type3A_227, %cond3A_228 : i32
    scf.if %cond3A_229 {
      %multiple_of3A_650 = arith.constant 512 : i32
      %multiple_of3A_651 = tpu.assume_multiple %multiple_of3A_650, 32 : i32
      %dma_start3A_652 = arith.constant 192 : i32
      %dma_start3A_653 = arith.constant 0 : i32
      %dma_start3A_654 = tpu.memref_slice %arg13[%dma_start3A_652, %dma_start3A_653] : memref<320x128xf32, #tpu.memory_space<vmem>> -> memref<32x128xf32, #tpu.memory_space<vmem>>
      %dma_start3A_655 = tpu.memref_slice %arg8[%multiple_of3A_651] : memref<2624xi32, #tpu.memory_space<vmem>> -> memref<32xi32, #tpu.memory_space<vmem>>
      %dma_start3A_656 = arith.constant 0 : i32
      %dma_start3A_657 = arith.constant 0 : i32
      %dma_start3A_658 = tpu.memref_slice %arg2[%dma_start3A_656, %dma_start3A_657] : memref<100000x128xf32, #tpu.memory_space<hbm>> -> memref<100000x128xf32, #tpu.memory_space<hbm>>
      tpu.enqueue_indirect_dma source(%dma_start3A_658 : memref<100000x128xf32, #tpu.memory_space<hbm>>) target(%dma_start3A_654 : memref<32x128xf32, #tpu.memory_space<vmem>>) offsets(%dma_start3A_655 : memref<32xi32, #tpu.memory_space<vmem>>) semaphore(%arg18 : memref<!tpu.dma_semaphore, #tpu.memory_space<semaphore_mem>>)
    } else {
    }
    %gt3A_230 = arith.constant 7 : i32
    %gt3A_231 = arith.cmpi sgt, %select_n3A_137, %gt3A_230 : i32
    %convert_element_type3A_232 = arith.extui %gt3A_231 : i1 to i32
    %cond3A_233 = arith.constant 0 : i32
    %cond3A_234 = arith.cmpi ne, %convert_element_type3A_232, %cond3A_233 : i32
    scf.if %cond3A_234 {
      %multiple_of3A_650 = arith.constant 544 : i32
      %multiple_of3A_651 = tpu.assume_multiple %multiple_of3A_650, 32 : i32
      %dma_start3A_652 = arith.constant 224 : i32
      %dma_start3A_653 = arith.constant 0 : i32
      %dma_start3A_654 = tpu.memref_slice %arg13[%dma_start3A_652, %dma_start3A_653] : memref<320x128xf32, #tpu.memory_space<vmem>> -> memref<32x128xf32, #tpu.memory_space<vmem>>
      %dma_start3A_655 = tpu.memref_slice %arg8[%multiple_of3A_651] : memref<2624xi32, #tpu.memory_space<vmem>> -> memref<32xi32, #tpu.memory_space<vmem>>
      %dma_start3A_656 = arith.constant 0 : i32
      %dma_start3A_657 = arith.constant 0 : i32
      %dma_start3A_658 = tpu.memref_slice %arg2[%dma_start3A_656, %dma_start3A_657] : memref<100000x128xf32, #tpu.memory_space<hbm>> -> memref<100000x128xf32, #tpu.memory_space<hbm>>
      tpu.enqueue_indirect_dma source(%dma_start3A_658 : memref<100000x128xf32, #tpu.memory_space<hbm>>) target(%dma_start3A_654 : memref<32x128xf32, #tpu.memory_space<vmem>>) offsets(%dma_start3A_655 : memref<32xi32, #tpu.memory_space<vmem>>) semaphore(%arg18 : memref<!tpu.dma_semaphore, #tpu.memory_space<semaphore_mem>>)
    } else {
    }
    %gt3A_235 = arith.constant 8 : i32
    %gt3A_236 = arith.cmpi sgt, %select_n3A_137, %gt3A_235 : i32
    %convert_element_type3A_237 = arith.extui %gt3A_236 : i1 to i32
    %cond3A_238 = arith.constant 0 : i32
    %cond3A_239 = arith.cmpi ne, %convert_element_type3A_237, %cond3A_238 : i32
    scf.if %cond3A_239 {
      %multiple_of3A_650 = arith.constant 576 : i32
      %multiple_of3A_651 = tpu.assume_multiple %multiple_of3A_650, 32 : i32
      %dma_start3A_652 = arith.constant 256 : i32
      %dma_start3A_653 = arith.constant 0 : i32
      %dma_start3A_654 = tpu.memref_slice %arg13[%dma_start3A_652, %dma_start3A_653] : memref<320x128xf32, #tpu.memory_space<vmem>> -> memref<32x128xf32, #tpu.memory_space<vmem>>
      %dma_start3A_655 = tpu.memref_slice %arg8[%multiple_of3A_651] : memref<2624xi32, #tpu.memory_space<vmem>> -> memref<32xi32, #tpu.memory_space<vmem>>
      %dma_start3A_656 = arith.constant 0 : i32
      %dma_start3A_657 = arith.constant 0 : i32
      %dma_start3A_658 = tpu.memref_slice %arg2[%dma_start3A_656, %dma_start3A_657] : memref<100000x128xf32, #tpu.memory_space<hbm>> -> memref<100000x128xf32, #tpu.memory_space<hbm>>
      tpu.enqueue_indirect_dma source(%dma_start3A_658 : memref<100000x128xf32, #tpu.memory_space<hbm>>) target(%dma_start3A_654 : memref<32x128xf32, #tpu.memory_space<vmem>>) offsets(%dma_start3A_655 : memref<32xi32, #tpu.memory_space<vmem>>) semaphore(%arg18 : memref<!tpu.dma_semaphore, #tpu.memory_space<semaphore_mem>>)
    } else {
    }
    %gt3A_240 = arith.constant 9 : i32
    %gt3A_241 = arith.cmpi sgt, %select_n3A_137, %gt3A_240 : i32
    %convert_element_type3A_242 = arith.extui %gt3A_241 : i1 to i32
    %cond3A_243 = arith.constant 0 : i32
    %cond3A_244 = arith.cmpi ne, %convert_element_type3A_242, %cond3A_243 : i32
    scf.if %cond3A_244 {
      %multiple_of3A_650 = arith.constant 608 : i32
      %multiple_of3A_651 = tpu.assume_multiple %multiple_of3A_650, 32 : i32
      %dma_start3A_652 = arith.constant 288 : i32
      %dma_start3A_653 = arith.constant 0 : i32
      %dma_start3A_654 = tpu.memref_slice %arg13[%dma_start3A_652, %dma_start3A_653] : memref<320x128xf32, #tpu.memory_space<vmem>> -> memref<32x128xf32, #tpu.memory_space<vmem>>
      %dma_start3A_655 = tpu.memref_slice %arg8[%multiple_of3A_651] : memref<2624xi32, #tpu.memory_space<vmem>> -> memref<32xi32, #tpu.memory_space<vmem>>
      %dma_start3A_656 = arith.constant 0 : i32
      %dma_start3A_657 = arith.constant 0 : i32
      %dma_start3A_658 = tpu.memref_slice %arg2[%dma_start3A_656, %dma_start3A_657] : memref<100000x128xf32, #tpu.memory_space<hbm>> -> memref<100000x128xf32, #tpu.memory_space<hbm>>
      tpu.enqueue_indirect_dma source(%dma_start3A_658 : memref<100000x128xf32, #tpu.memory_space<hbm>>) target(%dma_start3A_654 : memref<32x128xf32, #tpu.memory_space<vmem>>) offsets(%dma_start3A_655 : memref<32xi32, #tpu.memory_space<vmem>>) semaphore(%arg18 : memref<!tpu.dma_semaphore, #tpu.memory_space<semaphore_mem>>)
    } else {
    }
    %multiple_of3A_245 = arith.constant 16 : i32
    %multiple_of3A_246 = tpu.assume_multiple %multiple_of3A_245, 16 : i32
    %dma_start3A_247 = tpu.memref_slice %arg11[%multiple_of3A_246] : memref<128xi32, #tpu.memory_space<vmem>> -> memref<16xi32, #tpu.memory_space<vmem>>
    %dma_start3A_248 = arith.constant 0 : i32
    %dma_start3A_249 = arith.constant 0 : i32
    %dma_start3A_250 = tpu.memref_slice %arg2[%dma_start3A_248, %dma_start3A_249] : memref<100000x128xf32, #tpu.memory_space<hbm>> -> memref<100000x128xf32, #tpu.memory_space<hbm>>
    tpu.enqueue_indirect_dma source(%dma_start3A_250 : memref<100000x128xf32, #tpu.memory_space<hbm>>) target(%arg15 : memref<16x128xf32, #tpu.memory_space<vmem>>) offsets(%dma_start3A_247 : memref<16xi32, #tpu.memory_space<vmem>>) semaphore(%arg18 : memref<!tpu.dma_semaphore, #tpu.memory_space<semaphore_mem>>)
    %scan3A_251 = arith.constant 640 : i32
    %scan3A_252 = arith.constant 0 : i32
    %scan3A_253 = arith.constant 16 : i32
    %scan3A_254 = arith.addi %scan3A_252, %scan3A_253 : i32
    %scan3A_255 = arith.constant 1 : i32
    %scan3A_256 = scf.for %scan3A_650 = %scan3A_252 to %scan3A_254 step %scan3A_255 iter_args(%scan3A_651 = %scan3A_251) -> (i32)  : i32 {
      %add3A_652 = arith.constant 32 : i32
      %add3A_653 = arith.addi %add3A_652, %scan3A_650 : i32
      %get3A = arith.index_cast %add3A_653 : i32 to index
      %get3A_654 = tpu.vector_load %arg10[%get3A] {strides = array<i32>} : memref<144xi32, #tpu.memory_space<vmem>>, vector<16xi32>,
      %get3A_655 = vector.shape_cast %get3A_654 : vector<16xi32> to vector<16xi32>
      %slice3A = vector.extract_strided_slice %get3A_655 {offsets = [0], sizes = [1], strides = [1]} : vector<16xi32> to vector<1xi32>
      %squeeze3A = vector.extract %slice3A[0] : i32 from vector<1xi32>
      %add3A_656 = arith.constant 32 : i32
      %add3A_657 = arith.addi %add3A_656, %scan3A_650 : i32
      %get3A_658 = arith.index_cast %add3A_657 : i32 to index
      %get3A_659 = arith.constant 0 : index
      %get3A_660 = tpu.vector_load %arg7[%get3A_658, %get3A_659] {strides = array<i32>} : memref<128x20xi32, #tpu.memory_space<vmem>>, vector<1x16xi32>,
      %get3A_661 = vector.shape_cast %get3A_660 : vector<1x16xi32> to vector<16xi32>
      %get3A_662 = arith.index_cast %add3A_657 : i32 to index
      %get3A_663 = arith.constant 4 : index
      %get3A_664 = tpu.vector_load %arg7[%get3A_662, %get3A_663] {strides = array<i32>} : memref<128x20xi32, #tpu.memory_space<vmem>>, vector<1x16xi32>,
      %get3A_665 = vector.shape_cast %get3A_664 : vector<1x16xi32> to vector<16xi32>
      %swap3A_666 = arith.index_cast %scan3A_651 : i32 to index
      %swap3A_667 = tpu.vector_load %arg8[%swap3A_666] {strides = array<i32>} : memref<2624xi32, #tpu.memory_space<vmem>>, vector<16xi32>,
      %swap3A_668 = vector.shape_cast %swap3A_667 : vector<16xi32> to vector<16xi32>
      %swap3A_669 = vector.shape_cast %get3A_661 : vector<16xi32> to vector<16xi32>
      tpu.vector_store %arg8[%swap3A_666], %swap3A_669 {strides = array<i32>} : memref<2624xi32, #tpu.memory_space<vmem>>, vector<16xi32>,
      %add3A_670 = arith.constant 4 : i32
      %add3A_671 = arith.addi %scan3A_651, %add3A_670 : i32
      %swap3A_672 = arith.index_cast %add3A_671 : i32 to index
      %swap3A_673 = tpu.vector_load %arg8[%swap3A_672] {strides = array<i32>} : memref<2624xi32, #tpu.memory_space<vmem>>, vector<16xi32>,
      %swap3A_674 = vector.shape_cast %swap3A_673 : vector<16xi32> to vector<16xi32>
      %swap3A_675 = vector.shape_cast %get3A_665 : vector<16xi32> to vector<16xi32>
      tpu.vector_store %arg8[%swap3A_672], %swap3A_675 {strides = array<i32>} : memref<2624xi32, #tpu.memory_space<vmem>>, vector<16xi32>,
      %add3A_676 = arith.addi %scan3A_651, %squeeze3A : i32
      scf.yield %add3A_676 : i32
    }
    %scan3A_257 = arith.constant 16 : i32
    %mul3A_258 = arith.constant 8 : i32
    %mul3A_259 = arith.muli %add3A, %mul3A_258 : i32
    %add3A_260 = arith.constant 2 : i32
    %add3A_261 = arith.addi %mul3A_259, %add3A_260 : i32
    %mul3A_262 = arith.constant 2 : i32
    %mul3A_263 = arith.muli %add3A_261, %mul3A_262 : i32
    %mul3A_264 = arith.constant 16 : i32
    %mul3A_265 = arith.muli %mul3A_263, %mul3A_264 : i32
    %add3A_266 = vector.broadcast %mul3A_265 : i32 to vector<16xi32>
    %add3A_267 = arith.addi %iota3A, %add3A_266 : vector<16xi32>
    %swap3A_268 = arith.index_cast %scan3A_256 : i32 to index
    %swap3A_269 = tpu.vector_load %arg8[%swap3A_268] {strides = array<i32>} : memref<2624xi32, #tpu.memory_space<vmem>>, vector<16xi32>,
    %swap3A_270 = vector.shape_cast %swap3A_269 : vector<16xi32> to vector<16xi32>
    %swap3A_271 = vector.shape_cast %add3A_267 : vector<16xi32> to vector<16xi32>
    tpu.vector_store %arg8[%swap3A_268], %swap3A_271 {strides = array<i32>} : memref<2624xi32, #tpu.memory_space<vmem>>, vector<16xi32>,
    %add3A_272 = arith.constant 16 : i32
    %add3A_273 = vector.broadcast %add3A_272 : i32 to vector<16xi32>
    %add3A_274 = arith.addi %add3A_267, %add3A_273 : vector<16xi32>
    %add3A_275 = arith.constant 16 : i32
    %add3A_276 = arith.addi %scan3A_256, %add3A_275 : i32
    %swap3A_277 = arith.index_cast %add3A_276 : i32 to index
    %swap3A_278 = tpu.vector_load %arg8[%swap3A_277] {strides = array<i32>} : memref<2624xi32, #tpu.memory_space<vmem>>, vector<16xi32>,
    %swap3A_279 = vector.shape_cast %swap3A_278 : vector<16xi32> to vector<16xi32>
    %swap3A_280 = vector.shape_cast %add3A_274 : vector<16xi32> to vector<16xi32>
    tpu.vector_store %arg8[%swap3A_277], %swap3A_280 {strides = array<i32>} : memref<2624xi32, #tpu.memory_space<vmem>>, vector<16xi32>,
    %sub3A_281 = arith.constant 640 : i32
    %sub3A_282 = arith.subi %scan3A_256, %sub3A_281 : i32
    %add3A_283 = arith.constant 31 : i32
    %add3A_284 = arith.addi %sub3A_282, %add3A_283 : i32
    %jit3A_285 = arith.constant 32 : i32
    %div3A_286 = arith.divsi %add3A_284, %jit3A_285 : i32
    %sign3A_287 = arith.constant 0 : i32
    %sign3A_288 = arith.cmpi sgt, %add3A_284, %sign3A_287 : i32
    %sign3A_289 = arith.extui %sign3A_288 : i1 to i32
    %sign3A_290 = arith.constant 0 : i32
    %sign3A_291 = arith.cmpi slt, %add3A_284, %sign3A_290 : i32
    %sign3A_292 = arith.extui %sign3A_291 : i1 to i32
    %sign3A_293 = arith.subi %sign3A_289, %sign3A_292 : i32
    %sign3A_294 = arith.constant 0 : i32
    %sign3A_295 = arith.cmpi sgt, %jit3A_285, %sign3A_294 : i32
    %sign3A_296 = arith.extui %sign3A_295 : i1 to i32
    %sign3A_297 = arith.constant 0 : i32
    %sign3A_298 = arith.cmpi slt, %jit3A_285, %sign3A_297 : i32
    %sign3A_299 = arith.extui %sign3A_298 : i1 to i32
    %sign3A_300 = arith.subi %sign3A_296, %sign3A_299 : i32
    %ne3A_301 = arith.cmpi ne, %sign3A_293, %sign3A_300 : i32
    %rem3A_302 = arith.remsi %add3A_284, %jit3A_285 : i32
    %ne3A_303 = arith.constant 0 : i32
    %ne3A_304 = arith.cmpi ne, %rem3A_302, %ne3A_303 : i32
    %and3A_305 = arith.andi %ne3A_301, %ne3A_304 : i1
    %sub3A_306 = arith.constant 1 : i32
    %sub3A_307 = arith.subi %div3A_286, %sub3A_306 : i32
    %select_n3A_308 = arith.select %and3A_305, %sub3A_307, %div3A_286 : i32
    %eq3A_309 = arith.constant 2 : i32
    %eq3A_310 = vector.broadcast %eq3A_309 : i32 to vector<16xi32>
    %eq3A_311 = arith.cmpi eq, %iota3A, %eq3A_310 : vector<16xi32>
    %broadcast_in_dim3A_312 = vector.broadcast %select_n3A_308 : i32 to vector<16xi32>
    %select_n3A_313 = arith.select %eq3A_311, %broadcast_in_dim3A_312, %select_n3A_142 : vector<16xi1>, vector<16xi32>
    %scan3A_314 = arith.constant 960 : i32
    %scan3A_315 = arith.constant 0 : i32
    %scan3A_316 = arith.constant 16 : i32
    %scan3A_317 = arith.addi %scan3A_315, %scan3A_316 : i32
    %scan3A_318 = arith.constant 1 : i32
    %scan3A_319 = scf.for %scan3A_650 = %scan3A_315 to %scan3A_317 step %scan3A_318 iter_args(%scan3A_651 = %scan3A_314) -> (i32)  : i32 {
      %add3A_652 = arith.constant 48 : i32
      %add3A_653 = arith.addi %add3A_652, %scan3A_650 : i32
      %get3A = arith.index_cast %add3A_653 : i32 to index
      %get3A_654 = tpu.vector_load %arg10[%get3A] {strides = array<i32>} : memref<144xi32, #tpu.memory_space<vmem>>, vector<16xi32>,
      %get3A_655 = vector.shape_cast %get3A_654 : vector<16xi32> to vector<16xi32>
      %slice3A = vector.extract_strided_slice %get3A_655 {offsets = [0], sizes = [1], strides = [1]} : vector<16xi32> to vector<1xi32>
      %squeeze3A = vector.extract %slice3A[0] : i32 from vector<1xi32>
      %add3A_656 = arith.constant 48 : i32
      %add3A_657 = arith.addi %add3A_656, %scan3A_650 : i32
      %get3A_658 = arith.index_cast %add3A_657 : i32 to index
      %get3A_659 = arith.constant 0 : index
      %get3A_660 = tpu.vector_load %arg7[%get3A_658, %get3A_659] {strides = array<i32>} : memref<128x20xi32, #tpu.memory_space<vmem>>, vector<1x16xi32>,
      %get3A_661 = vector.shape_cast %get3A_660 : vector<1x16xi32> to vector<16xi32>
      %get3A_662 = arith.index_cast %add3A_657 : i32 to index
      %get3A_663 = arith.constant 4 : index
      %get3A_664 = tpu.vector_load %arg7[%get3A_662, %get3A_663] {strides = array<i32>} : memref<128x20xi32, #tpu.memory_space<vmem>>, vector<1x16xi32>,
      %get3A_665 = vector.shape_cast %get3A_664 : vector<1x16xi32> to vector<16xi32>
      %swap3A_666 = arith.index_cast %scan3A_651 : i32 to index
      %swap3A_667 = tpu.vector_load %arg8[%swap3A_666] {strides = array<i32>} : memref<2624xi32, #tpu.memory_space<vmem>>, vector<16xi32>,
      %swap3A_668 = vector.shape_cast %swap3A_667 : vector<16xi32> to vector<16xi32>
      %swap3A_669 = vector.shape_cast %get3A_661 : vector<16xi32> to vector<16xi32>
      tpu.vector_store %arg8[%swap3A_666], %swap3A_669 {strides = array<i32>} : memref<2624xi32, #tpu.memory_space<vmem>>, vector<16xi32>,
      %add3A_670 = arith.constant 4 : i32
      %add3A_671 = arith.addi %scan3A_651, %add3A_670 : i32
      %swap3A_672 = arith.index_cast %add3A_671 : i32 to index
      %swap3A_673 = tpu.vector_load %arg8[%swap3A_672] {strides = array<i32>} : memref<2624xi32, #tpu.memory_space<vmem>>, vector<16xi32>,
      %swap3A_674 = vector.shape_cast %swap3A_673 : vector<16xi32> to vector<16xi32>
      %swap3A_675 = vector.shape_cast %get3A_665 : vector<16xi32> to vector<16xi32>
      tpu.vector_store %arg8[%swap3A_672], %swap3A_675 {strides = array<i32>} : memref<2624xi32, #tpu.memory_space<vmem>>, vector<16xi32>,
      %add3A_676 = arith.addi %scan3A_651, %squeeze3A : i32
      scf.yield %add3A_676 : i32
    }
    %scan3A_320 = arith.constant 16 : i32
    %mul3A_321 = arith.constant 8 : i32
    %mul3A_322 = arith.muli %add3A, %mul3A_321 : i32
    %add3A_323 = arith.constant 3 : i32
    %add3A_324 = arith.addi %mul3A_322, %add3A_323 : i32
    %mul3A_325 = arith.constant 2 : i32
    %mul3A_326 = arith.muli %add3A_324, %mul3A_325 : i32
    %mul3A_327 = arith.constant 16 : i32
    %mul3A_328 = arith.muli %mul3A_326, %mul3A_327 : i32
    %add3A_329 = vector.broadcast %mul3A_328 : i32 to vector<16xi32>
    %add3A_330 = arith.addi %iota3A, %add3A_329 : vector<16xi32>
    %swap3A_331 = arith.index_cast %scan3A_319 : i32 to index
    %swap3A_332 = tpu.vector_load %arg8[%swap3A_331] {strides = array<i32>} : memref<2624xi32, #tpu.memory_space<vmem>>, vector<16xi32>,
    %swap3A_333 = vector.shape_cast %swap3A_332 : vector<16xi32> to vector<16xi32>
    %swap3A_334 = vector.shape_cast %add3A_330 : vector<16xi32> to vector<16xi32>
    tpu.vector_store %arg8[%swap3A_331], %swap3A_334 {strides = array<i32>} : memref<2624xi32, #tpu.memory_space<vmem>>, vector<16xi32>,
    %add3A_335 = arith.constant 16 : i32
    %add3A_336 = vector.broadcast %add3A_335 : i32 to vector<16xi32>
    %add3A_337 = arith.addi %add3A_330, %add3A_336 : vector<16xi32>
    %add3A_338 = arith.constant 16 : i32
    %add3A_339 = arith.addi %scan3A_319, %add3A_338 : i32
    %swap3A_340 = arith.index_cast %add3A_339 : i32 to index
    %swap3A_341 = tpu.vector_load %arg8[%swap3A_340] {strides = array<i32>} : memref<2624xi32, #tpu.memory_space<vmem>>, vector<16xi32>,
    %swap3A_342 = vector.shape_cast %swap3A_341 : vector<16xi32> to vector<16xi32>
    %swap3A_343 = vector.shape_cast %add3A_337 : vector<16xi32> to vector<16xi32>
    tpu.vector_store %arg8[%swap3A_340], %swap3A_343 {strides = array<i32>} : memref<2624xi32, #tpu.memory_space<vmem>>, vector<16xi32>,
    %sub3A_344 = arith.constant 960 : i32
    %sub3A_345 = arith.subi %scan3A_319, %sub3A_344 : i32
    %add3A_346 = arith.constant 31 : i32
    %add3A_347 = arith.addi %sub3A_345, %add3A_346 : i32
    %jit3A_348 = arith.constant 32 : i32
    %div3A_349 = arith.divsi %add3A_347, %jit3A_348 : i32
    %sign3A_350 = arith.constant 0 : i32
    %sign3A_351 = arith.cmpi sgt, %add3A_347, %sign3A_350 : i32
    %sign3A_352 = arith.extui %sign3A_351 : i1 to i32
    %sign3A_353 = arith.constant 0 : i32
    %sign3A_354 = arith.cmpi slt, %add3A_347, %sign3A_353 : i32
    %sign3A_355 = arith.extui %sign3A_354 : i1 to i32
    %sign3A_356 = arith.subi %sign3A_352, %sign3A_355 : i32
    %sign3A_357 = arith.constant 0 : i32
    %sign3A_358 = arith.cmpi sgt, %jit3A_348, %sign3A_357 : i32
    %sign3A_359 = arith.extui %sign3A_358 : i1 to i32
    %sign3A_360 = arith.constant 0 : i32
    %sign3A_361 = arith.cmpi slt, %jit3A_348, %sign3A_360 : i32
    %sign3A_362 = arith.extui %sign3A_361 : i1 to i32
    %sign3A_363 = arith.subi %sign3A_359, %sign3A_362 : i32
    %ne3A_364 = arith.cmpi ne, %sign3A_356, %sign3A_363 : i32
    %rem3A_365 = arith.remsi %add3A_347, %jit3A_348 : i32
    %ne3A_366 = arith.constant 0 : i32
    %ne3A_367 = arith.cmpi ne, %rem3A_365, %ne3A_366 : i32
    %and3A_368 = arith.andi %ne3A_364, %ne3A_367 : i1
    %sub3A_369 = arith.constant 1 : i32
    %sub3A_370 = arith.subi %div3A_349, %sub3A_369 : i32
    %select_n3A_371 = arith.select %and3A_368, %sub3A_370, %div3A_349 : i32
    %eq3A_372 = arith.constant 3 : i32
    %eq3A_373 = vector.broadcast %eq3A_372 : i32 to vector<16xi32>
    %eq3A_374 = arith.cmpi eq, %iota3A, %eq3A_373 : vector<16xi32>
    %broadcast_in_dim3A_375 = vector.broadcast %select_n3A_371 : i32 to vector<16xi32>
    %select_n3A_376 = arith.select %eq3A_374, %broadcast_in_dim3A_375, %select_n3A_313 : vector<16xi1>, vector<16xi32>
    %scan3A_377 = arith.constant 1280 : i32
    %scan3A_378 = arith.constant 0 : i32
    %scan3A_379 = arith.constant 16 : i32
    %scan3A_380 = arith.addi %scan3A_378, %scan3A_379 : i32
    %scan3A_381 = arith.constant 1 : i32
    %scan3A_382 = scf.for %scan3A_650 = %scan3A_378 to %scan3A_380 step %scan3A_381 iter_args(%scan3A_651 = %scan3A_377) -> (i32)  : i32 {
      %add3A_652 = arith.constant 64 : i32
      %add3A_653 = arith.addi %add3A_652, %scan3A_650 : i32
      %get3A = arith.index_cast %add3A_653 : i32 to index
      %get3A_654 = tpu.vector_load %arg10[%get3A] {strides = array<i32>} : memref<144xi32, #tpu.memory_space<vmem>>, vector<16xi32>,
      %get3A_655 = vector.shape_cast %get3A_654 : vector<16xi32> to vector<16xi32>
      %slice3A = vector.extract_strided_slice %get3A_655 {offsets = [0], sizes = [1], strides = [1]} : vector<16xi32> to vector<1xi32>
      %squeeze3A = vector.extract %slice3A[0] : i32 from vector<1xi32>
      %add3A_656 = arith.constant 64 : i32
      %add3A_657 = arith.addi %add3A_656, %scan3A_650 : i32
      %get3A_658 = arith.index_cast %add3A_657 : i32 to index
      %get3A_659 = arith.constant 0 : index
      %get3A_660 = tpu.vector_load %arg7[%get3A_658, %get3A_659] {strides = array<i32>} : memref<128x20xi32, #tpu.memory_space<vmem>>, vector<1x16xi32>,
      %get3A_661 = vector.shape_cast %get3A_660 : vector<1x16xi32> to vector<16xi32>
      %get3A_662 = arith.index_cast %add3A_657 : i32 to index
      %get3A_663 = arith.constant 4 : index
      %get3A_664 = tpu.vector_load %arg7[%get3A_662, %get3A_663] {strides = array<i32>} : memref<128x20xi32, #tpu.memory_space<vmem>>, vector<1x16xi32>,
      %get3A_665 = vector.shape_cast %get3A_664 : vector<1x16xi32> to vector<16xi32>
      %swap3A_666 = arith.index_cast %scan3A_651 : i32 to index
      %swap3A_667 = tpu.vector_load %arg8[%swap3A_666] {strides = array<i32>} : memref<2624xi32, #tpu.memory_space<vmem>>, vector<16xi32>,
      %swap3A_668 = vector.shape_cast %swap3A_667 : vector<16xi32> to vector<16xi32>
      %swap3A_669 = vector.shape_cast %get3A_661 : vector<16xi32> to vector<16xi32>
      tpu.vector_store %arg8[%swap3A_666], %swap3A_669 {strides = array<i32>} : memref<2624xi32, #tpu.memory_space<vmem>>, vector<16xi32>,
      %add3A_670 = arith.constant 4 : i32
      %add3A_671 = arith.addi %scan3A_651, %add3A_670 : i32
      %swap3A_672 = arith.index_cast %add3A_671 : i32 to index
      %swap3A_673 = tpu.vector_load %arg8[%swap3A_672] {strides = array<i32>} : memref<2624xi32, #tpu.memory_space<vmem>>, vector<16xi32>,
      %swap3A_674 = vector.shape_cast %swap3A_673 : vector<16xi32> to vector<16xi32>
      %swap3A_675 = vector.shape_cast %get3A_665 : vector<16xi32> to vector<16xi32>
      tpu.vector_store %arg8[%swap3A_672], %swap3A_675 {strides = array<i32>} : memref<2624xi32, #tpu.memory_space<vmem>>, vector<16xi32>,
      %add3A_676 = arith.addi %scan3A_651, %squeeze3A : i32
      scf.yield %add3A_676 : i32
    }
    %scan3A_383 = arith.constant 16 : i32
    %mul3A_384 = arith.constant 8 : i32
    %mul3A_385 = arith.muli %add3A, %mul3A_384 : i32
    %add3A_386 = arith.constant 4 : i32
    %add3A_387 = arith.addi %mul3A_385, %add3A_386 : i32
    %mul3A_388 = arith.constant 2 : i32
    %mul3A_389 = arith.muli %add3A_387, %mul3A_388 : i32
    %mul3A_390 = arith.constant 16 : i32
    %mul3A_391 = arith.muli %mul3A_389, %mul3A_390 : i32
    %add3A_392 = vector.broadcast %mul3A_391 : i32 to vector<16xi32>
    %add3A_393 = arith.addi %iota3A, %add3A_392 : vector<16xi32>
    %swap3A_394 = arith.index_cast %scan3A_382 : i32 to index
    %swap3A_395 = tpu.vector_load %arg8[%swap3A_394] {strides = array<i32>} : memref<2624xi32, #tpu.memory_space<vmem>>, vector<16xi32>,
    %swap3A_396 = vector.shape_cast %swap3A_395 : vector<16xi32> to vector<16xi32>
    %swap3A_397 = vector.shape_cast %add3A_393 : vector<16xi32> to vector<16xi32>
    tpu.vector_store %arg8[%swap3A_394], %swap3A_397 {strides = array<i32>} : memref<2624xi32, #tpu.memory_space<vmem>>, vector<16xi32>,
    %add3A_398 = arith.constant 16 : i32
    %add3A_399 = vector.broadcast %add3A_398 : i32 to vector<16xi32>
    %add3A_400 = arith.addi %add3A_393, %add3A_399 : vector<16xi32>
    %add3A_401 = arith.constant 16 : i32
    %add3A_402 = arith.addi %scan3A_382, %add3A_401 : i32
    %swap3A_403 = arith.index_cast %add3A_402 : i32 to index
    %swap3A_404 = tpu.vector_load %arg8[%swap3A_403] {strides = array<i32>} : memref<2624xi32, #tpu.memory_space<vmem>>, vector<16xi32>,
    %swap3A_405 = vector.shape_cast %swap3A_404 : vector<16xi32> to vector<16xi32>
    %swap3A_406 = vector.shape_cast %add3A_400 : vector<16xi32> to vector<16xi32>
    tpu.vector_store %arg8[%swap3A_403], %swap3A_406 {strides = array<i32>} : memref<2624xi32, #tpu.memory_space<vmem>>, vector<16xi32>,
    %sub3A_407 = arith.constant 1280 : i32
    %sub3A_408 = arith.subi %scan3A_382, %sub3A_407 : i32
    %add3A_409 = arith.constant 31 : i32
    %add3A_410 = arith.addi %sub3A_408, %add3A_409 : i32
    %jit3A_411 = arith.constant 32 : i32
    %div3A_412 = arith.divsi %add3A_410, %jit3A_411 : i32
    %sign3A_413 = arith.constant 0 : i32
    %sign3A_414 = arith.cmpi sgt, %add3A_410, %sign3A_413 : i32
    %sign3A_415 = arith.extui %sign3A_414 : i1 to i32
    %sign3A_416 = arith.constant 0 : i32
    %sign3A_417 = arith.cmpi slt, %add3A_410, %sign3A_416 : i32
    %sign3A_418 = arith.extui %sign3A_417 : i1 to i32
    %sign3A_419 = arith.subi %sign3A_415, %sign3A_418 : i32
    %sign3A_420 = arith.constant 0 : i32
    %sign3A_421 = arith.cmpi sgt, %jit3A_411, %sign3A_420 : i32
    %sign3A_422 = arith.extui %sign3A_421 : i1 to i32
    %sign3A_423 = arith.constant 0 : i32
    %sign3A_424 = arith.cmpi slt, %jit3A_411, %sign3A_423 : i32
    %sign3A_425 = arith.extui %sign3A_424 : i1 to i32
    %sign3A_426 = arith.subi %sign3A_422, %sign3A_425 : i32
    %ne3A_427 = arith.cmpi ne, %sign3A_419, %sign3A_426 : i32
    %rem3A_428 = arith.remsi %add3A_410, %jit3A_411 : i32
    %ne3A_429 = arith.constant 0 : i32
    %ne3A_430 = arith.cmpi ne, %rem3A_428, %ne3A_429 : i32
    %and3A_431 = arith.andi %ne3A_427, %ne3A_430 : i1
    %sub3A_432 = arith.constant 1 : i32
    %sub3A_433 = arith.subi %div3A_412, %sub3A_432 : i32
    %select_n3A_434 = arith.select %and3A_431, %sub3A_433, %div3A_412 : i32
    %eq3A_435 = arith.constant 4 : i32
    %eq3A_436 = vector.broadcast %eq3A_435 : i32 to vector<16xi32>
    %eq3A_437 = arith.cmpi eq, %iota3A, %eq3A_436 : vector<16xi32>
    %broadcast_in_dim3A_438 = vector.broadcast %select_n3A_434 : i32 to vector<16xi32>
    %select_n3A_439 = arith.select %eq3A_437, %broadcast_in_dim3A_438, %select_n3A_376 : vector<16xi1>, vector<16xi32>
    %scan3A_440 = arith.constant 1600 : i32
    %scan3A_441 = arith.constant 0 : i32
    %scan3A_442 = arith.constant 16 : i32
    %scan3A_443 = arith.addi %scan3A_441, %scan3A_442 : i32
    %scan3A_444 = arith.constant 1 : i32
    %scan3A_445 = scf.for %scan3A_650 = %scan3A_441 to %scan3A_443 step %scan3A_444 iter_args(%scan3A_651 = %scan3A_440) -> (i32)  : i32 {
      %add3A_652 = arith.constant 80 : i32
      %add3A_653 = arith.addi %add3A_652, %scan3A_650 : i32
      %get3A = arith.index_cast %add3A_653 : i32 to index
      %get3A_654 = tpu.vector_load %arg10[%get3A] {strides = array<i32>} : memref<144xi32, #tpu.memory_space<vmem>>, vector<16xi32>,
      %get3A_655 = vector.shape_cast %get3A_654 : vector<16xi32> to vector<16xi32>
      %slice3A = vector.extract_strided_slice %get3A_655 {offsets = [0], sizes = [1], strides = [1]} : vector<16xi32> to vector<1xi32>
      %squeeze3A = vector.extract %slice3A[0] : i32 from vector<1xi32>
      %add3A_656 = arith.constant 80 : i32
      %add3A_657 = arith.addi %add3A_656, %scan3A_650 : i32
      %get3A_658 = arith.index_cast %add3A_657 : i32 to index
      %get3A_659 = arith.constant 0 : index
      %get3A_660 = tpu.vector_load %arg7[%get3A_658, %get3A_659] {strides = array<i32>} : memref<128x20xi32, #tpu.memory_space<vmem>>, vector<1x16xi32>,
      %get3A_661 = vector.shape_cast %get3A_660 : vector<1x16xi32> to vector<16xi32>
      %get3A_662 = arith.index_cast %add3A_657 : i32 to index
      %get3A_663 = arith.constant 4 : index
      %get3A_664 = tpu.vector_load %arg7[%get3A_662, %get3A_663] {strides = array<i32>} : memref<128x20xi32, #tpu.memory_space<vmem>>, vector<1x16xi32>,
      %get3A_665 = vector.shape_cast %get3A_664 : vector<1x16xi32> to vector<16xi32>
      %swap3A_666 = arith.index_cast %scan3A_651 : i32 to index
      %swap3A_667 = tpu.vector_load %arg8[%swap3A_666] {strides = array<i32>} : memref<2624xi32, #tpu.memory_space<vmem>>, vector<16xi32>,
      %swap3A_668 = vector.shape_cast %swap3A_667 : vector<16xi32> to vector<16xi32>
      %swap3A_669 = vector.shape_cast %get3A_661 : vector<16xi32> to vector<16xi32>
      tpu.vector_store %arg8[%swap3A_666], %swap3A_669 {strides = array<i32>} : memref<2624xi32, #tpu.memory_space<vmem>>, vector<16xi32>,
      %add3A_670 = arith.constant 4 : i32
      %add3A_671 = arith.addi %scan3A_651, %add3A_670 : i32
      %swap3A_672 = arith.index_cast %add3A_671 : i32 to index
      %swap3A_673 = tpu.vector_load %arg8[%swap3A_672] {strides = array<i32>} : memref<2624xi32, #tpu.memory_space<vmem>>, vector<16xi32>,
      %swap3A_674 = vector.shape_cast %swap3A_673 : vector<16xi32> to vector<16xi32>
      %swap3A_675 = vector.shape_cast %get3A_665 : vector<16xi32> to vector<16xi32>
      tpu.vector_store %arg8[%swap3A_672], %swap3A_675 {strides = array<i32>} : memref<2624xi32, #tpu.memory_space<vmem>>, vector<16xi32>,
      %add3A_676 = arith.addi %scan3A_651, %squeeze3A : i32
      scf.yield %add3A_676 : i32
    }
    %scan3A_446 = arith.constant 16 : i32
    %mul3A_447 = arith.constant 8 : i32
    %mul3A_448 = arith.muli %add3A, %mul3A_447 : i32
    %add3A_449 = arith.constant 5 : i32
    %add3A_450 = arith.addi %mul3A_448, %add3A_449 : i32
    %mul3A_451 = arith.constant 2 : i32
    %mul3A_452 = arith.muli %add3A_450, %mul3A_451 : i32
    %mul3A_453 = arith.constant 16 : i32
    %mul3A_454 = arith.muli %mul3A_452, %mul3A_453 : i32
    %add3A_455 = vector.broadcast %mul3A_454 : i32 to vector<16xi32>
    %add3A_456 = arith.addi %iota3A, %add3A_455 : vector<16xi32>
    %swap3A_457 = arith.index_cast %scan3A_445 : i32 to index
    %swap3A_458 = tpu.vector_load %arg8[%swap3A_457] {strides = array<i32>} : memref<2624xi32, #tpu.memory_space<vmem>>, vector<16xi32>,
    %swap3A_459 = vector.shape_cast %swap3A_458 : vector<16xi32> to vector<16xi32>
    %swap3A_460 = vector.shape_cast %add3A_456 : vector<16xi32> to vector<16xi32>
    tpu.vector_store %arg8[%swap3A_457], %swap3A_460 {strides = array<i32>} : memref<2624xi32, #tpu.memory_space<vmem>>, vector<16xi32>,
    %add3A_461 = arith.constant 16 : i32
    %add3A_462 = vector.broadcast %add3A_461 : i32 to vector<16xi32>
    %add3A_463 = arith.addi %add3A_456, %add3A_462 : vector<16xi32>
    %add3A_464 = arith.constant 16 : i32
    %add3A_465 = arith.addi %scan3A_445, %add3A_464 : i32
    %swap3A_466 = arith.index_cast %add3A_465 : i32 to index
    %swap3A_467 = tpu.vector_load %arg8[%swap3A_466] {strides = array<i32>} : memref<2624xi32, #tpu.memory_space<vmem>>, vector<16xi32>,
    %swap3A_468 = vector.shape_cast %swap3A_467 : vector<16xi32> to vector<16xi32>
    %swap3A_469 = vector.shape_cast %add3A_463 : vector<16xi32> to vector<16xi32>
    tpu.vector_store %arg8[%swap3A_466], %swap3A_469 {strides = array<i32>} : memref<2624xi32, #tpu.memory_space<vmem>>, vector<16xi32>,
    %sub3A_470 = arith.constant 1600 : i32
    %sub3A_471 = arith.subi %scan3A_445, %sub3A_470 : i32
    %add3A_472 = arith.constant 31 : i32
    %add3A_473 = arith.addi %sub3A_471, %add3A_472 : i32
    %jit3A_474 = arith.constant 32 : i32
    %div3A_475 = arith.divsi %add3A_473, %jit3A_474 : i32
    %sign3A_476 = arith.constant 0 : i32
    %sign3A_477 = arith.cmpi sgt, %add3A_473, %sign3A_476 : i32
    %sign3A_478 = arith.extui %sign3A_477 : i1 to i32
    %sign3A_479 = arith.constant 0 : i32
    %sign3A_480 = arith.cmpi slt, %add3A_473, %sign3A_479 : i32
    %sign3A_481 = arith.extui %sign3A_480 : i1 to i32
    %sign3A_482 = arith.subi %sign3A_478, %sign3A_481 : i32
    %sign3A_483 = arith.constant 0 : i32
    %sign3A_484 = arith.cmpi sgt, %jit3A_474, %sign3A_483 : i32
    %sign3A_485 = arith.extui %sign3A_484 : i1 to i32
    %sign3A_486 = arith.constant 0 : i32
    %sign3A_487 = arith.cmpi slt, %jit3A_474, %sign3A_486 : i32
    %sign3A_488 = arith.extui %sign3A_487 : i1 to i32
    %sign3A_489 = arith.subi %sign3A_485, %sign3A_488 : i32
    %ne3A_490 = arith.cmpi ne, %sign3A_482, %sign3A_489 : i32
    %rem3A_491 = arith.remsi %add3A_473, %jit3A_474 : i32
    %ne3A_492 = arith.constant 0 : i32
    %ne3A_493 = arith.cmpi ne, %rem3A_491, %ne3A_492 : i32
    %and3A_494 = arith.andi %ne3A_490, %ne3A_493 : i1
    %sub3A_495 = arith.constant 1 : i32
    %sub3A_496 = arith.subi %div3A_475, %sub3A_495 : i32
    %select_n3A_497 = arith.select %and3A_494, %sub3A_496, %div3A_475 : i32
    %eq3A_498 = arith.constant 5 : i32
    %eq3A_499 = vector.broadcast %eq3A_498 : i32 to vector<16xi32>
    %eq3A_500 = arith.cmpi eq, %iota3A, %eq3A_499 : vector<16xi32>
    %broadcast_in_dim3A_501 = vector.broadcast %select_n3A_497 : i32 to vector<16xi32>
    %select_n3A_502 = arith.select %eq3A_500, %broadcast_in_dim3A_501, %select_n3A_439 : vector<16xi1>, vector<16xi32>
    %scan3A_503 = arith.constant 1920 : i32
    %scan3A_504 = arith.constant 0 : i32
    %scan3A_505 = arith.constant 16 : i32
    %scan3A_506 = arith.addi %scan3A_504, %scan3A_505 : i32
    %scan3A_507 = arith.constant 1 : i32
    %scan3A_508 = scf.for %scan3A_650 = %scan3A_504 to %scan3A_506 step %scan3A_507 iter_args(%scan3A_651 = %scan3A_503) -> (i32)  : i32 {
      %add3A_652 = arith.constant 96 : i32
      %add3A_653 = arith.addi %add3A_652, %scan3A_650 : i32
      %get3A = arith.index_cast %add3A_653 : i32 to index
      %get3A_654 = tpu.vector_load %arg10[%get3A] {strides = array<i32>} : memref<144xi32, #tpu.memory_space<vmem>>, vector<16xi32>,
      %get3A_655 = vector.shape_cast %get3A_654 : vector<16xi32> to vector<16xi32>
      %slice3A = vector.extract_strided_slice %get3A_655 {offsets = [0], sizes = [1], strides = [1]} : vector<16xi32> to vector<1xi32>
      %squeeze3A = vector.extract %slice3A[0] : i32 from vector<1xi32>
      %add3A_656 = arith.constant 96 : i32
      %add3A_657 = arith.addi %add3A_656, %scan3A_650 : i32
      %get3A_658 = arith.index_cast %add3A_657 : i32 to index
      %get3A_659 = arith.constant 0 : index
      %get3A_660 = tpu.vector_load %arg7[%get3A_658, %get3A_659] {strides = array<i32>} : memref<128x20xi32, #tpu.memory_space<vmem>>, vector<1x16xi32>,
      %get3A_661 = vector.shape_cast %get3A_660 : vector<1x16xi32> to vector<16xi32>
      %get3A_662 = arith.index_cast %add3A_657 : i32 to index
      %get3A_663 = arith.constant 4 : index
      %get3A_664 = tpu.vector_load %arg7[%get3A_662, %get3A_663] {strides = array<i32>} : memref<128x20xi32, #tpu.memory_space<vmem>>, vector<1x16xi32>,
      %get3A_665 = vector.shape_cast %get3A_664 : vector<1x16xi32> to vector<16xi32>
      %swap3A_666 = arith.index_cast %scan3A_651 : i32 to index
      %swap3A_667 = tpu.vector_load %arg8[%swap3A_666] {strides = array<i32>} : memref<2624xi32, #tpu.memory_space<vmem>>, vector<16xi32>,
      %swap3A_668 = vector.shape_cast %swap3A_667 : vector<16xi32> to vector<16xi32>
      %swap3A_669 = vector.shape_cast %get3A_661 : vector<16xi32> to vector<16xi32>
      tpu.vector_store %arg8[%swap3A_666], %swap3A_669 {strides = array<i32>} : memref<2624xi32, #tpu.memory_space<vmem>>, vector<16xi32>,
      %add3A_670 = arith.constant 4 : i32
      %add3A_671 = arith.addi %scan3A_651, %add3A_670 : i32
      %swap3A_672 = arith.index_cast %add3A_671 : i32 to index
      %swap3A_673 = tpu.vector_load %arg8[%swap3A_672] {strides = array<i32>} : memref<2624xi32, #tpu.memory_space<vmem>>, vector<16xi32>,
      %swap3A_674 = vector.shape_cast %swap3A_673 : vector<16xi32> to vector<16xi32>
      %swap3A_675 = vector.shape_cast %get3A_665 : vector<16xi32> to vector<16xi32>
      tpu.vector_store %arg8[%swap3A_672], %swap3A_675 {strides = array<i32>} : memref<2624xi32, #tpu.memory_space<vmem>>, vector<16xi32>,
      %add3A_676 = arith.addi %scan3A_651, %squeeze3A : i32
      scf.yield %add3A_676 : i32
    }
    %scan3A_509 = arith.constant 16 : i32
    %mul3A_510 = arith.constant 8 : i32
    %mul3A_511 = arith.muli %add3A, %mul3A_510 : i32
    %add3A_512 = arith.constant 6 : i32
    %add3A_513 = arith.addi %mul3A_511, %add3A_512 : i32
    %mul3A_514 = arith.constant 2 : i32
    %mul3A_515 = arith.muli %add3A_513, %mul3A_514 : i32
    %mul3A_516 = arith.constant 16 : i32
    %mul3A_517 = arith.muli %mul3A_515, %mul3A_516 : i32
    %add3A_518 = vector.broadcast %mul3A_517 : i32 to vector<16xi32>
    %add3A_519 = arith.addi %iota3A, %add3A_518 : vector<16xi32>
    %swap3A_520 = arith.index_cast %scan3A_508 : i32 to index
    %swap3A_521 = tpu.vector_load %arg8[%swap3A_520] {strides = array<i32>} : memref<2624xi32, #tpu.memory_space<vmem>>, vector<16xi32>,
    %swap3A_522 = vector.shape_cast %swap3A_521 : vector<16xi32> to vector<16xi32>
    %swap3A_523 = vector.shape_cast %add3A_519 : vector<16xi32> to vector<16xi32>
    tpu.vector_store %arg8[%swap3A_520], %swap3A_523 {strides = array<i32>} : memref<2624xi32, #tpu.memory_space<vmem>>, vector<16xi32>,
    %add3A_524 = arith.constant 16 : i32
    %add3A_525 = vector.broadcast %add3A_524 : i32 to vector<16xi32>
    %add3A_526 = arith.addi %add3A_519, %add3A_525 : vector<16xi32>
    %add3A_527 = arith.constant 16 : i32
    %add3A_528 = arith.addi %scan3A_508, %add3A_527 : i32
    %swap3A_529 = arith.index_cast %add3A_528 : i32 to index
    %swap3A_530 = tpu.vector_load %arg8[%swap3A_529] {strides = array<i32>} : memref<2624xi32, #tpu.memory_space<vmem>>, vector<16xi32>,
    %swap3A_531 = vector.shape_cast %swap3A_530 : vector<16xi32> to vector<16xi32>
    %swap3A_532 = vector.shape_cast %add3A_526 : vector<16xi32> to vector<16xi32>
    tpu.vector_store %arg8[%swap3A_529], %swap3A_532 {strides = array<i32>} : memref<2624xi32, #tpu.memory_space<vmem>>, vector<16xi32>,
    %sub3A_533 = arith.constant 1920 : i32
    %sub3A_534 = arith.subi %scan3A_508, %sub3A_533 : i32
    %add3A_535 = arith.constant 31 : i32
    %add3A_536 = arith.addi %sub3A_534, %add3A_535 : i32
    %jit3A_537 = arith.constant 32 : i32
    %div3A_538 = arith.divsi %add3A_536, %jit3A_537 : i32
    %sign3A_539 = arith.constant 0 : i32
    %sign3A_540 = arith.cmpi sgt, %add3A_536, %sign3A_539 : i32
    %sign3A_541 = arith.extui %sign3A_540 : i1 to i32
    %sign3A_542 = arith.constant 0 : i32
    %sign3A_543 = arith.cmpi slt, %add3A_536, %sign3A_542 : i32
    %sign3A_544 = arith.extui %sign3A_543 : i1 to i32
    %sign3A_545 = arith.subi %sign3A_541, %sign3A_544 : i32
    %sign3A_546 = arith.constant 0 : i32
    %sign3A_547 = arith.cmpi sgt, %jit3A_537, %sign3A_546 : i32
    %sign3A_548 = arith.extui %sign3A_547 : i1 to i32
    %sign3A_549 = arith.constant 0 : i32
    %sign3A_550 = arith.cmpi slt, %jit3A_537, %sign3A_549 : i32
    %sign3A_551 = arith.extui %sign3A_550 : i1 to i32
    %sign3A_552 = arith.subi %sign3A_548, %sign3A_551 : i32
    %ne3A_553 = arith.cmpi ne, %sign3A_545, %sign3A_552 : i32
    %rem3A_554 = arith.remsi %add3A_536, %jit3A_537 : i32
    %ne3A_555 = arith.constant 0 : i32
    %ne3A_556 = arith.cmpi ne, %rem3A_554, %ne3A_555 : i32
    %and3A_557 = arith.andi %ne3A_553, %ne3A_556 : i1
    %sub3A_558 = arith.constant 1 : i32
    %sub3A_559 = arith.subi %div3A_538, %sub3A_558 : i32
    %select_n3A_560 = arith.select %and3A_557, %sub3A_559, %div3A_538 : i32
    %eq3A_561 = arith.constant 6 : i32
    %eq3A_562 = vector.broadcast %eq3A_561 : i32 to vector<16xi32>
    %eq3A_563 = arith.cmpi eq, %iota3A, %eq3A_562 : vector<16xi32>
    %broadcast_in_dim3A_564 = vector.broadcast %select_n3A_560 : i32 to vector<16xi32>
    %select_n3A_565 = arith.select %eq3A_563, %broadcast_in_dim3A_564, %select_n3A_502 : vector<16xi1>, vector<16xi32>
    %scan3A_566 = arith.constant 2240 : i32
    %scan3A_567 = arith.constant 0 : i32
    %scan3A_568 = arith.constant 16 : i32
    %scan3A_569 = arith.addi %scan3A_567, %scan3A_568 : i32
    %scan3A_570 = arith.constant 1 : i32
    %scan3A_571 = scf.for %scan3A_650 = %scan3A_567 to %scan3A_569 step %scan3A_570 iter_args(%scan3A_651 = %scan3A_566) -> (i32)  : i32 {
      %add3A_652 = arith.constant 112 : i32
      %add3A_653 = arith.addi %add3A_652, %scan3A_650 : i32
      %get3A = arith.index_cast %add3A_653 : i32 to index
      %get3A_654 = tpu.vector_load %arg10[%get3A] {strides = array<i32>} : memref<144xi32, #tpu.memory_space<vmem>>, vector<16xi32>,
      %get3A_655 = vector.shape_cast %get3A_654 : vector<16xi32> to vector<16xi32>
      %slice3A = vector.extract_strided_slice %get3A_655 {offsets = [0], sizes = [1], strides = [1]} : vector<16xi32> to vector<1xi32>
      %squeeze3A = vector.extract %slice3A[0] : i32 from vector<1xi32>
      %add3A_656 = arith.constant 112 : i32
      %add3A_657 = arith.addi %add3A_656, %scan3A_650 : i32
      %get3A_658 = arith.index_cast %add3A_657 : i32 to index
      %get3A_659 = arith.constant 0 : index
      %get3A_660 = tpu.vector_load %arg7[%get3A_658, %get3A_659] {strides = array<i32>} : memref<128x20xi32, #tpu.memory_space<vmem>>, vector<1x16xi32>,
      %get3A_661 = vector.shape_cast %get3A_660 : vector<1x16xi32> to vector<16xi32>
      %get3A_662 = arith.index_cast %add3A_657 : i32 to index
      %get3A_663 = arith.constant 4 : index
      %get3A_664 = tpu.vector_load %arg7[%get3A_662, %get3A_663] {strides = array<i32>} : memref<128x20xi32, #tpu.memory_space<vmem>>, vector<1x16xi32>,
      %get3A_665 = vector.shape_cast %get3A_664 : vector<1x16xi32> to vector<16xi32>
      %swap3A_666 = arith.index_cast %scan3A_651 : i32 to index
      %swap3A_667 = tpu.vector_load %arg8[%swap3A_666] {strides = array<i32>} : memref<2624xi32, #tpu.memory_space<vmem>>, vector<16xi32>,
      %swap3A_668 = vector.shape_cast %swap3A_667 : vector<16xi32> to vector<16xi32>
      %swap3A_669 = vector.shape_cast %get3A_661 : vector<16xi32> to vector<16xi32>
      tpu.vector_store %arg8[%swap3A_666], %swap3A_669 {strides = array<i32>} : memref<2624xi32, #tpu.memory_space<vmem>>, vector<16xi32>,
      %add3A_670 = arith.constant 4 : i32
      %add3A_671 = arith.addi %scan3A_651, %add3A_670 : i32
      %swap3A_672 = arith.index_cast %add3A_671 : i32 to index
      %swap3A_673 = tpu.vector_load %arg8[%swap3A_672] {strides = array<i32>} : memref<2624xi32, #tpu.memory_space<vmem>>, vector<16xi32>,
      %swap3A_674 = vector.shape_cast %swap3A_673 : vector<16xi32> to vector<16xi32>
      %swap3A_675 = vector.shape_cast %get3A_665 : vector<16xi32> to vector<16xi32>
      tpu.vector_store %arg8[%swap3A_672], %swap3A_675 {strides = array<i32>} : memref<2624xi32, #tpu.memory_space<vmem>>, vector<16xi32>,
      %add3A_676 = arith.addi %scan3A_651, %squeeze3A : i32
      scf.yield %add3A_676 : i32
    }
    %scan3A_572 = arith.constant 16 : i32
    %mul3A_573 = arith.constant 8 : i32
    %mul3A_574 = arith.muli %add3A, %mul3A_573 : i32
    %add3A_575 = arith.constant 7 : i32
    %add3A_576 = arith.addi %mul3A_574, %add3A_575 : i32
    %mul3A_577 = arith.constant 2 : i32
    %mul3A_578 = arith.muli %add3A_576, %mul3A_577 : i32
    %mul3A_579 = arith.constant 16 : i32
    %mul3A_580 = arith.muli %mul3A_578, %mul3A_579 : i32
    %add3A_581 = vector.broadcast %mul3A_580 : i32 to vector<16xi32>
    %add3A_582 = arith.addi %iota3A, %add3A_581 : vector<16xi32>
    %swap3A_583 = arith.index_cast %scan3A_571 : i32 to index
    %swap3A_584 = tpu.vector_load %arg8[%swap3A_583] {strides = array<i32>} : memref<2624xi32, #tpu.memory_space<vmem>>, vector<16xi32>,
    %swap3A_585 = vector.shape_cast %swap3A_584 : vector<16xi32> to vector<16xi32>
    %swap3A_586 = vector.shape_cast %add3A_582 : vector<16xi32> to vector<16xi32>
    tpu.vector_store %arg8[%swap3A_583], %swap3A_586 {strides = array<i32>} : memref<2624xi32, #tpu.memory_space<vmem>>, vector<16xi32>,
    %add3A_587 = arith.constant 16 : i32
    %add3A_588 = vector.broadcast %add3A_587 : i32 to vector<16xi32>
    %add3A_589 = arith.addi %add3A_582, %add3A_588 : vector<16xi32>
    %add3A_590 = arith.constant 16 : i32
    %add3A_591 = arith.addi %scan3A_571, %add3A_590 : i32
    %swap3A_592 = arith.index_cast %add3A_591 : i32 to index
    %swap3A_593 = tpu.vector_load %arg8[%swap3A_592] {strides = array<i32>} : memref<2624xi32, #tpu.memory_space<vmem>>, vector<16xi32>,
    %swap3A_594 = vector.shape_cast %swap3A_593 : vector<16xi32> to vector<16xi32>
    %swap3A_595 = vector.shape_cast %add3A_589 : vector<16xi32> to vector<16xi32>
    tpu.vector_store %arg8[%swap3A_592], %swap3A_595 {strides = array<i32>} : memref<2624xi32, #tpu.memory_space<vmem>>, vector<16xi32>,
    %sub3A_596 = arith.constant 2240 : i32
    %sub3A_597 = arith.subi %scan3A_571, %sub3A_596 : i32
    %add3A_598 = arith.constant 31 : i32
    %add3A_599 = arith.addi %sub3A_597, %add3A_598 : i32
    %jit3A_600 = arith.constant 32 : i32
    %div3A_601 = arith.divsi %add3A_599, %jit3A_600 : i32
    %sign3A_602 = arith.constant 0 : i32
    %sign3A_603 = arith.cmpi sgt, %add3A_599, %sign3A_602 : i32
    %sign3A_604 = arith.extui %sign3A_603 : i1 to i32
    %sign3A_605 = arith.constant 0 : i32
    %sign3A_606 = arith.cmpi slt, %add3A_599, %sign3A_605 : i32
    %sign3A_607 = arith.extui %sign3A_606 : i1 to i32
    %sign3A_608 = arith.subi %sign3A_604, %sign3A_607 : i32
    %sign3A_609 = arith.constant 0 : i32
    %sign3A_610 = arith.cmpi sgt, %jit3A_600, %sign3A_609 : i32
    %sign3A_611 = arith.extui %sign3A_610 : i1 to i32
    %sign3A_612 = arith.constant 0 : i32
    %sign3A_613 = arith.cmpi slt, %jit3A_600, %sign3A_612 : i32
    %sign3A_614 = arith.extui %sign3A_613 : i1 to i32
    %sign3A_615 = arith.subi %sign3A_611, %sign3A_614 : i32
    %ne3A_616 = arith.cmpi ne, %sign3A_608, %sign3A_615 : i32
    %rem3A_617 = arith.remsi %add3A_599, %jit3A_600 : i32
    %ne3A_618 = arith.constant 0 : i32
    %ne3A_619 = arith.cmpi ne, %rem3A_617, %ne3A_618 : i32
    %and3A_620 = arith.andi %ne3A_616, %ne3A_619 : i1
    %sub3A_621 = arith.constant 1 : i32
    %sub3A_622 = arith.subi %div3A_601, %sub3A_621 : i32
    %select_n3A_623 = arith.select %and3A_620, %sub3A_622, %div3A_601 : i32
    %eq3A_624 = arith.constant 7 : i32
    %eq3A_625 = vector.broadcast %eq3A_624 : i32 to vector<16xi32>
    %eq3A_626 = arith.cmpi eq, %iota3A, %eq3A_625 : vector<16xi32>
    %broadcast_in_dim3A_627 = vector.broadcast %select_n3A_623 : i32 to vector<16xi32>
    %select_n3A_628 = arith.select %eq3A_626, %broadcast_in_dim3A_627, %select_n3A_565 : vector<16xi1>, vector<16xi32>
    %swap3A_629 = arith.constant 0 : index
    %swap3A_630 = tpu.vector_load %arg9[%swap3A_629] {strides = array<i32>} : memref<32xi32, #tpu.memory_space<vmem>>, vector<16xi32>,
    %swap3A_631 = vector.shape_cast %swap3A_630 : vector<16xi32> to vector<16xi32>
    %swap3A_632 = vector.shape_cast %select_n3A_628 : vector<16xi32> to vector<16xi32>
    tpu.vector_store %arg9[%swap3A_629], %swap3A_632 {strides = array<i32>} : memref<32xi32, #tpu.memory_space<vmem>>, vector<16xi32>,
    %scan3A_633 = arith.constant 0 : i32
    %scan3A_634 = arith.constant 4 : i32
    %scan3A_635 = arith.addi %scan3A_633, %scan3A_634 : i32
    %scan3A_636 = arith.constant 1 : i32
    %scan3A_637:8 = scf.for %scan3A_650 = %scan3A_633 to %scan3A_635 step %scan3A_636 iter_args(%scan3A_651 = %broadcast_in_dim3A_25, %scan3A_652 = %broadcast_in_dim3A_25, %scan3A_653 = %broadcast_in_dim3A_25, %scan3A_654 = %broadcast_in_dim3A_25, %scan3A_655 = %broadcast_in_dim3A_25, %scan3A_656 = %broadcast_in_dim3A_25, %scan3A_657 = %broadcast_in_dim3A_25, %scan3A_658 = %broadcast_in_dim3A_25) -> (vector<16xf32>, vector<16xf32>, vector<16xf32>, vector<16xf32>, vector<16xf32>, vector<16xf32>, vector<16xf32>, vector<16xf32>)  : i32 {
      %mul3A_659 = arith.constant 2 : i32
      %mul3A_660 = arith.muli %mul3A_659, %scan3A_650 : i32
      %get3A = arith.index_cast %mul3A_660 : i32 to index
      %get3A_661 = tpu.vector_load %arg9[%get3A] {strides = array<i32>} : memref<32xi32, #tpu.memory_space<vmem>>, vector<16xi32>,
      %get3A_662 = vector.shape_cast %get3A_661 : vector<16xi32> to vector<16xi32>
      %slice3A = vector.extract_strided_slice %get3A_662 {offsets = [0], sizes = [1], strides = [1]} : vector<16xi32> to vector<1xi32>
      %squeeze3A = vector.extract %slice3A[0] : i32 from vector<1xi32>
      %gt3A_663 = arith.constant 0 : i32
      %gt3A_664 = arith.cmpi sgt, %squeeze3A, %gt3A_663 : i32
      %convert_element_type3A_665 = arith.extui %gt3A_664 : i1 to i32
      %cond3A_666 = arith.constant 0 : i32
      %cond3A_667 = arith.cmpi ne, %convert_element_type3A_665, %cond3A_666 : i32
      scf.if %cond3A_667 {
        %dma_wait3A_805 = arith.constant 0 : i32
        %dma_wait3A_806 = arith.constant 0 : i32
        %dma_wait3A_807 = tpu.memref_slice %arg12[%dma_wait3A_805, %dma_wait3A_806] : memref<320x128xf32, #tpu.memory_space<vmem>> -> memref<32x128xf32, #tpu.memory_space<vmem>>
        %dma_wait3A_808 = arith.constant 0 : i32
        %dma_wait3A_809 = tpu.memref_slice %arg8[%dma_wait3A_808] : memref<2624xi32, #tpu.memory_space<vmem>> -> memref<32xi32, #tpu.memory_space<vmem>>
        %dma_wait3A_810 = arith.constant 0 : i32
        %dma_wait3A_811 = arith.constant 0 : i32
        %dma_wait3A_812 = tpu.memref_slice %arg2[%dma_wait3A_810, %dma_wait3A_811] : memref<100000x128xf32, #tpu.memory_space<hbm>> -> memref<100000x128xf32, #tpu.memory_space<hbm>>
        tpu.wait_indirect_dma semaphore(%arg17 : memref<!tpu.dma_semaphore, #tpu.memory_space<semaphore_mem>>) src(%dma_wait3A_812 : memref<100000x128xf32, #tpu.memory_space<hbm>>) dst(%dma_wait3A_807 : memref<32x128xf32, #tpu.memory_space<vmem>>)
      } else {
      }
      %gt3A_668 = arith.constant 1 : i32
      %gt3A_669 = arith.cmpi sgt, %squeeze3A, %gt3A_668 : i32
      %convert_element_type3A_670 = arith.extui %gt3A_669 : i1 to i32
      %cond3A_671 = arith.constant 0 : i32
      %cond3A_672 = arith.cmpi ne, %convert_element_type3A_670, %cond3A_671 : i32
      scf.if %cond3A_672 {
        %dma_wait3A_805 = arith.constant 32 : i32
        %dma_wait3A_806 = arith.constant 0 : i32
        %dma_wait3A_807 = tpu.memref_slice %arg12[%dma_wait3A_805, %dma_wait3A_806] : memref<320x128xf32, #tpu.memory_space<vmem>> -> memref<32x128xf32, #tpu.memory_space<vmem>>
        %dma_wait3A_808 = arith.constant 0 : i32
        %dma_wait3A_809 = tpu.memref_slice %arg8[%dma_wait3A_808] : memref<2624xi32, #tpu.memory_space<vmem>> -> memref<32xi32, #tpu.memory_space<vmem>>
        %dma_wait3A_810 = arith.constant 0 : i32
        %dma_wait3A_811 = arith.constant 0 : i32
        %dma_wait3A_812 = tpu.memref_slice %arg2[%dma_wait3A_810, %dma_wait3A_811] : memref<100000x128xf32, #tpu.memory_space<hbm>> -> memref<100000x128xf32, #tpu.memory_space<hbm>>
        tpu.wait_indirect_dma semaphore(%arg17 : memref<!tpu.dma_semaphore, #tpu.memory_space<semaphore_mem>>) src(%dma_wait3A_812 : memref<100000x128xf32, #tpu.memory_space<hbm>>) dst(%dma_wait3A_807 : memref<32x128xf32, #tpu.memory_space<vmem>>)
      } else {
      }
      %gt3A_673 = arith.constant 2 : i32
      %gt3A_674 = arith.cmpi sgt, %squeeze3A, %gt3A_673 : i32
      %convert_element_type3A_675 = arith.extui %gt3A_674 : i1 to i32
      %cond3A_676 = arith.constant 0 : i32
      %cond3A_677 = arith.cmpi ne, %convert_element_type3A_675, %cond3A_676 : i32
      scf.if %cond3A_677 {
        %dma_wait3A_805 = arith.constant 64 : i32
        %dma_wait3A_806 = arith.constant 0 : i32
        %dma_wait3A_807 = tpu.memref_slice %arg12[%dma_wait3A_805, %dma_wait3A_806] : memref<320x128xf32, #tpu.memory_space<vmem>> -> memref<32x128xf32, #tpu.memory_space<vmem>>
        %dma_wait3A_808 = arith.constant 0 : i32
        %dma_wait3A_809 = tpu.memref_slice %arg8[%dma_wait3A_808] : memref<2624xi32, #tpu.memory_space<vmem>> -> memref<32xi32, #tpu.memory_space<vmem>>
        %dma_wait3A_810 = arith.constant 0 : i32
        %dma_wait3A_811 = arith.constant 0 : i32
        %dma_wait3A_812 = tpu.memref_slice %arg2[%dma_wait3A_810, %dma_wait3A_811] : memref<100000x128xf32, #tpu.memory_space<hbm>> -> memref<100000x128xf32, #tpu.memory_space<hbm>>
        tpu.wait_indirect_dma semaphore(%arg17 : memref<!tpu.dma_semaphore, #tpu.memory_space<semaphore_mem>>) src(%dma_wait3A_812 : memref<100000x128xf32, #tpu.memory_space<hbm>>) dst(%dma_wait3A_807 : memref<32x128xf32, #tpu.memory_space<vmem>>)
      } else {
      }
      %gt3A_678 = arith.constant 3 : i32
      %gt3A_679 = arith.cmpi sgt, %squeeze3A, %gt3A_678 : i32
      %convert_element_type3A_680 = arith.extui %gt3A_679 : i1 to i32
      %cond3A_681 = arith.constant 0 : i32
      %cond3A_682 = arith.cmpi ne, %convert_element_type3A_680, %cond3A_681 : i32
      scf.if %cond3A_682 {
        %dma_wait3A_805 = arith.constant 96 : i32
        %dma_wait3A_806 = arith.constant 0 : i32
        %dma_wait3A_807 = tpu.memref_slice %arg12[%dma_wait3A_805, %dma_wait3A_806] : memref<320x128xf32, #tpu.memory_space<vmem>> -> memref<32x128xf32, #tpu.memory_space<vmem>>
        %dma_wait3A_808 = arith.constant 0 : i32
        %dma_wait3A_809 = tpu.memref_slice %arg8[%dma_wait3A_808] : memref<2624xi32, #tpu.memory_space<vmem>> -> memref<32xi32, #tpu.memory_space<vmem>>
        %dma_wait3A_810 = arith.constant 0 : i32
        %dma_wait3A_811 = arith.constant 0 : i32
        %dma_wait3A_812 = tpu.memref_slice %arg2[%dma_wait3A_810, %dma_wait3A_811] : memref<100000x128xf32, #tpu.memory_space<hbm>> -> memref<100000x128xf32, #tpu.memory_space<hbm>>
        tpu.wait_indirect_dma semaphore(%arg17 : memref<!tpu.dma_semaphore, #tpu.memory_space<semaphore_mem>>) src(%dma_wait3A_812 : memref<100000x128xf32, #tpu.memory_space<hbm>>) dst(%dma_wait3A_807 : memref<32x128xf32, #tpu.memory_space<vmem>>)
      } else {
      }
      %gt3A_683 = arith.constant 4 : i32
      %gt3A_684 = arith.cmpi sgt, %squeeze3A, %gt3A_683 : i32
      %convert_element_type3A_685 = arith.extui %gt3A_684 : i1 to i32
      %cond3A_686 = arith.constant 0 : i32
      %cond3A_687 = arith.cmpi ne, %convert_element_type3A_685, %cond3A_686 : i32
      scf.if %cond3A_687 {
        %dma_wait3A_805 = arith.constant 128 : i32
        %dma_wait3A_806 = arith.constant 0 : i32
        %dma_wait3A_807 = tpu.memref_slice %arg12[%dma_wait3A_805, %dma_wait3A_806] : memref<320x128xf32, #tpu.memory_space<vmem>> -> memref<32x128xf32, #tpu.memory_space<vmem>>
        %dma_wait3A_808 = arith.constant 0 : i32
        %dma_wait3A_809 = tpu.memref_slice %arg8[%dma_wait3A_808] : memref<2624xi32, #tpu.memory_space<vmem>> -> memref<32xi32, #tpu.memory_space<vmem>>
        %dma_wait3A_810 = arith.constant 0 : i32
        %dma_wait3A_811 = arith.constant 0 : i32
        %dma_wait3A_812 = tpu.memref_slice %arg2[%dma_wait3A_810, %dma_wait3A_811] : memref<100000x128xf32, #tpu.memory_space<hbm>> -> memref<100000x128xf32, #tpu.memory_space<hbm>>
        tpu.wait_indirect_dma semaphore(%arg17 : memref<!tpu.dma_semaphore, #tpu.memory_space<semaphore_mem>>) src(%dma_wait3A_812 : memref<100000x128xf32, #tpu.memory_space<hbm>>) dst(%dma_wait3A_807 : memref<32x128xf32, #tpu.memory_space<vmem>>)
      } else {
      }
      %gt3A_688 = arith.constant 5 : i32
      %gt3A_689 = arith.cmpi sgt, %squeeze3A, %gt3A_688 : i32
      %convert_element_type3A_690 = arith.extui %gt3A_689 : i1 to i32
      %cond3A_691 = arith.constant 0 : i32
      %cond3A_692 = arith.cmpi ne, %convert_element_type3A_690, %cond3A_691 : i32
      scf.if %cond3A_692 {
        %dma_wait3A_805 = arith.constant 160 : i32
        %dma_wait3A_806 = arith.constant 0 : i32
        %dma_wait3A_807 = tpu.memref_slice %arg12[%dma_wait3A_805, %dma_wait3A_806] : memref<320x128xf32, #tpu.memory_space<vmem>> -> memref<32x128xf32, #tpu.memory_space<vmem>>
        %dma_wait3A_808 = arith.constant 0 : i32
        %dma_wait3A_809 = tpu.memref_slice %arg8[%dma_wait3A_808] : memref<2624xi32, #tpu.memory_space<vmem>> -> memref<32xi32, #tpu.memory_space<vmem>>
        %dma_wait3A_810 = arith.constant 0 : i32
        %dma_wait3A_811 = arith.constant 0 : i32
        %dma_wait3A_812 = tpu.memref_slice %arg2[%dma_wait3A_810, %dma_wait3A_811] : memref<100000x128xf32, #tpu.memory_space<hbm>> -> memref<100000x128xf32, #tpu.memory_space<hbm>>
        tpu.wait_indirect_dma semaphore(%arg17 : memref<!tpu.dma_semaphore, #tpu.memory_space<semaphore_mem>>) src(%dma_wait3A_812 : memref<100000x128xf32, #tpu.memory_space<hbm>>) dst(%dma_wait3A_807 : memref<32x128xf32, #tpu.memory_space<vmem>>)
      } else {
      }
      %gt3A_693 = arith.constant 6 : i32
      %gt3A_694 = arith.cmpi sgt, %squeeze3A, %gt3A_693 : i32
      %convert_element_type3A_695 = arith.extui %gt3A_694 : i1 to i32
      %cond3A_696 = arith.constant 0 : i32
      %cond3A_697 = arith.cmpi ne, %convert_element_type3A_695, %cond3A_696 : i32
      scf.if %cond3A_697 {
        %dma_wait3A_805 = arith.constant 192 : i32
        %dma_wait3A_806 = arith.constant 0 : i32
        %dma_wait3A_807 = tpu.memref_slice %arg12[%dma_wait3A_805, %dma_wait3A_806] : memref<320x128xf32, #tpu.memory_space<vmem>> -> memref<32x128xf32, #tpu.memory_space<vmem>>
        %dma_wait3A_808 = arith.constant 0 : i32
        %dma_wait3A_809 = tpu.memref_slice %arg8[%dma_wait3A_808] : memref<2624xi32, #tpu.memory_space<vmem>> -> memref<32xi32, #tpu.memory_space<vmem>>
        %dma_wait3A_810 = arith.constant 0 : i32
        %dma_wait3A_811 = arith.constant 0 : i32
        %dma_wait3A_812 = tpu.memref_slice %arg2[%dma_wait3A_810, %dma_wait3A_811] : memref<100000x128xf32, #tpu.memory_space<hbm>> -> memref<100000x128xf32, #tpu.memory_space<hbm>>
        tpu.wait_indirect_dma semaphore(%arg17 : memref<!tpu.dma_semaphore, #tpu.memory_space<semaphore_mem>>) src(%dma_wait3A_812 : memref<100000x128xf32, #tpu.memory_space<hbm>>) dst(%dma_wait3A_807 : memref<32x128xf32, #tpu.memory_space<vmem>>)
      } else {
      }
      %gt3A_698 = arith.constant 7 : i32
      %gt3A_699 = arith.cmpi sgt, %squeeze3A, %gt3A_698 : i32
      %convert_element_type3A_700 = arith.extui %gt3A_699 : i1 to i32
      %cond3A_701 = arith.constant 0 : i32
      %cond3A_702 = arith.cmpi ne, %convert_element_type3A_700, %cond3A_701 : i32
      scf.if %cond3A_702 {
        %dma_wait3A_805 = arith.constant 224 : i32
        %dma_wait3A_806 = arith.constant 0 : i32
        %dma_wait3A_807 = tpu.memref_slice %arg12[%dma_wait3A_805, %dma_wait3A_806] : memref<320x128xf32, #tpu.memory_space<vmem>> -> memref<32x128xf32, #tpu.memory_space<vmem>>
        %dma_wait3A_808 = arith.constant 0 : i32
        %dma_wait3A_809 = tpu.memref_slice %arg8[%dma_wait3A_808] : memref<2624xi32, #tpu.memory_space<vmem>> -> memref<32xi32, #tpu.memory_space<vmem>>
        %dma_wait3A_810 = arith.constant 0 : i32
        %dma_wait3A_811 = arith.constant 0 : i32
        %dma_wait3A_812 = tpu.memref_slice %arg2[%dma_wait3A_810, %dma_wait3A_811] : memref<100000x128xf32, #tpu.memory_space<hbm>> -> memref<100000x128xf32, #tpu.memory_space<hbm>>
        tpu.wait_indirect_dma semaphore(%arg17 : memref<!tpu.dma_semaphore, #tpu.memory_space<semaphore_mem>>) src(%dma_wait3A_812 : memref<100000x128xf32, #tpu.memory_space<hbm>>) dst(%dma_wait3A_807 : memref<32x128xf32, #tpu.memory_space<vmem>>)
      } else {
      }
      %gt3A_703 = arith.constant 8 : i32
      %gt3A_704 = arith.cmpi sgt, %squeeze3A, %gt3A_703 : i32
      %convert_element_type3A_705 = arith.extui %gt3A_704 : i1 to i32
      %cond3A_706 = arith.constant 0 : i32
      %cond3A_707 = arith.cmpi ne, %convert_element_type3A_705, %cond3A_706 : i32
      scf.if %cond3A_707 {
        %dma_wait3A_805 = arith.constant 256 : i32
        %dma_wait3A_806 = arith.constant 0 : i32
        %dma_wait3A_807 = tpu.memref_slice %arg12[%dma_wait3A_805, %dma_wait3A_806] : memref<320x128xf32, #tpu.memory_space<vmem>> -> memref<32x128xf32, #tpu.memory_space<vmem>>
        %dma_wait3A_808 = arith.constant 0 : i32
        %dma_wait3A_809 = tpu.memref_slice %arg8[%dma_wait3A_808] : memref<2624xi32, #tpu.memory_space<vmem>> -> memref<32xi32, #tpu.memory_space<vmem>>
        %dma_wait3A_810 = arith.constant 0 : i32
        %dma_wait3A_811 = arith.constant 0 : i32
        %dma_wait3A_812 = tpu.memref_slice %arg2[%dma_wait3A_810, %dma_wait3A_811] : memref<100000x128xf32, #tpu.memory_space<hbm>> -> memref<100000x128xf32, #tpu.memory_space<hbm>>
        tpu.wait_indirect_dma semaphore(%arg17 : memref<!tpu.dma_semaphore, #tpu.memory_space<semaphore_mem>>) src(%dma_wait3A_812 : memref<100000x128xf32, #tpu.memory_space<hbm>>) dst(%dma_wait3A_807 : memref<32x128xf32, #tpu.memory_space<vmem>>)
      } else {
      }
      %gt3A_708 = arith.constant 9 : i32
      %gt3A_709 = arith.cmpi sgt, %squeeze3A, %gt3A_708 : i32
      %convert_element_type3A_710 = arith.extui %gt3A_709 : i1 to i32
      %cond3A_711 = arith.constant 0 : i32
      %cond3A_712 = arith.cmpi ne, %convert_element_type3A_710, %cond3A_711 : i32
      scf.if %cond3A_712 {
        %dma_wait3A_805 = arith.constant 288 : i32
        %dma_wait3A_806 = arith.constant 0 : i32
        %dma_wait3A_807 = tpu.memref_slice %arg12[%dma_wait3A_805, %dma_wait3A_806] : memref<320x128xf32, #tpu.memory_space<vmem>> -> memref<32x128xf32, #tpu.memory_space<vmem>>
        %dma_wait3A_808 = arith.constant 0 : i32
        %dma_wait3A_809 = tpu.memref_slice %arg8[%dma_wait3A_808] : memref<2624xi32, #tpu.memory_space<vmem>> -> memref<32xi32, #tpu.memory_space<vmem>>
        %dma_wait3A_810 = arith.constant 0 : i32
        %dma_wait3A_811 = arith.constant 0 : i32
        %dma_wait3A_812 = tpu.memref_slice %arg2[%dma_wait3A_810, %dma_wait3A_811] : memref<100000x128xf32, #tpu.memory_space<hbm>> -> memref<100000x128xf32, #tpu.memory_space<hbm>>
        tpu.wait_indirect_dma semaphore(%arg17 : memref<!tpu.dma_semaphore, #tpu.memory_space<semaphore_mem>>) src(%dma_wait3A_812 : memref<100000x128xf32, #tpu.memory_space<hbm>>) dst(%dma_wait3A_807 : memref<32x128xf32, #tpu.memory_space<vmem>>)
      } else {
      }
      %dma_wait3A_713 = arith.constant 0 : i32
      %dma_wait3A_714 = tpu.memref_slice %arg11[%dma_wait3A_713] : memref<128xi32, #tpu.memory_space<vmem>> -> memref<16xi32, #tpu.memory_space<vmem>>
      %dma_wait3A_715 = arith.constant 0 : i32
      %dma_wait3A_716 = arith.constant 0 : i32
      %dma_wait3A_717 = tpu.memref_slice %arg2[%dma_wait3A_715, %dma_wait3A_716] : memref<100000x128xf32, #tpu.memory_space<hbm>> -> memref<100000x128xf32, #tpu.memory_space<hbm>>
      tpu.wait_indirect_dma semaphore(%arg17 : memref<!tpu.dma_semaphore, #tpu.memory_space<semaphore_mem>>) src(%dma_wait3A_717 : memref<100000x128xf32, #tpu.memory_space<hbm>>) dst(%arg14 : memref<16x128xf32, #tpu.memory_space<vmem>>)
      %scan3A_718 = arith.constant 0 : i32
      %scan3A_719 = arith.constant 0 : i32
      %scan3A_720 = arith.constant 16 : i32
      %scan3A_721 = arith.addi %scan3A_719, %scan3A_720 : i32
      %scan3A_722 = arith.constant 1 : i32
      %scan3A_723:9 = scf.for %scan3A_805 = %scan3A_719 to %scan3A_721 step %scan3A_722 iter_args(%scan3A_806 = %scan3A_651, %scan3A_807 = %scan3A_652, %scan3A_808 = %scan3A_653, %scan3A_809 = %scan3A_654, %scan3A_810 = %scan3A_655, %scan3A_811 = %scan3A_656, %scan3A_812 = %scan3A_657, %scan3A_813 = %scan3A_658, %scan3A_814 = %scan3A_718) -> (vector<16xf32>, vector<16xf32>, vector<16xf32>, vector<16xf32>, vector<16xf32>, vector<16xf32>, vector<16xf32>, vector<16xf32>, i32)  : i32 {
        %mul3A_815 = arith.constant 16 : i32
        %mul3A_816 = arith.muli %mul3A_660, %mul3A_815 : i32
        %add3A_817 = arith.addi %mul3A_816, %scan3A_805 : i32
        %get3A_818 = arith.index_cast %add3A_817 : i32 to index
        %get3A_819 = tpu.vector_load %arg10[%get3A_818] {strides = array<i32>} : memref<144xi32, #tpu.memory_space<vmem>>, vector<16xi32>,
        %get3A_820 = vector.shape_cast %get3A_819 : vector<16xi32> to vector<16xi32>
        %slice3A_821 = vector.extract_strided_slice %get3A_820 {offsets = [0], sizes = [1], strides = [1]} : vector<16xi32> to vector<1xi32>
        %squeeze3A_822 = vector.extract %slice3A_821[0] : i32 from vector<1xi32>
        %broadcast_in_dim3A_823 = arith.constant 1.000000e+00 : f32
        %broadcast_in_dim3A_824 = vector.broadcast %broadcast_in_dim3A_823 : f32 to vector<16xf32>
        %broadcast_in_dim3A_825 = vector.broadcast %squeeze3A_822 : i32 to vector<16xi32>
        %convert_element_type3A_826 = arith.sitofp %broadcast_in_dim3A_825 : vector<16xi32> to vector<16xf32>
        %div3A_827 = arith.divf %broadcast_in_dim3A_824, %convert_element_type3A_826 : vector<16xf32>
        %while3A = arith.constant 0 : i32
        %while3A_828 = arith.subi %squeeze3A_822, %while3A : i32
        %while3A_829 = arith.addi %while3A, %while3A_828 : i32
        %while3A_830 = arith.constant 1 : i32
        %while3A_831 = arith.divsi %while3A_828, %while3A_830 : i32
        %while3A_832 = arith.muli %while3A_831, %while3A_830 : i32
        %while3A_833 = arith.addi %while3A, %while3A_832 : i32
        %while3A_834 = arith.constant 1 : i32
        %while3A_835:8 = scf.for %while3A_903 = %while3A to %while3A_833 step %while3A_834 iter_args(%while3A_904 = %broadcast_in_dim3A_25, %while3A_905 = %broadcast_in_dim3A_25, %while3A_906 = %broadcast_in_dim3A_25, %while3A_907 = %broadcast_in_dim3A_25, %while3A_908 = %broadcast_in_dim3A_25, %while3A_909 = %broadcast_in_dim3A_25, %while3A_910 = %broadcast_in_dim3A_25, %while3A_911 = %broadcast_in_dim3A_25) -> (vector<16xf32>, vector<16xf32>, vector<16xf32>, vector<16xf32>, vector<16xf32>, vector<16xf32>, vector<16xf32>, vector<16xf32>)  : i32 {
          %add3A_912 = arith.addi %scan3A_814, %while3A_903 : i32
          %get3A_913 = arith.index_cast %add3A_912 : i32 to index
          %get3A_914 = arith.constant 0 : index
          %get3A_915 = tpu.vector_load %arg12[%get3A_913, %get3A_914] {strides = array<i32>} : memref<320x128xf32, #tpu.memory_space<vmem>>, vector<1x16xf32>,
          %get3A_916 = vector.shape_cast %get3A_915 : vector<1x16xf32> to vector<16xf32>
          %add3A_917 = arith.addf %while3A_904, %get3A_916 : vector<16xf32>
          %get3A_918 = arith.index_cast %add3A_912 : i32 to index
          %get3A_919 = arith.constant 16 : index
          %get3A_920 = tpu.vector_load %arg12[%get3A_918, %get3A_919] {strides = array<i32>} : memref<320x128xf32, #tpu.memory_space<vmem>>, vector<1x16xf32>,
          %get3A_921 = vector.shape_cast %get3A_920 : vector<1x16xf32> to vector<16xf32>
          %add3A_922 = arith.addf %while3A_905, %get3A_921 : vector<16xf32>
          %get3A_923 = arith.index_cast %add3A_912 : i32 to index
          %get3A_924 = arith.constant 32 : index
          %get3A_925 = tpu.vector_load %arg12[%get3A_923, %get3A_924] {strides = array<i32>} : memref<320x128xf32, #tpu.memory_space<vmem>>, vector<1x16xf32>,
          %get3A_926 = vector.shape_cast %get3A_925 : vector<1x16xf32> to vector<16xf32>
          %add3A_927 = arith.addf %while3A_906, %get3A_926 : vector<16xf32>
          %get3A_928 = arith.index_cast %add3A_912 : i32 to index
          %get3A_929 = arith.constant 48 : index
          %get3A_930 = tpu.vector_load %arg12[%get3A_928, %get3A_929] {strides = array<i32>} : memref<320x128xf32, #tpu.memory_space<vmem>>, vector<1x16xf32>,
          %get3A_931 = vector.shape_cast %get3A_930 : vector<1x16xf32> to vector<16xf32>
          %add3A_932 = arith.addf %while3A_907, %get3A_931 : vector<16xf32>
          %get3A_933 = arith.index_cast %add3A_912 : i32 to index
          %get3A_934 = arith.constant 64 : index
          %get3A_935 = tpu.vector_load %arg12[%get3A_933, %get3A_934] {strides = array<i32>} : memref<320x128xf32, #tpu.memory_space<vmem>>, vector<1x16xf32>,
          %get3A_936 = vector.shape_cast %get3A_935 : vector<1x16xf32> to vector<16xf32>
          %add3A_937 = arith.addf %while3A_908, %get3A_936 : vector<16xf32>
          %get3A_938 = arith.index_cast %add3A_912 : i32 to index
          %get3A_939 = arith.constant 80 : index
          %get3A_940 = tpu.vector_load %arg12[%get3A_938, %get3A_939] {strides = array<i32>} : memref<320x128xf32, #tpu.memory_space<vmem>>, vector<1x16xf32>,
          %get3A_941 = vector.shape_cast %get3A_940 : vector<1x16xf32> to vector<16xf32>
          %add3A_942 = arith.addf %while3A_909, %get3A_941 : vector<16xf32>
          %get3A_943 = arith.index_cast %add3A_912 : i32 to index
          %get3A_944 = arith.constant 96 : index
          %get3A_945 = tpu.vector_load %arg12[%get3A_943, %get3A_944] {strides = array<i32>} : memref<320x128xf32, #tpu.memory_space<vmem>>, vector<1x16xf32>,
          %get3A_946 = vector.shape_cast %get3A_945 : vector<1x16xf32> to vector<16xf32>
          %add3A_947 = arith.addf %while3A_910, %get3A_946 : vector<16xf32>
          %get3A_948 = arith.index_cast %add3A_912 : i32 to index
          %get3A_949 = arith.constant 112 : index
          %get3A_950 = tpu.vector_load %arg12[%get3A_948, %get3A_949] {strides = array<i32>} : memref<320x128xf32, #tpu.memory_space<vmem>>, vector<1x16xf32>,
          %get3A_951 = vector.shape_cast %get3A_950 : vector<1x16xf32> to vector<16xf32>
          %add3A_952 = arith.addf %while3A_911, %get3A_951 : vector<16xf32>
          scf.yield %add3A_917, %add3A_922, %add3A_927, %add3A_932, %add3A_937, %add3A_942, %add3A_947, %add3A_952 : vector<16xf32>, vector<16xf32>, vector<16xf32>, vector<16xf32>, vector<16xf32>, vector<16xf32>, vector<16xf32>, vector<16xf32>
        }
        %while3A_836 = arith.constant 1 : i32
        %while3A_837:8 = scf.for %while3A_903 = %while3A_833 to %while3A_829 step %while3A_836 iter_args(%while3A_904 = %while3A_835#0, %while3A_905 = %while3A_835#1, %while3A_906 = %while3A_835#2, %while3A_907 = %while3A_835#3, %while3A_908 = %while3A_835#4, %while3A_909 = %while3A_835#5, %while3A_910 = %while3A_835#6, %while3A_911 = %while3A_835#7) -> (vector<16xf32>, vector<16xf32>, vector<16xf32>, vector<16xf32>, vector<16xf32>, vector<16xf32>, vector<16xf32>, vector<16xf32>)  : i32 {
          %add3A_912 = arith.addi %scan3A_814, %while3A_903 : i32
          %get3A_913 = arith.index_cast %add3A_912 : i32 to index
          %get3A_914 = arith.constant 0 : index
          %get3A_915 = tpu.vector_load %arg12[%get3A_913, %get3A_914] {strides = array<i32>} : memref<320x128xf32, #tpu.memory_space<vmem>>, vector<1x16xf32>,
          %get3A_916 = vector.shape_cast %get3A_915 : vector<1x16xf32> to vector<16xf32>
          %add3A_917 = arith.addf %while3A_904, %get3A_916 : vector<16xf32>
          %get3A_918 = arith.index_cast %add3A_912 : i32 to index
          %get3A_919 = arith.constant 16 : index
          %get3A_920 = tpu.vector_load %arg12[%get3A_918, %get3A_919] {strides = array<i32>} : memref<320x128xf32, #tpu.memory_space<vmem>>, vector<1x16xf32>,
          %get3A_921 = vector.shape_cast %get3A_920 : vector<1x16xf32> to vector<16xf32>
          %add3A_922 = arith.addf %while3A_905, %get3A_921 : vector<16xf32>
          %get3A_923 = arith.index_cast %add3A_912 : i32 to index
          %get3A_924 = arith.constant 32 : index
          %get3A_925 = tpu.vector_load %arg12[%get3A_923, %get3A_924] {strides = array<i32>} : memref<320x128xf32, #tpu.memory_space<vmem>>, vector<1x16xf32>,
          %get3A_926 = vector.shape_cast %get3A_925 : vector<1x16xf32> to vector<16xf32>
          %add3A_927 = arith.addf %while3A_906, %get3A_926 : vector<16xf32>
          %get3A_928 = arith.index_cast %add3A_912 : i32 to index
          %get3A_929 = arith.constant 48 : index
          %get3A_930 = tpu.vector_load %arg12[%get3A_928, %get3A_929] {strides = array<i32>} : memref<320x128xf32, #tpu.memory_space<vmem>>, vector<1x16xf32>,
          %get3A_931 = vector.shape_cast %get3A_930 : vector<1x16xf32> to vector<16xf32>
          %add3A_932 = arith.addf %while3A_907, %get3A_931 : vector<16xf32>
          %get3A_933 = arith.index_cast %add3A_912 : i32 to index
          %get3A_934 = arith.constant 64 : index
          %get3A_935 = tpu.vector_load %arg12[%get3A_933, %get3A_934] {strides = array<i32>} : memref<320x128xf32, #tpu.memory_space<vmem>>, vector<1x16xf32>,
          %get3A_936 = vector.shape_cast %get3A_935 : vector<1x16xf32> to vector<16xf32>
          %add3A_937 = arith.addf %while3A_908, %get3A_936 : vector<16xf32>
          %get3A_938 = arith.index_cast %add3A_912 : i32 to index
          %get3A_939 = arith.constant 80 : index
          %get3A_940 = tpu.vector_load %arg12[%get3A_938, %get3A_939] {strides = array<i32>} : memref<320x128xf32, #tpu.memory_space<vmem>>, vector<1x16xf32>,
          %get3A_941 = vector.shape_cast %get3A_940 : vector<1x16xf32> to vector<16xf32>
          %add3A_942 = arith.addf %while3A_909, %get3A_941 : vector<16xf32>
          %get3A_943 = arith.index_cast %add3A_912 : i32 to index
          %get3A_944 = arith.constant 96 : index
          %get3A_945 = tpu.vector_load %arg12[%get3A_943, %get3A_944] {strides = array<i32>} : memref<320x128xf32, #tpu.memory_space<vmem>>, vector<1x16xf32>,
          %get3A_946 = vector.shape_cast %get3A_945 : vector<1x16xf32> to vector<16xf32>
          %add3A_947 = arith.addf %while3A_910, %get3A_946 : vector<16xf32>
          %get3A_948 = arith.index_cast %add3A_912 : i32 to index
          %get3A_949 = arith.constant 112 : index
          %get3A_950 = tpu.vector_load %arg12[%get3A_948, %get3A_949] {strides = array<i32>} : memref<320x128xf32, #tpu.memory_space<vmem>>, vector<1x16xf32>,
          %get3A_951 = vector.shape_cast %get3A_950 : vector<1x16xf32> to vector<16xf32>
          %add3A_952 = arith.addf %while3A_911, %get3A_951 : vector<16xf32>
          scf.yield %add3A_917, %add3A_922, %add3A_927, %add3A_932, %add3A_937, %add3A_942, %add3A_947, %add3A_952 : vector<16xf32>, vector<16xf32>, vector<16xf32>, vector<16xf32>, vector<16xf32>, vector<16xf32>, vector<16xf32>, vector<16xf32>
        }
        %mul3A_838 = arith.mulf %while3A_837#0, %div3A_827 : vector<16xf32>
        %get3A_839 = arith.index_cast %scan3A_805 : i32 to index
        %get3A_840 = arith.constant 0 : index
        %get3A_841 = tpu.vector_load %arg14[%get3A_839, %get3A_840] {strides = array<i32>} : memref<16x128xf32, #tpu.memory_space<vmem>>, vector<1x16xf32>,
        %get3A_842 = vector.shape_cast %get3A_841 : vector<1x16xf32> to vector<16xf32>
        %sub3A_843 = arith.subf %mul3A_838, %get3A_842 : vector<16xf32>
        %mul3A_844 = arith.mulf %sub3A_843, %sub3A_843 : vector<16xf32>
        %add3A_845 = arith.addf %scan3A_806, %mul3A_844 : vector<16xf32>
        %mul3A_846 = arith.mulf %while3A_837#1, %div3A_827 : vector<16xf32>
        %get3A_847 = arith.index_cast %scan3A_805 : i32 to index
        %get3A_848 = arith.constant 16 : index
        %get3A_849 = tpu.vector_load %arg14[%get3A_847, %get3A_848] {strides = array<i32>} : memref<16x128xf32, #tpu.memory_space<vmem>>, vector<1x16xf32>,
        %get3A_850 = vector.shape_cast %get3A_849 : vector<1x16xf32> to vector<16xf32>
        %sub3A_851 = arith.subf %mul3A_846, %get3A_850 : vector<16xf32>
        %mul3A_852 = arith.mulf %sub3A_851, %sub3A_851 : vector<16xf32>
        %add3A_853 = arith.addf %scan3A_807, %mul3A_852 : vector<16xf32>
        %mul3A_854 = arith.mulf %while3A_837#2, %div3A_827 : vector<16xf32>
        %get3A_855 = arith.index_cast %scan3A_805 : i32 to index
        %get3A_856 = arith.constant 32 : index
        %get3A_857 = tpu.vector_load %arg14[%get3A_855, %get3A_856] {strides = array<i32>} : memref<16x128xf32, #tpu.memory_space<vmem>>, vector<1x16xf32>,
        %get3A_858 = vector.shape_cast %get3A_857 : vector<1x16xf32> to vector<16xf32>
        %sub3A_859 = arith.subf %mul3A_854, %get3A_858 : vector<16xf32>
        %mul3A_860 = arith.mulf %sub3A_859, %sub3A_859 : vector<16xf32>
        %add3A_861 = arith.addf %scan3A_808, %mul3A_860 : vector<16xf32>
        %mul3A_862 = arith.mulf %while3A_837#3, %div3A_827 : vector<16xf32>
        %get3A_863 = arith.index_cast %scan3A_805 : i32 to index
        %get3A_864 = arith.constant 48 : index
        %get3A_865 = tpu.vector_load %arg14[%get3A_863, %get3A_864] {strides = array<i32>} : memref<16x128xf32, #tpu.memory_space<vmem>>, vector<1x16xf32>,
        %get3A_866 = vector.shape_cast %get3A_865 : vector<1x16xf32> to vector<16xf32>
        %sub3A_867 = arith.subf %mul3A_862, %get3A_866 : vector<16xf32>
        %mul3A_868 = arith.mulf %sub3A_867, %sub3A_867 : vector<16xf32>
        %add3A_869 = arith.addf %scan3A_809, %mul3A_868 : vector<16xf32>
        %mul3A_870 = arith.mulf %while3A_837#4, %div3A_827 : vector<16xf32>
        %get3A_871 = arith.index_cast %scan3A_805 : i32 to index
        %get3A_872 = arith.constant 64 : index
        %get3A_873 = tpu.vector_load %arg14[%get3A_871, %get3A_872] {strides = array<i32>} : memref<16x128xf32, #tpu.memory_space<vmem>>, vector<1x16xf32>,
        %get3A_874 = vector.shape_cast %get3A_873 : vector<1x16xf32> to vector<16xf32>
        %sub3A_875 = arith.subf %mul3A_870, %get3A_874 : vector<16xf32>
        %mul3A_876 = arith.mulf %sub3A_875, %sub3A_875 : vector<16xf32>
        %add3A_877 = arith.addf %scan3A_810, %mul3A_876 : vector<16xf32>
        %mul3A_878 = arith.mulf %while3A_837#5, %div3A_827 : vector<16xf32>
        %get3A_879 = arith.index_cast %scan3A_805 : i32 to index
        %get3A_880 = arith.constant 80 : index
        %get3A_881 = tpu.vector_load %arg14[%get3A_879, %get3A_880] {strides = array<i32>} : memref<16x128xf32, #tpu.memory_space<vmem>>, vector<1x16xf32>,
        %get3A_882 = vector.shape_cast %get3A_881 : vector<1x16xf32> to vector<16xf32>
        %sub3A_883 = arith.subf %mul3A_878, %get3A_882 : vector<16xf32>
        %mul3A_884 = arith.mulf %sub3A_883, %sub3A_883 : vector<16xf32>
        %add3A_885 = arith.addf %scan3A_811, %mul3A_884 : vector<16xf32>
        %mul3A_886 = arith.mulf %while3A_837#6, %div3A_827 : vector<16xf32>
        %get3A_887 = arith.index_cast %scan3A_805 : i32 to index
        %get3A_888 = arith.constant 96 : index
        %get3A_889 = tpu.vector_load %arg14[%get3A_887, %get3A_888] {strides = array<i32>} : memref<16x128xf32, #tpu.memory_space<vmem>>, vector<1x16xf32>,
        %get3A_890 = vector.shape_cast %get3A_889 : vector<1x16xf32> to vector<16xf32>
        %sub3A_891 = arith.subf %mul3A_886, %get3A_890 : vector<16xf32>
        %mul3A_892 = arith.mulf %sub3A_891, %sub3A_891 : vector<16xf32>
        %add3A_893 = arith.addf %scan3A_812, %mul3A_892 : vector<16xf32>
        %mul3A_894 = arith.mulf %while3A_837#7, %div3A_827 : vector<16xf32>
        %get3A_895 = arith.index_cast %scan3A_805 : i32 to index
        %get3A_896 = arith.constant 112 : index
        %get3A_897 = tpu.vector_load %arg14[%get3A_895, %get3A_896] {strides = array<i32>} : memref<16x128xf32, #tpu.memory_space<vmem>>, vector<1x16xf32>,
        %get3A_898 = vector.shape_cast %get3A_897 : vector<1x16xf32> to vector<16xf32>
        %sub3A_899 = arith.subf %mul3A_894, %get3A_898 : vector<16xf32>
        %mul3A_900 = arith.mulf %sub3A_899, %sub3A_899 : vector<16xf32>
        %add3A_901 = arith.addf %scan3A_813, %mul3A_900 : vector<16xf32>
        %add3A_902 = arith.addi %scan3A_814, %squeeze3A_822 : i32
        scf.yield %add3A_845, %add3A_853, %add3A_861, %add3A_869, %add3A_877, %add3A_885, %add3A_893, %add3A_901, %add3A_902 : vector<16xf32>, vector<16xf32>, vector<16xf32>, vector<16xf32>, vector<16xf32>, vector<16xf32>, vector<16xf32>, vector<16xf32>, i32
      }
      %scan3A_724 = arith.constant 16 : i32
      %lt3A = arith.constant 3 : i32
      %lt3A_725 = arith.cmpi slt, %scan3A_650, %lt3A : i32
      %convert_element_type3A_726 = arith.extui %lt3A_725 : i1 to i32
      %cond3A_727 = arith.constant 0 : i32
      %cond3A_728 = arith.cmpi ne, %convert_element_type3A_726, %cond3A_727 : i32
      scf.if %cond3A_728 {
        %add3A_805 = arith.constant 2 : i32
        %add3A_806 = arith.addi %mul3A_660, %add3A_805 : i32
        %get3A_807 = arith.index_cast %add3A_806 : i32 to index
        %get3A_808 = tpu.vector_load %arg9[%get3A_807] {strides = array<i32>} : memref<32xi32, #tpu.memory_space<vmem>>, vector<16xi32>,
        %get3A_809 = vector.shape_cast %get3A_808 : vector<16xi32> to vector<16xi32>
        %slice3A_810 = vector.extract_strided_slice %get3A_809 {offsets = [0], sizes = [1], strides = [1]} : vector<16xi32> to vector<1xi32>
        %squeeze3A_811 = vector.extract %slice3A_810[0] : i32 from vector<1xi32>
        %gt3A_812 = arith.constant 0 : i32
        %gt3A_813 = arith.cmpi sgt, %squeeze3A_811, %gt3A_812 : i32
        %convert_element_type3A_814 = arith.extui %gt3A_813 : i1 to i32
        %cond3A_815 = arith.constant 0 : i32
        %cond3A_816 = arith.cmpi ne, %convert_element_type3A_814, %cond3A_815 : i32
        scf.if %cond3A_816 {
          %mul3A_869 = arith.constant 320 : i32
          %mul3A_870 = arith.muli %add3A_806, %mul3A_869 : i32
          %add3A_871 = arith.constant 0 : i32
          %add3A_872 = arith.addi %mul3A_870, %add3A_871 : i32
          %multiple_of3A_873 = tpu.assume_multiple %add3A_872, 32 : i32
          %dma_start3A_874 = arith.constant 0 : i32
          %dma_start3A_875 = arith.constant 0 : i32
          %dma_start3A_876 = tpu.memref_slice %arg12[%dma_start3A_874, %dma_start3A_875] : memref<320x128xf32, #tpu.memory_space<vmem>> -> memref<32x128xf32, #tpu.memory_space<vmem>>
          %dma_start3A_877 = tpu.memref_slice %arg8[%multiple_of3A_873] : memref<2624xi32, #tpu.memory_space<vmem>> -> memref<32xi32, #tpu.memory_space<vmem>>
          %dma_start3A_878 = arith.constant 0 : i32
          %dma_start3A_879 = arith.constant 0 : i32
          %dma_start3A_880 = tpu.memref_slice %arg2[%dma_start3A_878, %dma_start3A_879] : memref<100000x128xf32, #tpu.memory_space<hbm>> -> memref<100000x128xf32, #tpu.memory_space<hbm>>
          tpu.enqueue_indirect_dma source(%dma_start3A_880 : memref<100000x128xf32, #tpu.memory_space<hbm>>) target(%dma_start3A_876 : memref<32x128xf32, #tpu.memory_space<vmem>>) offsets(%dma_start3A_877 : memref<32xi32, #tpu.memory_space<vmem>>) semaphore(%arg17 : memref<!tpu.dma_semaphore, #tpu.memory_space<semaphore_mem>>)
        } else {
        }
        %gt3A_817 = arith.constant 1 : i32
        %gt3A_818 = arith.cmpi sgt, %squeeze3A_811, %gt3A_817 : i32
        %convert_element_type3A_819 = arith.extui %gt3A_818 : i1 to i32
        %cond3A_820 = arith.constant 0 : i32
        %cond3A_821 = arith.cmpi ne, %convert_element_type3A_819, %cond3A_820 : i32
        scf.if %cond3A_821 {
          %mul3A_869 = arith.constant 320 : i32
          %mul3A_870 = arith.muli %add3A_806, %mul3A_869 : i32
          %add3A_871 = arith.constant 32 : i32
          %add3A_872 = arith.addi %mul3A_870, %add3A_871 : i32
          %multiple_of3A_873 = tpu.assume_multiple %add3A_872, 32 : i32
          %dma_start3A_874 = arith.constant 32 : i32
          %dma_start3A_875 = arith.constant 0 : i32
          %dma_start3A_876 = tpu.memref_slice %arg12[%dma_start3A_874, %dma_start3A_875] : memref<320x128xf32, #tpu.memory_space<vmem>> -> memref<32x128xf32, #tpu.memory_space<vmem>>
          %dma_start3A_877 = tpu.memref_slice %arg8[%multiple_of3A_873] : memref<2624xi32, #tpu.memory_space<vmem>> -> memref<32xi32, #tpu.memory_space<vmem>>
          %dma_start3A_878 = arith.constant 0 : i32
          %dma_start3A_879 = arith.constant 0 : i32
          %dma_start3A_880 = tpu.memref_slice %arg2[%dma_start3A_878, %dma_start3A_879] : memref<100000x128xf32, #tpu.memory_space<hbm>> -> memref<100000x128xf32, #tpu.memory_space<hbm>>
          tpu.enqueue_indirect_dma source(%dma_start3A_880 : memref<100000x128xf32, #tpu.memory_space<hbm>>) target(%dma_start3A_876 : memref<32x128xf32, #tpu.memory_space<vmem>>) offsets(%dma_start3A_877 : memref<32xi32, #tpu.memory_space<vmem>>) semaphore(%arg17 : memref<!tpu.dma_semaphore, #tpu.memory_space<semaphore_mem>>)
        } else {
        }
        %gt3A_822 = arith.constant 2 : i32
        %gt3A_823 = arith.cmpi sgt, %squeeze3A_811, %gt3A_822 : i32
        %convert_element_type3A_824 = arith.extui %gt3A_823 : i1 to i32
        %cond3A_825 = arith.constant 0 : i32
        %cond3A_826 = arith.cmpi ne, %convert_element_type3A_824, %cond3A_825 : i32
        scf.if %cond3A_826 {
          %mul3A_869 = arith.constant 320 : i32
          %mul3A_870 = arith.muli %add3A_806, %mul3A_869 : i32
          %add3A_871 = arith.constant 64 : i32
          %add3A_872 = arith.addi %mul3A_870, %add3A_871 : i32
          %multiple_of3A_873 = tpu.assume_multiple %add3A_872, 32 : i32
          %dma_start3A_874 = arith.constant 64 : i32
          %dma_start3A_875 = arith.constant 0 : i32
          %dma_start3A_876 = tpu.memref_slice %arg12[%dma_start3A_874, %dma_start3A_875] : memref<320x128xf32, #tpu.memory_space<vmem>> -> memref<32x128xf32, #tpu.memory_space<vmem>>
          %dma_start3A_877 = tpu.memref_slice %arg8[%multiple_of3A_873] : memref<2624xi32, #tpu.memory_space<vmem>> -> memref<32xi32, #tpu.memory_space<vmem>>
          %dma_start3A_878 = arith.constant 0 : i32
          %dma_start3A_879 = arith.constant 0 : i32
          %dma_start3A_880 = tpu.memref_slice %arg2[%dma_start3A_878, %dma_start3A_879] : memref<100000x128xf32, #tpu.memory_space<hbm>> -> memref<100000x128xf32, #tpu.memory_space<hbm>>
          tpu.enqueue_indirect_dma source(%dma_start3A_880 : memref<100000x128xf32, #tpu.memory_space<hbm>>) target(%dma_start3A_876 : memref<32x128xf32, #tpu.memory_space<vmem>>) offsets(%dma_start3A_877 : memref<32xi32, #tpu.memory_space<vmem>>) semaphore(%arg17 : memref<!tpu.dma_semaphore, #tpu.memory_space<semaphore_mem>>)
        } else {
        }
        %gt3A_827 = arith.constant 3 : i32
        %gt3A_828 = arith.cmpi sgt, %squeeze3A_811, %gt3A_827 : i32
        %convert_element_type3A_829 = arith.extui %gt3A_828 : i1 to i32
        %cond3A_830 = arith.constant 0 : i32
        %cond3A_831 = arith.cmpi ne, %convert_element_type3A_829, %cond3A_830 : i32
        scf.if %cond3A_831 {
          %mul3A_869 = arith.constant 320 : i32
          %mul3A_870 = arith.muli %add3A_806, %mul3A_869 : i32
          %add3A_871 = arith.constant 96 : i32
          %add3A_872 = arith.addi %mul3A_870, %add3A_871 : i32
          %multiple_of3A_873 = tpu.assume_multiple %add3A_872, 32 : i32
          %dma_start3A_874 = arith.constant 96 : i32
          %dma_start3A_875 = arith.constant 0 : i32
          %dma_start3A_876 = tpu.memref_slice %arg12[%dma_start3A_874, %dma_start3A_875] : memref<320x128xf32, #tpu.memory_space<vmem>> -> memref<32x128xf32, #tpu.memory_space<vmem>>
          %dma_start3A_877 = tpu.memref_slice %arg8[%multiple_of3A_873] : memref<2624xi32, #tpu.memory_space<vmem>> -> memref<32xi32, #tpu.memory_space<vmem>>
          %dma_start3A_878 = arith.constant 0 : i32
          %dma_start3A_879 = arith.constant 0 : i32
          %dma_start3A_880 = tpu.memref_slice %arg2[%dma_start3A_878, %dma_start3A_879] : memref<100000x128xf32, #tpu.memory_space<hbm>> -> memref<100000x128xf32, #tpu.memory_space<hbm>>
          tpu.enqueue_indirect_dma source(%dma_start3A_880 : memref<100000x128xf32, #tpu.memory_space<hbm>>) target(%dma_start3A_876 : memref<32x128xf32, #tpu.memory_space<vmem>>) offsets(%dma_start3A_877 : memref<32xi32, #tpu.memory_space<vmem>>) semaphore(%arg17 : memref<!tpu.dma_semaphore, #tpu.memory_space<semaphore_mem>>)
        } else {
        }
        %gt3A_832 = arith.constant 4 : i32
        %gt3A_833 = arith.cmpi sgt, %squeeze3A_811, %gt3A_832 : i32
        %convert_element_type3A_834 = arith.extui %gt3A_833 : i1 to i32
        %cond3A_835 = arith.constant 0 : i32
        %cond3A_836 = arith.cmpi ne, %convert_element_type3A_834, %cond3A_835 : i32
        scf.if %cond3A_836 {
          %mul3A_869 = arith.constant 320 : i32
          %mul3A_870 = arith.muli %add3A_806, %mul3A_869 : i32
          %add3A_871 = arith.constant 128 : i32
          %add3A_872 = arith.addi %mul3A_870, %add3A_871 : i32
          %multiple_of3A_873 = tpu.assume_multiple %add3A_872, 32 : i32
          %dma_start3A_874 = arith.constant 128 : i32
          %dma_start3A_875 = arith.constant 0 : i32
          %dma_start3A_876 = tpu.memref_slice %arg12[%dma_start3A_874, %dma_start3A_875] : memref<320x128xf32, #tpu.memory_space<vmem>> -> memref<32x128xf32, #tpu.memory_space<vmem>>
          %dma_start3A_877 = tpu.memref_slice %arg8[%multiple_of3A_873] : memref<2624xi32, #tpu.memory_space<vmem>> -> memref<32xi32, #tpu.memory_space<vmem>>
          %dma_start3A_878 = arith.constant 0 : i32
          %dma_start3A_879 = arith.constant 0 : i32
          %dma_start3A_880 = tpu.memref_slice %arg2[%dma_start3A_878, %dma_start3A_879] : memref<100000x128xf32, #tpu.memory_space<hbm>> -> memref<100000x128xf32, #tpu.memory_space<hbm>>
          tpu.enqueue_indirect_dma source(%dma_start3A_880 : memref<100000x128xf32, #tpu.memory_space<hbm>>) target(%dma_start3A_876 : memref<32x128xf32, #tpu.memory_space<vmem>>) offsets(%dma_start3A_877 : memref<32xi32, #tpu.memory_space<vmem>>) semaphore(%arg17 : memref<!tpu.dma_semaphore, #tpu.memory_space<semaphore_mem>>)
        } else {
        }
        %gt3A_837 = arith.constant 5 : i32
        %gt3A_838 = arith.cmpi sgt, %squeeze3A_811, %gt3A_837 : i32
        %convert_element_type3A_839 = arith.extui %gt3A_838 : i1 to i32
        %cond3A_840 = arith.constant 0 : i32
        %cond3A_841 = arith.cmpi ne, %convert_element_type3A_839, %cond3A_840 : i32
        scf.if %cond3A_841 {
          %mul3A_869 = arith.constant 320 : i32
          %mul3A_870 = arith.muli %add3A_806, %mul3A_869 : i32
          %add3A_871 = arith.constant 160 : i32
          %add3A_872 = arith.addi %mul3A_870, %add3A_871 : i32
          %multiple_of3A_873 = tpu.assume_multiple %add3A_872, 32 : i32
          %dma_start3A_874 = arith.constant 160 : i32
          %dma_start3A_875 = arith.constant 0 : i32
          %dma_start3A_876 = tpu.memref_slice %arg12[%dma_start3A_874, %dma_start3A_875] : memref<320x128xf32, #tpu.memory_space<vmem>> -> memref<32x128xf32, #tpu.memory_space<vmem>>
          %dma_start3A_877 = tpu.memref_slice %arg8[%multiple_of3A_873] : memref<2624xi32, #tpu.memory_space<vmem>> -> memref<32xi32, #tpu.memory_space<vmem>>
          %dma_start3A_878 = arith.constant 0 : i32
          %dma_start3A_879 = arith.constant 0 : i32
          %dma_start3A_880 = tpu.memref_slice %arg2[%dma_start3A_878, %dma_start3A_879] : memref<100000x128xf32, #tpu.memory_space<hbm>> -> memref<100000x128xf32, #tpu.memory_space<hbm>>
          tpu.enqueue_indirect_dma source(%dma_start3A_880 : memref<100000x128xf32, #tpu.memory_space<hbm>>) target(%dma_start3A_876 : memref<32x128xf32, #tpu.memory_space<vmem>>) offsets(%dma_start3A_877 : memref<32xi32, #tpu.memory_space<vmem>>) semaphore(%arg17 : memref<!tpu.dma_semaphore, #tpu.memory_space<semaphore_mem>>)
        } else {
        }
        %gt3A_842 = arith.constant 6 : i32
        %gt3A_843 = arith.cmpi sgt, %squeeze3A_811, %gt3A_842 : i32
        %convert_element_type3A_844 = arith.extui %gt3A_843 : i1 to i32
        %cond3A_845 = arith.constant 0 : i32
        %cond3A_846 = arith.cmpi ne, %convert_element_type3A_844, %cond3A_845 : i32
        scf.if %cond3A_846 {
          %mul3A_869 = arith.constant 320 : i32
          %mul3A_870 = arith.muli %add3A_806, %mul3A_869 : i32
          %add3A_871 = arith.constant 192 : i32
          %add3A_872 = arith.addi %mul3A_870, %add3A_871 : i32
          %multiple_of3A_873 = tpu.assume_multiple %add3A_872, 32 : i32
          %dma_start3A_874 = arith.constant 192 : i32
          %dma_start3A_875 = arith.constant 0 : i32
          %dma_start3A_876 = tpu.memref_slice %arg12[%dma_start3A_874, %dma_start3A_875] : memref<320x128xf32, #tpu.memory_space<vmem>> -> memref<32x128xf32, #tpu.memory_space<vmem>>
          %dma_start3A_877 = tpu.memref_slice %arg8[%multiple_of3A_873] : memref<2624xi32, #tpu.memory_space<vmem>> -> memref<32xi32, #tpu.memory_space<vmem>>
          %dma_start3A_878 = arith.constant 0 : i32
          %dma_start3A_879 = arith.constant 0 : i32
          %dma_start3A_880 = tpu.memref_slice %arg2[%dma_start3A_878, %dma_start3A_879] : memref<100000x128xf32, #tpu.memory_space<hbm>> -> memref<100000x128xf32, #tpu.memory_space<hbm>>
          tpu.enqueue_indirect_dma source(%dma_start3A_880 : memref<100000x128xf32, #tpu.memory_space<hbm>>) target(%dma_start3A_876 : memref<32x128xf32, #tpu.memory_space<vmem>>) offsets(%dma_start3A_877 : memref<32xi32, #tpu.memory_space<vmem>>) semaphore(%arg17 : memref<!tpu.dma_semaphore, #tpu.memory_space<semaphore_mem>>)
        } else {
        }
        %gt3A_847 = arith.constant 7 : i32
        %gt3A_848 = arith.cmpi sgt, %squeeze3A_811, %gt3A_847 : i32
        %convert_element_type3A_849 = arith.extui %gt3A_848 : i1 to i32
        %cond3A_850 = arith.constant 0 : i32
        %cond3A_851 = arith.cmpi ne, %convert_element_type3A_849, %cond3A_850 : i32
        scf.if %cond3A_851 {
          %mul3A_869 = arith.constant 320 : i32
          %mul3A_870 = arith.muli %add3A_806, %mul3A_869 : i32
          %add3A_871 = arith.constant 224 : i32
          %add3A_872 = arith.addi %mul3A_870, %add3A_871 : i32
          %multiple_of3A_873 = tpu.assume_multiple %add3A_872, 32 : i32
          %dma_start3A_874 = arith.constant 224 : i32
          %dma_start3A_875 = arith.constant 0 : i32
          %dma_start3A_876 = tpu.memref_slice %arg12[%dma_start3A_874, %dma_start3A_875] : memref<320x128xf32, #tpu.memory_space<vmem>> -> memref<32x128xf32, #tpu.memory_space<vmem>>
          %dma_start3A_877 = tpu.memref_slice %arg8[%multiple_of3A_873] : memref<2624xi32, #tpu.memory_space<vmem>> -> memref<32xi32, #tpu.memory_space<vmem>>
          %dma_start3A_878 = arith.constant 0 : i32
          %dma_start3A_879 = arith.constant 0 : i32
          %dma_start3A_880 = tpu.memref_slice %arg2[%dma_start3A_878, %dma_start3A_879] : memref<100000x128xf32, #tpu.memory_space<hbm>> -> memref<100000x128xf32, #tpu.memory_space<hbm>>
          tpu.enqueue_indirect_dma source(%dma_start3A_880 : memref<100000x128xf32, #tpu.memory_space<hbm>>) target(%dma_start3A_876 : memref<32x128xf32, #tpu.memory_space<vmem>>) offsets(%dma_start3A_877 : memref<32xi32, #tpu.memory_space<vmem>>) semaphore(%arg17 : memref<!tpu.dma_semaphore, #tpu.memory_space<semaphore_mem>>)
        } else {
        }
        %gt3A_852 = arith.constant 8 : i32
        %gt3A_853 = arith.cmpi sgt, %squeeze3A_811, %gt3A_852 : i32
        %convert_element_type3A_854 = arith.extui %gt3A_853 : i1 to i32
        %cond3A_855 = arith.constant 0 : i32
        %cond3A_856 = arith.cmpi ne, %convert_element_type3A_854, %cond3A_855 : i32
        scf.if %cond3A_856 {
          %mul3A_869 = arith.constant 320 : i32
          %mul3A_870 = arith.muli %add3A_806, %mul3A_869 : i32
          %add3A_871 = arith.constant 256 : i32
          %add3A_872 = arith.addi %mul3A_870, %add3A_871 : i32
          %multiple_of3A_873 = tpu.assume_multiple %add3A_872, 32 : i32
          %dma_start3A_874 = arith.constant 256 : i32
          %dma_start3A_875 = arith.constant 0 : i32
          %dma_start3A_876 = tpu.memref_slice %arg12[%dma_start3A_874, %dma_start3A_875] : memref<320x128xf32, #tpu.memory_space<vmem>> -> memref<32x128xf32, #tpu.memory_space<vmem>>
          %dma_start3A_877 = tpu.memref_slice %arg8[%multiple_of3A_873] : memref<2624xi32, #tpu.memory_space<vmem>> -> memref<32xi32, #tpu.memory_space<vmem>>
          %dma_start3A_878 = arith.constant 0 : i32
          %dma_start3A_879 = arith.constant 0 : i32
          %dma_start3A_880 = tpu.memref_slice %arg2[%dma_start3A_878, %dma_start3A_879] : memref<100000x128xf32, #tpu.memory_space<hbm>> -> memref<100000x128xf32, #tpu.memory_space<hbm>>
          tpu.enqueue_indirect_dma source(%dma_start3A_880 : memref<100000x128xf32, #tpu.memory_space<hbm>>) target(%dma_start3A_876 : memref<32x128xf32, #tpu.memory_space<vmem>>) offsets(%dma_start3A_877 : memref<32xi32, #tpu.memory_space<vmem>>) semaphore(%arg17 : memref<!tpu.dma_semaphore, #tpu.memory_space<semaphore_mem>>)
        } else {
        }
        %gt3A_857 = arith.constant 9 : i32
        %gt3A_858 = arith.cmpi sgt, %squeeze3A_811, %gt3A_857 : i32
        %convert_element_type3A_859 = arith.extui %gt3A_858 : i1 to i32
        %cond3A_860 = arith.constant 0 : i32
        %cond3A_861 = arith.cmpi ne, %convert_element_type3A_859, %cond3A_860 : i32
        scf.if %cond3A_861 {
          %mul3A_869 = arith.constant 320 : i32
          %mul3A_870 = arith.muli %add3A_806, %mul3A_869 : i32
          %add3A_871 = arith.constant 288 : i32
          %add3A_872 = arith.addi %mul3A_870, %add3A_871 : i32
          %multiple_of3A_873 = tpu.assume_multiple %add3A_872, 32 : i32
          %dma_start3A_874 = arith.constant 288 : i32
          %dma_start3A_875 = arith.constant 0 : i32
          %dma_start3A_876 = tpu.memref_slice %arg12[%dma_start3A_874, %dma_start3A_875] : memref<320x128xf32, #tpu.memory_space<vmem>> -> memref<32x128xf32, #tpu.memory_space<vmem>>
          %dma_start3A_877 = tpu.memref_slice %arg8[%multiple_of3A_873] : memref<2624xi32, #tpu.memory_space<vmem>> -> memref<32xi32, #tpu.memory_space<vmem>>
          %dma_start3A_878 = arith.constant 0 : i32
          %dma_start3A_879 = arith.constant 0 : i32
          %dma_start3A_880 = tpu.memref_slice %arg2[%dma_start3A_878, %dma_start3A_879] : memref<100000x128xf32, #tpu.memory_space<hbm>> -> memref<100000x128xf32, #tpu.memory_space<hbm>>
          tpu.enqueue_indirect_dma source(%dma_start3A_880 : memref<100000x128xf32, #tpu.memory_space<hbm>>) target(%dma_start3A_876 : memref<32x128xf32, #tpu.memory_space<vmem>>) offsets(%dma_start3A_877 : memref<32xi32, #tpu.memory_space<vmem>>) semaphore(%arg17 : memref<!tpu.dma_semaphore, #tpu.memory_space<semaphore_mem>>)
        } else {
        }
        %mul3A_862 = arith.constant 16 : i32
        %mul3A_863 = arith.muli %add3A_806, %mul3A_862 : i32
        %multiple_of3A_864 = tpu.assume_multiple %mul3A_863, 16 : i32
        %dma_start3A_865 = tpu.memref_slice %arg11[%multiple_of3A_864] : memref<128xi32, #tpu.memory_space<vmem>> -> memref<16xi32, #tpu.memory_space<vmem>>
        %dma_start3A_866 = arith.constant 0 : i32
        %dma_start3A_867 = arith.constant 0 : i32
        %dma_start3A_868 = tpu.memref_slice %arg2[%dma_start3A_866, %dma_start3A_867] : memref<100000x128xf32, #tpu.memory_space<hbm>> -> memref<100000x128xf32, #tpu.memory_space<hbm>>
        tpu.enqueue_indirect_dma source(%dma_start3A_868 : memref<100000x128xf32, #tpu.memory_space<hbm>>) target(%arg14 : memref<16x128xf32, #tpu.memory_space<vmem>>) offsets(%dma_start3A_865 : memref<16xi32, #tpu.memory_space<vmem>>) semaphore(%arg17 : memref<!tpu.dma_semaphore, #tpu.memory_space<semaphore_mem>>)
      } else {
      }
      %add3A_729 = arith.constant 1 : i32
      %add3A_730 = arith.addi %mul3A_660, %add3A_729 : i32
      %get3A_731 = arith.index_cast %add3A_730 : i32 to index
      %get3A_732 = tpu.vector_load %arg9[%get3A_731] {strides = array<i32>} : memref<32xi32, #tpu.memory_space<vmem>>, vector<16xi32>,
      %get3A_733 = vector.shape_cast %get3A_732 : vector<16xi32> to vector<16xi32>
      %slice3A_734 = vector.extract_strided_slice %get3A_733 {offsets = [0], sizes = [1], strides = [1]} : vector<16xi32> to vector<1xi32>
      %squeeze3A_735 = vector.extract %slice3A_734[0] : i32 from vector<1xi32>
      %gt3A_736 = arith.constant 0 : i32
      %gt3A_737 = arith.cmpi sgt, %squeeze3A_735, %gt3A_736 : i32
      %convert_element_type3A_738 = arith.extui %gt3A_737 : i1 to i32
      %cond3A_739 = arith.constant 0 : i32
      %cond3A_740 = arith.cmpi ne, %convert_element_type3A_738, %cond3A_739 : i32
      scf.if %cond3A_740 {
        %dma_wait3A_805 = arith.constant 0 : i32
        %dma_wait3A_806 = arith.constant 0 : i32
        %dma_wait3A_807 = tpu.memref_slice %arg13[%dma_wait3A_805, %dma_wait3A_806] : memref<320x128xf32, #tpu.memory_space<vmem>> -> memref<32x128xf32, #tpu.memory_space<vmem>>
        %dma_wait3A_808 = arith.constant 0 : i32
        %dma_wait3A_809 = tpu.memref_slice %arg8[%dma_wait3A_808] : memref<2624xi32, #tpu.memory_space<vmem>> -> memref<32xi32, #tpu.memory_space<vmem>>
        %dma_wait3A_810 = arith.constant 0 : i32
        %dma_wait3A_811 = arith.constant 0 : i32
        %dma_wait3A_812 = tpu.memref_slice %arg2[%dma_wait3A_810, %dma_wait3A_811] : memref<100000x128xf32, #tpu.memory_space<hbm>> -> memref<100000x128xf32, #tpu.memory_space<hbm>>
        tpu.wait_indirect_dma semaphore(%arg18 : memref<!tpu.dma_semaphore, #tpu.memory_space<semaphore_mem>>) src(%dma_wait3A_812 : memref<100000x128xf32, #tpu.memory_space<hbm>>) dst(%dma_wait3A_807 : memref<32x128xf32, #tpu.memory_space<vmem>>)
      } else {
      }
      %gt3A_741 = arith.constant 1 : i32
      %gt3A_742 = arith.cmpi sgt, %squeeze3A_735, %gt3A_741 : i32
      %convert_element_type3A_743 = arith.extui %gt3A_742 : i1 to i32
      %cond3A_744 = arith.constant 0 : i32
      %cond3A_745 = arith.cmpi ne, %convert_element_type3A_743, %cond3A_744 : i32
      scf.if %cond3A_745 {
        %dma_wait3A_805 = arith.constant 32 : i32
        %dma_wait3A_806 = arith.constant 0 : i32
        %dma_wait3A_807 = tpu.memref_slice %arg13[%dma_wait3A_805, %dma_wait3A_806] : memref<320x128xf32, #tpu.memory_space<vmem>> -> memref<32x128xf32, #tpu.memory_space<vmem>>
        %dma_wait3A_808 = arith.constant 0 : i32
        %dma_wait3A_809 = tpu.memref_slice %arg8[%dma_wait3A_808] : memref<2624xi32, #tpu.memory_space<vmem>> -> memref<32xi32, #tpu.memory_space<vmem>>
        %dma_wait3A_810 = arith.constant 0 : i32
        %dma_wait3A_811 = arith.constant 0 : i32
        %dma_wait3A_812 = tpu.memref_slice %arg2[%dma_wait3A_810, %dma_wait3A_811] : memref<100000x128xf32, #tpu.memory_space<hbm>> -> memref<100000x128xf32, #tpu.memory_space<hbm>>
        tpu.wait_indirect_dma semaphore(%arg18 : memref<!tpu.dma_semaphore, #tpu.memory_space<semaphore_mem>>) src(%dma_wait3A_812 : memref<100000x128xf32, #tpu.memory_space<hbm>>) dst(%dma_wait3A_807 : memref<32x128xf32, #tpu.memory_space<vmem>>)
      } else {
      }
      %gt3A_746 = arith.constant 2 : i32
      %gt3A_747 = arith.cmpi sgt, %squeeze3A_735, %gt3A_746 : i32
      %convert_element_type3A_748 = arith.extui %gt3A_747 : i1 to i32
      %cond3A_749 = arith.constant 0 : i32
      %cond3A_750 = arith.cmpi ne, %convert_element_type3A_748, %cond3A_749 : i32
      scf.if %cond3A_750 {
        %dma_wait3A_805 = arith.constant 64 : i32
        %dma_wait3A_806 = arith.constant 0 : i32
        %dma_wait3A_807 = tpu.memref_slice %arg13[%dma_wait3A_805, %dma_wait3A_806] : memref<320x128xf32, #tpu.memory_space<vmem>> -> memref<32x128xf32, #tpu.memory_space<vmem>>
        %dma_wait3A_808 = arith.constant 0 : i32
        %dma_wait3A_809 = tpu.memref_slice %arg8[%dma_wait3A_808] : memref<2624xi32, #tpu.memory_space<vmem>> -> memref<32xi32, #tpu.memory_space<vmem>>
        %dma_wait3A_810 = arith.constant 0 : i32
        %dma_wait3A_811 = arith.constant 0 : i32
        %dma_wait3A_812 = tpu.memref_slice %arg2[%dma_wait3A_810, %dma_wait3A_811] : memref<100000x128xf32, #tpu.memory_space<hbm>> -> memref<100000x128xf32, #tpu.memory_space<hbm>>
        tpu.wait_indirect_dma semaphore(%arg18 : memref<!tpu.dma_semaphore, #tpu.memory_space<semaphore_mem>>) src(%dma_wait3A_812 : memref<100000x128xf32, #tpu.memory_space<hbm>>) dst(%dma_wait3A_807 : memref<32x128xf32, #tpu.memory_space<vmem>>)
      } else {
      }
      %gt3A_751 = arith.constant 3 : i32
      %gt3A_752 = arith.cmpi sgt, %squeeze3A_735, %gt3A_751 : i32
      %convert_element_type3A_753 = arith.extui %gt3A_752 : i1 to i32
      %cond3A_754 = arith.constant 0 : i32
      %cond3A_755 = arith.cmpi ne, %convert_element_type3A_753, %cond3A_754 : i32
      scf.if %cond3A_755 {
        %dma_wait3A_805 = arith.constant 96 : i32
        %dma_wait3A_806 = arith.constant 0 : i32
        %dma_wait3A_807 = tpu.memref_slice %arg13[%dma_wait3A_805, %dma_wait3A_806] : memref<320x128xf32, #tpu.memory_space<vmem>> -> memref<32x128xf32, #tpu.memory_space<vmem>>
        %dma_wait3A_808 = arith.constant 0 : i32
        %dma_wait3A_809 = tpu.memref_slice %arg8[%dma_wait3A_808] : memref<2624xi32, #tpu.memory_space<vmem>> -> memref<32xi32, #tpu.memory_space<vmem>>
        %dma_wait3A_810 = arith.constant 0 : i32
        %dma_wait3A_811 = arith.constant 0 : i32
        %dma_wait3A_812 = tpu.memref_slice %arg2[%dma_wait3A_810, %dma_wait3A_811] : memref<100000x128xf32, #tpu.memory_space<hbm>> -> memref<100000x128xf32, #tpu.memory_space<hbm>>
        tpu.wait_indirect_dma semaphore(%arg18 : memref<!tpu.dma_semaphore, #tpu.memory_space<semaphore_mem>>) src(%dma_wait3A_812 : memref<100000x128xf32, #tpu.memory_space<hbm>>) dst(%dma_wait3A_807 : memref<32x128xf32, #tpu.memory_space<vmem>>)
      } else {
      }
      %gt3A_756 = arith.constant 4 : i32
      %gt3A_757 = arith.cmpi sgt, %squeeze3A_735, %gt3A_756 : i32
      %convert_element_type3A_758 = arith.extui %gt3A_757 : i1 to i32
      %cond3A_759 = arith.constant 0 : i32
      %cond3A_760 = arith.cmpi ne, %convert_element_type3A_758, %cond3A_759 : i32
      scf.if %cond3A_760 {
        %dma_wait3A_805 = arith.constant 128 : i32
        %dma_wait3A_806 = arith.constant 0 : i32
        %dma_wait3A_807 = tpu.memref_slice %arg13[%dma_wait3A_805, %dma_wait3A_806] : memref<320x128xf32, #tpu.memory_space<vmem>> -> memref<32x128xf32, #tpu.memory_space<vmem>>
        %dma_wait3A_808 = arith.constant 0 : i32
        %dma_wait3A_809 = tpu.memref_slice %arg8[%dma_wait3A_808] : memref<2624xi32, #tpu.memory_space<vmem>> -> memref<32xi32, #tpu.memory_space<vmem>>
        %dma_wait3A_810 = arith.constant 0 : i32
        %dma_wait3A_811 = arith.constant 0 : i32
        %dma_wait3A_812 = tpu.memref_slice %arg2[%dma_wait3A_810, %dma_wait3A_811] : memref<100000x128xf32, #tpu.memory_space<hbm>> -> memref<100000x128xf32, #tpu.memory_space<hbm>>
        tpu.wait_indirect_dma semaphore(%arg18 : memref<!tpu.dma_semaphore, #tpu.memory_space<semaphore_mem>>) src(%dma_wait3A_812 : memref<100000x128xf32, #tpu.memory_space<hbm>>) dst(%dma_wait3A_807 : memref<32x128xf32, #tpu.memory_space<vmem>>)
      } else {
      }
      %gt3A_761 = arith.constant 5 : i32
      %gt3A_762 = arith.cmpi sgt, %squeeze3A_735, %gt3A_761 : i32
      %convert_element_type3A_763 = arith.extui %gt3A_762 : i1 to i32
      %cond3A_764 = arith.constant 0 : i32
      %cond3A_765 = arith.cmpi ne, %convert_element_type3A_763, %cond3A_764 : i32
      scf.if %cond3A_765 {
        %dma_wait3A_805 = arith.constant 160 : i32
        %dma_wait3A_806 = arith.constant 0 : i32
        %dma_wait3A_807 = tpu.memref_slice %arg13[%dma_wait3A_805, %dma_wait3A_806] : memref<320x128xf32, #tpu.memory_space<vmem>> -> memref<32x128xf32, #tpu.memory_space<vmem>>
        %dma_wait3A_808 = arith.constant 0 : i32
        %dma_wait3A_809 = tpu.memref_slice %arg8[%dma_wait3A_808] : memref<2624xi32, #tpu.memory_space<vmem>> -> memref<32xi32, #tpu.memory_space<vmem>>
        %dma_wait3A_810 = arith.constant 0 : i32
        %dma_wait3A_811 = arith.constant 0 : i32
        %dma_wait3A_812 = tpu.memref_slice %arg2[%dma_wait3A_810, %dma_wait3A_811] : memref<100000x128xf32, #tpu.memory_space<hbm>> -> memref<100000x128xf32, #tpu.memory_space<hbm>>
        tpu.wait_indirect_dma semaphore(%arg18 : memref<!tpu.dma_semaphore, #tpu.memory_space<semaphore_mem>>) src(%dma_wait3A_812 : memref<100000x128xf32, #tpu.memory_space<hbm>>) dst(%dma_wait3A_807 : memref<32x128xf32, #tpu.memory_space<vmem>>)
      } else {
      }
      %gt3A_766 = arith.constant 6 : i32
      %gt3A_767 = arith.cmpi sgt, %squeeze3A_735, %gt3A_766 : i32
      %convert_element_type3A_768 = arith.extui %gt3A_767 : i1 to i32
      %cond3A_769 = arith.constant 0 : i32
      %cond3A_770 = arith.cmpi ne, %convert_element_type3A_768, %cond3A_769 : i32
      scf.if %cond3A_770 {
        %dma_wait3A_805 = arith.constant 192 : i32
        %dma_wait3A_806 = arith.constant 0 : i32
        %dma_wait3A_807 = tpu.memref_slice %arg13[%dma_wait3A_805, %dma_wait3A_806] : memref<320x128xf32, #tpu.memory_space<vmem>> -> memref<32x128xf32, #tpu.memory_space<vmem>>
        %dma_wait3A_808 = arith.constant 0 : i32
        %dma_wait3A_809 = tpu.memref_slice %arg8[%dma_wait3A_808] : memref<2624xi32, #tpu.memory_space<vmem>> -> memref<32xi32, #tpu.memory_space<vmem>>
        %dma_wait3A_810 = arith.constant 0 : i32
        %dma_wait3A_811 = arith.constant 0 : i32
        %dma_wait3A_812 = tpu.memref_slice %arg2[%dma_wait3A_810, %dma_wait3A_811] : memref<100000x128xf32, #tpu.memory_space<hbm>> -> memref<100000x128xf32, #tpu.memory_space<hbm>>
        tpu.wait_indirect_dma semaphore(%arg18 : memref<!tpu.dma_semaphore, #tpu.memory_space<semaphore_mem>>) src(%dma_wait3A_812 : memref<100000x128xf32, #tpu.memory_space<hbm>>) dst(%dma_wait3A_807 : memref<32x128xf32, #tpu.memory_space<vmem>>)
      } else {
      }
      %gt3A_771 = arith.constant 7 : i32
      %gt3A_772 = arith.cmpi sgt, %squeeze3A_735, %gt3A_771 : i32
      %convert_element_type3A_773 = arith.extui %gt3A_772 : i1 to i32
      %cond3A_774 = arith.constant 0 : i32
      %cond3A_775 = arith.cmpi ne, %convert_element_type3A_773, %cond3A_774 : i32
      scf.if %cond3A_775 {
        %dma_wait3A_805 = arith.constant 224 : i32
        %dma_wait3A_806 = arith.constant 0 : i32
        %dma_wait3A_807 = tpu.memref_slice %arg13[%dma_wait3A_805, %dma_wait3A_806] : memref<320x128xf32, #tpu.memory_space<vmem>> -> memref<32x128xf32, #tpu.memory_space<vmem>>
        %dma_wait3A_808 = arith.constant 0 : i32
        %dma_wait3A_809 = tpu.memref_slice %arg8[%dma_wait3A_808] : memref<2624xi32, #tpu.memory_space<vmem>> -> memref<32xi32, #tpu.memory_space<vmem>>
        %dma_wait3A_810 = arith.constant 0 : i32
        %dma_wait3A_811 = arith.constant 0 : i32
        %dma_wait3A_812 = tpu.memref_slice %arg2[%dma_wait3A_810, %dma_wait3A_811] : memref<100000x128xf32, #tpu.memory_space<hbm>> -> memref<100000x128xf32, #tpu.memory_space<hbm>>
        tpu.wait_indirect_dma semaphore(%arg18 : memref<!tpu.dma_semaphore, #tpu.memory_space<semaphore_mem>>) src(%dma_wait3A_812 : memref<100000x128xf32, #tpu.memory_space<hbm>>) dst(%dma_wait3A_807 : memref<32x128xf32, #tpu.memory_space<vmem>>)
      } else {
      }
      %gt3A_776 = arith.constant 8 : i32
      %gt3A_777 = arith.cmpi sgt, %squeeze3A_735, %gt3A_776 : i32
      %convert_element_type3A_778 = arith.extui %gt3A_777 : i1 to i32
      %cond3A_779 = arith.constant 0 : i32
      %cond3A_780 = arith.cmpi ne, %convert_element_type3A_778, %cond3A_779 : i32
      scf.if %cond3A_780 {
        %dma_wait3A_805 = arith.constant 256 : i32
        %dma_wait3A_806 = arith.constant 0 : i32
        %dma_wait3A_807 = tpu.memref_slice %arg13[%dma_wait3A_805, %dma_wait3A_806] : memref<320x128xf32, #tpu.memory_space<vmem>> -> memref<32x128xf32, #tpu.memory_space<vmem>>
        %dma_wait3A_808 = arith.constant 0 : i32
        %dma_wait3A_809 = tpu.memref_slice %arg8[%dma_wait3A_808] : memref<2624xi32, #tpu.memory_space<vmem>> -> memref<32xi32, #tpu.memory_space<vmem>>
        %dma_wait3A_810 = arith.constant 0 : i32
        %dma_wait3A_811 = arith.constant 0 : i32
        %dma_wait3A_812 = tpu.memref_slice %arg2[%dma_wait3A_810, %dma_wait3A_811] : memref<100000x128xf32, #tpu.memory_space<hbm>> -> memref<100000x128xf32, #tpu.memory_space<hbm>>
        tpu.wait_indirect_dma semaphore(%arg18 : memref<!tpu.dma_semaphore, #tpu.memory_space<semaphore_mem>>) src(%dma_wait3A_812 : memref<100000x128xf32, #tpu.memory_space<hbm>>) dst(%dma_wait3A_807 : memref<32x128xf32, #tpu.memory_space<vmem>>)
      } else {
      }
      %gt3A_781 = arith.constant 9 : i32
      %gt3A_782 = arith.cmpi sgt, %squeeze3A_735, %gt3A_781 : i32
      %convert_element_type3A_783 = arith.extui %gt3A_782 : i1 to i32
      %cond3A_784 = arith.constant 0 : i32
      %cond3A_785 = arith.cmpi ne, %convert_element_type3A_783, %cond3A_784 : i32
      scf.if %cond3A_785 {
        %dma_wait3A_805 = arith.constant 288 : i32
        %dma_wait3A_806 = arith.constant 0 : i32
        %dma_wait3A_807 = tpu.memref_slice %arg13[%dma_wait3A_805, %dma_wait3A_806] : memref<320x128xf32, #tpu.memory_space<vmem>> -> memref<32x128xf32, #tpu.memory_space<vmem>>
        %dma_wait3A_808 = arith.constant 0 : i32
        %dma_wait3A_809 = tpu.memref_slice %arg8[%dma_wait3A_808] : memref<2624xi32, #tpu.memory_space<vmem>> -> memref<32xi32, #tpu.memory_space<vmem>>
        %dma_wait3A_810 = arith.constant 0 : i32
        %dma_wait3A_811 = arith.constant 0 : i32
        %dma_wait3A_812 = tpu.memref_slice %arg2[%dma_wait3A_810, %dma_wait3A_811] : memref<100000x128xf32, #tpu.memory_space<hbm>> -> memref<100000x128xf32, #tpu.memory_space<hbm>>
        tpu.wait_indirect_dma semaphore(%arg18 : memref<!tpu.dma_semaphore, #tpu.memory_space<semaphore_mem>>) src(%dma_wait3A_812 : memref<100000x128xf32, #tpu.memory_space<hbm>>) dst(%dma_wait3A_807 : memref<32x128xf32, #tpu.memory_space<vmem>>)
      } else {
      }
      %dma_wait3A_786 = arith.constant 0 : i32
      %dma_wait3A_787 = tpu.memref_slice %arg11[%dma_wait3A_786] : memref<128xi32, #tpu.memory_space<vmem>> -> memref<16xi32, #tpu.memory_space<vmem>>
      %dma_wait3A_788 = arith.constant 0 : i32
      %dma_wait3A_789 = arith.constant 0 : i32
      %dma_wait3A_790 = tpu.memref_slice %arg2[%dma_wait3A_788, %dma_wait3A_789] : memref<100000x128xf32, #tpu.memory_space<hbm>> -> memref<100000x128xf32, #tpu.memory_space<hbm>>
      tpu.wait_indirect_dma semaphore(%arg18 : memref<!tpu.dma_semaphore, #tpu.memory_space<semaphore_mem>>) src(%dma_wait3A_790 : memref<100000x128xf32, #tpu.memory_space<hbm>>) dst(%arg15 : memref<16x128xf32, #tpu.memory_space<vmem>>)
      %add3A_791 = arith.constant 1 : i32
      %add3A_792 = arith.addi %mul3A_660, %add3A_791 : i32
      %scan3A_793 = arith.constant 0 : i32
      %scan3A_794 = arith.constant 0 : i32
      %scan3A_795 = arith.constant 16 : i32
      %scan3A_796 = arith.addi %scan3A_794, %scan3A_795 : i32
      %scan3A_797 = arith.constant 1 : i32
      %scan3A_798:9 = scf.for %scan3A_805 = %scan3A_794 to %scan3A_796 step %scan3A_797 iter_args(%scan3A_806 = %scan3A_723#0, %scan3A_807 = %scan3A_723#1, %scan3A_808 = %scan3A_723#2, %scan3A_809 = %scan3A_723#3, %scan3A_810 = %scan3A_723#4, %scan3A_811 = %scan3A_723#5, %scan3A_812 = %scan3A_723#6, %scan3A_813 = %scan3A_723#7, %scan3A_814 = %scan3A_793) -> (vector<16xf32>, vector<16xf32>, vector<16xf32>, vector<16xf32>, vector<16xf32>, vector<16xf32>, vector<16xf32>, vector<16xf32>, i32)  : i32 {
        %mul3A_815 = arith.constant 16 : i32
        %mul3A_816 = arith.muli %add3A_792, %mul3A_815 : i32
        %add3A_817 = arith.addi %mul3A_816, %scan3A_805 : i32
        %get3A_818 = arith.index_cast %add3A_817 : i32 to index
        %get3A_819 = tpu.vector_load %arg10[%get3A_818] {strides = array<i32>} : memref<144xi32, #tpu.memory_space<vmem>>, vector<16xi32>,
        %get3A_820 = vector.shape_cast %get3A_819 : vector<16xi32> to vector<16xi32>
        %slice3A_821 = vector.extract_strided_slice %get3A_820 {offsets = [0], sizes = [1], strides = [1]} : vector<16xi32> to vector<1xi32>
        %squeeze3A_822 = vector.extract %slice3A_821[0] : i32 from vector<1xi32>
        %broadcast_in_dim3A_823 = arith.constant 1.000000e+00 : f32
        %broadcast_in_dim3A_824 = vector.broadcast %broadcast_in_dim3A_823 : f32 to vector<16xf32>
        %broadcast_in_dim3A_825 = vector.broadcast %squeeze3A_822 : i32 to vector<16xi32>
        %convert_element_type3A_826 = arith.sitofp %broadcast_in_dim3A_825 : vector<16xi32> to vector<16xf32>
        %div3A_827 = arith.divf %broadcast_in_dim3A_824, %convert_element_type3A_826 : vector<16xf32>
        %while3A = arith.constant 0 : i32
        %while3A_828 = arith.subi %squeeze3A_822, %while3A : i32
        %while3A_829 = arith.addi %while3A, %while3A_828 : i32
        %while3A_830 = arith.constant 1 : i32
        %while3A_831 = arith.divsi %while3A_828, %while3A_830 : i32
        %while3A_832 = arith.muli %while3A_831, %while3A_830 : i32
        %while3A_833 = arith.addi %while3A, %while3A_832 : i32
        %while3A_834 = arith.constant 1 : i32
        %while3A_835:8 = scf.for %while3A_903 = %while3A to %while3A_833 step %while3A_834 iter_args(%while3A_904 = %broadcast_in_dim3A_25, %while3A_905 = %broadcast_in_dim3A_25, %while3A_906 = %broadcast_in_dim3A_25, %while3A_907 = %broadcast_in_dim3A_25, %while3A_908 = %broadcast_in_dim3A_25, %while3A_909 = %broadcast_in_dim3A_25, %while3A_910 = %broadcast_in_dim3A_25, %while3A_911 = %broadcast_in_dim3A_25) -> (vector<16xf32>, vector<16xf32>, vector<16xf32>, vector<16xf32>, vector<16xf32>, vector<16xf32>, vector<16xf32>, vector<16xf32>)  : i32 {
          %add3A_912 = arith.addi %scan3A_814, %while3A_903 : i32
          %get3A_913 = arith.index_cast %add3A_912 : i32 to index
          %get3A_914 = arith.constant 0 : index
          %get3A_915 = tpu.vector_load %arg13[%get3A_913, %get3A_914] {strides = array<i32>} : memref<320x128xf32, #tpu.memory_space<vmem>>, vector<1x16xf32>,
          %get3A_916 = vector.shape_cast %get3A_915 : vector<1x16xf32> to vector<16xf32>
          %add3A_917 = arith.addf %while3A_904, %get3A_916 : vector<16xf32>
          %get3A_918 = arith.index_cast %add3A_912 : i32 to index
          %get3A_919 = arith.constant 16 : index
          %get3A_920 = tpu.vector_load %arg13[%get3A_918, %get3A_919] {strides = array<i32>} : memref<320x128xf32, #tpu.memory_space<vmem>>, vector<1x16xf32>,
          %get3A_921 = vector.shape_cast %get3A_920 : vector<1x16xf32> to vector<16xf32>
          %add3A_922 = arith.addf %while3A_905, %get3A_921 : vector<16xf32>
          %get3A_923 = arith.index_cast %add3A_912 : i32 to index
          %get3A_924 = arith.constant 32 : index
          %get3A_925 = tpu.vector_load %arg13[%get3A_923, %get3A_924] {strides = array<i32>} : memref<320x128xf32, #tpu.memory_space<vmem>>, vector<1x16xf32>,
          %get3A_926 = vector.shape_cast %get3A_925 : vector<1x16xf32> to vector<16xf32>
          %add3A_927 = arith.addf %while3A_906, %get3A_926 : vector<16xf32>
          %get3A_928 = arith.index_cast %add3A_912 : i32 to index
          %get3A_929 = arith.constant 48 : index
          %get3A_930 = tpu.vector_load %arg13[%get3A_928, %get3A_929] {strides = array<i32>} : memref<320x128xf32, #tpu.memory_space<vmem>>, vector<1x16xf32>,
          %get3A_931 = vector.shape_cast %get3A_930 : vector<1x16xf32> to vector<16xf32>
          %add3A_932 = arith.addf %while3A_907, %get3A_931 : vector<16xf32>
          %get3A_933 = arith.index_cast %add3A_912 : i32 to index
          %get3A_934 = arith.constant 64 : index
          %get3A_935 = tpu.vector_load %arg13[%get3A_933, %get3A_934] {strides = array<i32>} : memref<320x128xf32, #tpu.memory_space<vmem>>, vector<1x16xf32>,
          %get3A_936 = vector.shape_cast %get3A_935 : vector<1x16xf32> to vector<16xf32>
          %add3A_937 = arith.addf %while3A_908, %get3A_936 : vector<16xf32>
          %get3A_938 = arith.index_cast %add3A_912 : i32 to index
          %get3A_939 = arith.constant 80 : index
          %get3A_940 = tpu.vector_load %arg13[%get3A_938, %get3A_939] {strides = array<i32>} : memref<320x128xf32, #tpu.memory_space<vmem>>, vector<1x16xf32>,
          %get3A_941 = vector.shape_cast %get3A_940 : vector<1x16xf32> to vector<16xf32>
          %add3A_942 = arith.addf %while3A_909, %get3A_941 : vector<16xf32>
          %get3A_943 = arith.index_cast %add3A_912 : i32 to index
          %get3A_944 = arith.constant 96 : index
          %get3A_945 = tpu.vector_load %arg13[%get3A_943, %get3A_944] {strides = array<i32>} : memref<320x128xf32, #tpu.memory_space<vmem>>, vector<1x16xf32>,
          %get3A_946 = vector.shape_cast %get3A_945 : vector<1x16xf32> to vector<16xf32>
          %add3A_947 = arith.addf %while3A_910, %get3A_946 : vector<16xf32>
          %get3A_948 = arith.index_cast %add3A_912 : i32 to index
          %get3A_949 = arith.constant 112 : index
          %get3A_950 = tpu.vector_load %arg13[%get3A_948, %get3A_949] {strides = array<i32>} : memref<320x128xf32, #tpu.memory_space<vmem>>, vector<1x16xf32>,
          %get3A_951 = vector.shape_cast %get3A_950 : vector<1x16xf32> to vector<16xf32>
          %add3A_952 = arith.addf %while3A_911, %get3A_951 : vector<16xf32>
          scf.yield %add3A_917, %add3A_922, %add3A_927, %add3A_932, %add3A_937, %add3A_942, %add3A_947, %add3A_952 : vector<16xf32>, vector<16xf32>, vector<16xf32>, vector<16xf32>, vector<16xf32>, vector<16xf32>, vector<16xf32>, vector<16xf32>
        }
        %while3A_836 = arith.constant 1 : i32
        %while3A_837:8 = scf.for %while3A_903 = %while3A_833 to %while3A_829 step %while3A_836 iter_args(%while3A_904 = %while3A_835#0, %while3A_905 = %while3A_835#1, %while3A_906 = %while3A_835#2, %while3A_907 = %while3A_835#3, %while3A_908 = %while3A_835#4, %while3A_909 = %while3A_835#5, %while3A_910 = %while3A_835#6, %while3A_911 = %while3A_835#7) -> (vector<16xf32>, vector<16xf32>, vector<16xf32>, vector<16xf32>, vector<16xf32>, vector<16xf32>, vector<16xf32>, vector<16xf32>)  : i32 {
          %add3A_912 = arith.addi %scan3A_814, %while3A_903 : i32
          %get3A_913 = arith.index_cast %add3A_912 : i32 to index
          %get3A_914 = arith.constant 0 : index
          %get3A_915 = tpu.vector_load %arg13[%get3A_913, %get3A_914] {strides = array<i32>} : memref<320x128xf32, #tpu.memory_space<vmem>>, vector<1x16xf32>,
          %get3A_916 = vector.shape_cast %get3A_915 : vector<1x16xf32> to vector<16xf32>
          %add3A_917 = arith.addf %while3A_904, %get3A_916 : vector<16xf32>
          %get3A_918 = arith.index_cast %add3A_912 : i32 to index
          %get3A_919 = arith.constant 16 : index
          %get3A_920 = tpu.vector_load %arg13[%get3A_918, %get3A_919] {strides = array<i32>} : memref<320x128xf32, #tpu.memory_space<vmem>>, vector<1x16xf32>,
          %get3A_921 = vector.shape_cast %get3A_920 : vector<1x16xf32> to vector<16xf32>
          %add3A_922 = arith.addf %while3A_905, %get3A_921 : vector<16xf32>
          %get3A_923 = arith.index_cast %add3A_912 : i32 to index
          %get3A_924 = arith.constant 32 : index
          %get3A_925 = tpu.vector_load %arg13[%get3A_923, %get3A_924] {strides = array<i32>} : memref<320x128xf32, #tpu.memory_space<vmem>>, vector<1x16xf32>,
          %get3A_926 = vector.shape_cast %get3A_925 : vector<1x16xf32> to vector<16xf32>
          %add3A_927 = arith.addf %while3A_906, %get3A_926 : vector<16xf32>
          %get3A_928 = arith.index_cast %add3A_912 : i32 to index
          %get3A_929 = arith.constant 48 : index
          %get3A_930 = tpu.vector_load %arg13[%get3A_928, %get3A_929] {strides = array<i32>} : memref<320x128xf32, #tpu.memory_space<vmem>>, vector<1x16xf32>,
          %get3A_931 = vector.shape_cast %get3A_930 : vector<1x16xf32> to vector<16xf32>
          %add3A_932 = arith.addf %while3A_907, %get3A_931 : vector<16xf32>
          %get3A_933 = arith.index_cast %add3A_912 : i32 to index
          %get3A_934 = arith.constant 64 : index
          %get3A_935 = tpu.vector_load %arg13[%get3A_933, %get3A_934] {strides = array<i32>} : memref<320x128xf32, #tpu.memory_space<vmem>>, vector<1x16xf32>,
          %get3A_936 = vector.shape_cast %get3A_935 : vector<1x16xf32> to vector<16xf32>
          %add3A_937 = arith.addf %while3A_908, %get3A_936 : vector<16xf32>
          %get3A_938 = arith.index_cast %add3A_912 : i32 to index
          %get3A_939 = arith.constant 80 : index
          %get3A_940 = tpu.vector_load %arg13[%get3A_938, %get3A_939] {strides = array<i32>} : memref<320x128xf32, #tpu.memory_space<vmem>>, vector<1x16xf32>,
          %get3A_941 = vector.shape_cast %get3A_940 : vector<1x16xf32> to vector<16xf32>
          %add3A_942 = arith.addf %while3A_909, %get3A_941 : vector<16xf32>
          %get3A_943 = arith.index_cast %add3A_912 : i32 to index
          %get3A_944 = arith.constant 96 : index
          %get3A_945 = tpu.vector_load %arg13[%get3A_943, %get3A_944] {strides = array<i32>} : memref<320x128xf32, #tpu.memory_space<vmem>>, vector<1x16xf32>,
          %get3A_946 = vector.shape_cast %get3A_945 : vector<1x16xf32> to vector<16xf32>
          %add3A_947 = arith.addf %while3A_910, %get3A_946 : vector<16xf32>
          %get3A_948 = arith.index_cast %add3A_912 : i32 to index
          %get3A_949 = arith.constant 112 : index
          %get3A_950 = tpu.vector_load %arg13[%get3A_948, %get3A_949] {strides = array<i32>} : memref<320x128xf32, #tpu.memory_space<vmem>>, vector<1x16xf32>,
          %get3A_951 = vector.shape_cast %get3A_950 : vector<1x16xf32> to vector<16xf32>
          %add3A_952 = arith.addf %while3A_911, %get3A_951 : vector<16xf32>
          scf.yield %add3A_917, %add3A_922, %add3A_927, %add3A_932, %add3A_937, %add3A_942, %add3A_947, %add3A_952 : vector<16xf32>, vector<16xf32>, vector<16xf32>, vector<16xf32>, vector<16xf32>, vector<16xf32>, vector<16xf32>, vector<16xf32>
        }
        %mul3A_838 = arith.mulf %while3A_837#0, %div3A_827 : vector<16xf32>
        %get3A_839 = arith.index_cast %scan3A_805 : i32 to index
        %get3A_840 = arith.constant 0 : index
        %get3A_841 = tpu.vector_load %arg15[%get3A_839, %get3A_840] {strides = array<i32>} : memref<16x128xf32, #tpu.memory_space<vmem>>, vector<1x16xf32>,
        %get3A_842 = vector.shape_cast %get3A_841 : vector<1x16xf32> to vector<16xf32>
        %sub3A_843 = arith.subf %mul3A_838, %get3A_842 : vector<16xf32>
        %mul3A_844 = arith.mulf %sub3A_843, %sub3A_843 : vector<16xf32>
        %add3A_845 = arith.addf %scan3A_806, %mul3A_844 : vector<16xf32>
        %mul3A_846 = arith.mulf %while3A_837#1, %div3A_827 : vector<16xf32>
        %get3A_847 = arith.index_cast %scan3A_805 : i32 to index
        %get3A_848 = arith.constant 16 : index
        %get3A_849 = tpu.vector_load %arg15[%get3A_847, %get3A_848] {strides = array<i32>} : memref<16x128xf32, #tpu.memory_space<vmem>>, vector<1x16xf32>,
        %get3A_850 = vector.shape_cast %get3A_849 : vector<1x16xf32> to vector<16xf32>
        %sub3A_851 = arith.subf %mul3A_846, %get3A_850 : vector<16xf32>
        %mul3A_852 = arith.mulf %sub3A_851, %sub3A_851 : vector<16xf32>
        %add3A_853 = arith.addf %scan3A_807, %mul3A_852 : vector<16xf32>
        %mul3A_854 = arith.mulf %while3A_837#2, %div3A_827 : vector<16xf32>
        %get3A_855 = arith.index_cast %scan3A_805 : i32 to index
        %get3A_856 = arith.constant 32 : index
        %get3A_857 = tpu.vector_load %arg15[%get3A_855, %get3A_856] {strides = array<i32>} : memref<16x128xf32, #tpu.memory_space<vmem>>, vector<1x16xf32>,
        %get3A_858 = vector.shape_cast %get3A_857 : vector<1x16xf32> to vector<16xf32>
        %sub3A_859 = arith.subf %mul3A_854, %get3A_858 : vector<16xf32>
        %mul3A_860 = arith.mulf %sub3A_859, %sub3A_859 : vector<16xf32>
        %add3A_861 = arith.addf %scan3A_808, %mul3A_860 : vector<16xf32>
        %mul3A_862 = arith.mulf %while3A_837#3, %div3A_827 : vector<16xf32>
        %get3A_863 = arith.index_cast %scan3A_805 : i32 to index
        %get3A_864 = arith.constant 48 : index
        %get3A_865 = tpu.vector_load %arg15[%get3A_863, %get3A_864] {strides = array<i32>} : memref<16x128xf32, #tpu.memory_space<vmem>>, vector<1x16xf32>,
        %get3A_866 = vector.shape_cast %get3A_865 : vector<1x16xf32> to vector<16xf32>
        %sub3A_867 = arith.subf %mul3A_862, %get3A_866 : vector<16xf32>
        %mul3A_868 = arith.mulf %sub3A_867, %sub3A_867 : vector<16xf32>
        %add3A_869 = arith.addf %scan3A_809, %mul3A_868 : vector<16xf32>
        %mul3A_870 = arith.mulf %while3A_837#4, %div3A_827 : vector<16xf32>
        %get3A_871 = arith.index_cast %scan3A_805 : i32 to index
        %get3A_872 = arith.constant 64 : index
        %get3A_873 = tpu.vector_load %arg15[%get3A_871, %get3A_872] {strides = array<i32>} : memref<16x128xf32, #tpu.memory_space<vmem>>, vector<1x16xf32>,
        %get3A_874 = vector.shape_cast %get3A_873 : vector<1x16xf32> to vector<16xf32>
        %sub3A_875 = arith.subf %mul3A_870, %get3A_874 : vector<16xf32>
        %mul3A_876 = arith.mulf %sub3A_875, %sub3A_875 : vector<16xf32>
        %add3A_877 = arith.addf %scan3A_810, %mul3A_876 : vector<16xf32>
        %mul3A_878 = arith.mulf %while3A_837#5, %div3A_827 : vector<16xf32>
        %get3A_879 = arith.index_cast %scan3A_805 : i32 to index
        %get3A_880 = arith.constant 80 : index
        %get3A_881 = tpu.vector_load %arg15[%get3A_879, %get3A_880] {strides = array<i32>} : memref<16x128xf32, #tpu.memory_space<vmem>>, vector<1x16xf32>,
        %get3A_882 = vector.shape_cast %get3A_881 : vector<1x16xf32> to vector<16xf32>
        %sub3A_883 = arith.subf %mul3A_878, %get3A_882 : vector<16xf32>
        %mul3A_884 = arith.mulf %sub3A_883, %sub3A_883 : vector<16xf32>
        %add3A_885 = arith.addf %scan3A_811, %mul3A_884 : vector<16xf32>
        %mul3A_886 = arith.mulf %while3A_837#6, %div3A_827 : vector<16xf32>
        %get3A_887 = arith.index_cast %scan3A_805 : i32 to index
        %get3A_888 = arith.constant 96 : index
        %get3A_889 = tpu.vector_load %arg15[%get3A_887, %get3A_888] {strides = array<i32>} : memref<16x128xf32, #tpu.memory_space<vmem>>, vector<1x16xf32>,
        %get3A_890 = vector.shape_cast %get3A_889 : vector<1x16xf32> to vector<16xf32>
        %sub3A_891 = arith.subf %mul3A_886, %get3A_890 : vector<16xf32>
        %mul3A_892 = arith.mulf %sub3A_891, %sub3A_891 : vector<16xf32>
        %add3A_893 = arith.addf %scan3A_812, %mul3A_892 : vector<16xf32>
        %mul3A_894 = arith.mulf %while3A_837#7, %div3A_827 : vector<16xf32>
        %get3A_895 = arith.index_cast %scan3A_805 : i32 to index
        %get3A_896 = arith.constant 112 : index
        %get3A_897 = tpu.vector_load %arg15[%get3A_895, %get3A_896] {strides = array<i32>} : memref<16x128xf32, #tpu.memory_space<vmem>>, vector<1x16xf32>,
        %get3A_898 = vector.shape_cast %get3A_897 : vector<1x16xf32> to vector<16xf32>
        %sub3A_899 = arith.subf %mul3A_894, %get3A_898 : vector<16xf32>
        %mul3A_900 = arith.mulf %sub3A_899, %sub3A_899 : vector<16xf32>
        %add3A_901 = arith.addf %scan3A_813, %mul3A_900 : vector<16xf32>
        %add3A_902 = arith.addi %scan3A_814, %squeeze3A_822 : i32
        scf.yield %add3A_845, %add3A_853, %add3A_861, %add3A_869, %add3A_877, %add3A_885, %add3A_893, %add3A_901, %add3A_902 : vector<16xf32>, vector<16xf32>, vector<16xf32>, vector<16xf32>, vector<16xf32>, vector<16xf32>, vector<16xf32>, vector<16xf32>, i32
      }
      %scan3A_799 = arith.constant 16 : i32
      %lt3A_800 = arith.constant 3 : i32
      %lt3A_801 = arith.cmpi slt, %scan3A_650, %lt3A_800 : i32
      %convert_element_type3A_802 = arith.extui %lt3A_801 : i1 to i32
      %cond3A_803 = arith.constant 0 : i32
      %cond3A_804 = arith.cmpi ne, %convert_element_type3A_802, %cond3A_803 : i32
      scf.if %cond3A_804 {
        %add3A_805 = arith.constant 3 : i32
        %add3A_806 = arith.addi %mul3A_660, %add3A_805 : i32
        %get3A_807 = arith.index_cast %add3A_806 : i32 to index
        %get3A_808 = tpu.vector_load %arg9[%get3A_807] {strides = array<i32>} : memref<32xi32, #tpu.memory_space<vmem>>, vector<16xi32>,
        %get3A_809 = vector.shape_cast %get3A_808 : vector<16xi32> to vector<16xi32>
        %slice3A_810 = vector.extract_strided_slice %get3A_809 {offsets = [0], sizes = [1], strides = [1]} : vector<16xi32> to vector<1xi32>
        %squeeze3A_811 = vector.extract %slice3A_810[0] : i32 from vector<1xi32>
        %gt3A_812 = arith.constant 0 : i32
        %gt3A_813 = arith.cmpi sgt, %squeeze3A_811, %gt3A_812 : i32
        %convert_element_type3A_814 = arith.extui %gt3A_813 : i1 to i32
        %cond3A_815 = arith.constant 0 : i32
        %cond3A_816 = arith.cmpi ne, %convert_element_type3A_814, %cond3A_815 : i32
        scf.if %cond3A_816 {
          %mul3A_869 = arith.constant 320 : i32
          %mul3A_870 = arith.muli %add3A_806, %mul3A_869 : i32
          %add3A_871 = arith.constant 0 : i32
          %add3A_872 = arith.addi %mul3A_870, %add3A_871 : i32
          %multiple_of3A_873 = tpu.assume_multiple %add3A_872, 32 : i32
          %dma_start3A_874 = arith.constant 0 : i32
          %dma_start3A_875 = arith.constant 0 : i32
          %dma_start3A_876 = tpu.memref_slice %arg13[%dma_start3A_874, %dma_start3A_875] : memref<320x128xf32, #tpu.memory_space<vmem>> -> memref<32x128xf32, #tpu.memory_space<vmem>>
          %dma_start3A_877 = tpu.memref_slice %arg8[%multiple_of3A_873] : memref<2624xi32, #tpu.memory_space<vmem>> -> memref<32xi32, #tpu.memory_space<vmem>>
          %dma_start3A_878 = arith.constant 0 : i32
          %dma_start3A_879 = arith.constant 0 : i32
          %dma_start3A_880 = tpu.memref_slice %arg2[%dma_start3A_878, %dma_start3A_879] : memref<100000x128xf32, #tpu.memory_space<hbm>> -> memref<100000x128xf32, #tpu.memory_space<hbm>>
          tpu.enqueue_indirect_dma source(%dma_start3A_880 : memref<100000x128xf32, #tpu.memory_space<hbm>>) target(%dma_start3A_876 : memref<32x128xf32, #tpu.memory_space<vmem>>) offsets(%dma_start3A_877 : memref<32xi32, #tpu.memory_space<vmem>>) semaphore(%arg18 : memref<!tpu.dma_semaphore, #tpu.memory_space<semaphore_mem>>)
        } else {
        }
        %gt3A_817 = arith.constant 1 : i32
        %gt3A_818 = arith.cmpi sgt, %squeeze3A_811, %gt3A_817 : i32
        %convert_element_type3A_819 = arith.extui %gt3A_818 : i1 to i32
        %cond3A_820 = arith.constant 0 : i32
        %cond3A_821 = arith.cmpi ne, %convert_element_type3A_819, %cond3A_820 : i32
        scf.if %cond3A_821 {
          %mul3A_869 = arith.constant 320 : i32
          %mul3A_870 = arith.muli %add3A_806, %mul3A_869 : i32
          %add3A_871 = arith.constant 32 : i32
          %add3A_872 = arith.addi %mul3A_870, %add3A_871 : i32
          %multiple_of3A_873 = tpu.assume_multiple %add3A_872, 32 : i32
          %dma_start3A_874 = arith.constant 32 : i32
          %dma_start3A_875 = arith.constant 0 : i32
          %dma_start3A_876 = tpu.memref_slice %arg13[%dma_start3A_874, %dma_start3A_875] : memref<320x128xf32, #tpu.memory_space<vmem>> -> memref<32x128xf32, #tpu.memory_space<vmem>>
          %dma_start3A_877 = tpu.memref_slice %arg8[%multiple_of3A_873] : memref<2624xi32, #tpu.memory_space<vmem>> -> memref<32xi32, #tpu.memory_space<vmem>>
          %dma_start3A_878 = arith.constant 0 : i32
          %dma_start3A_879 = arith.constant 0 : i32
          %dma_start3A_880 = tpu.memref_slice %arg2[%dma_start3A_878, %dma_start3A_879] : memref<100000x128xf32, #tpu.memory_space<hbm>> -> memref<100000x128xf32, #tpu.memory_space<hbm>>
          tpu.enqueue_indirect_dma source(%dma_start3A_880 : memref<100000x128xf32, #tpu.memory_space<hbm>>) target(%dma_start3A_876 : memref<32x128xf32, #tpu.memory_space<vmem>>) offsets(%dma_start3A_877 : memref<32xi32, #tpu.memory_space<vmem>>) semaphore(%arg18 : memref<!tpu.dma_semaphore, #tpu.memory_space<semaphore_mem>>)
        } else {
        }
        %gt3A_822 = arith.constant 2 : i32
        %gt3A_823 = arith.cmpi sgt, %squeeze3A_811, %gt3A_822 : i32
        %convert_element_type3A_824 = arith.extui %gt3A_823 : i1 to i32
        %cond3A_825 = arith.constant 0 : i32
        %cond3A_826 = arith.cmpi ne, %convert_element_type3A_824, %cond3A_825 : i32
        scf.if %cond3A_826 {
          %mul3A_869 = arith.constant 320 : i32
          %mul3A_870 = arith.muli %add3A_806, %mul3A_869 : i32
          %add3A_871 = arith.constant 64 : i32
          %add3A_872 = arith.addi %mul3A_870, %add3A_871 : i32
          %multiple_of3A_873 = tpu.assume_multiple %add3A_872, 32 : i32
          %dma_start3A_874 = arith.constant 64 : i32
          %dma_start3A_875 = arith.constant 0 : i32
          %dma_start3A_876 = tpu.memref_slice %arg13[%dma_start3A_874, %dma_start3A_875] : memref<320x128xf32, #tpu.memory_space<vmem>> -> memref<32x128xf32, #tpu.memory_space<vmem>>
          %dma_start3A_877 = tpu.memref_slice %arg8[%multiple_of3A_873] : memref<2624xi32, #tpu.memory_space<vmem>> -> memref<32xi32, #tpu.memory_space<vmem>>
          %dma_start3A_878 = arith.constant 0 : i32
          %dma_start3A_879 = arith.constant 0 : i32
          %dma_start3A_880 = tpu.memref_slice %arg2[%dma_start3A_878, %dma_start3A_879] : memref<100000x128xf32, #tpu.memory_space<hbm>> -> memref<100000x128xf32, #tpu.memory_space<hbm>>
          tpu.enqueue_indirect_dma source(%dma_start3A_880 : memref<100000x128xf32, #tpu.memory_space<hbm>>) target(%dma_start3A_876 : memref<32x128xf32, #tpu.memory_space<vmem>>) offsets(%dma_start3A_877 : memref<32xi32, #tpu.memory_space<vmem>>) semaphore(%arg18 : memref<!tpu.dma_semaphore, #tpu.memory_space<semaphore_mem>>)
        } else {
        }
        %gt3A_827 = arith.constant 3 : i32
        %gt3A_828 = arith.cmpi sgt, %squeeze3A_811, %gt3A_827 : i32
        %convert_element_type3A_829 = arith.extui %gt3A_828 : i1 to i32
        %cond3A_830 = arith.constant 0 : i32
        %cond3A_831 = arith.cmpi ne, %convert_element_type3A_829, %cond3A_830 : i32
        scf.if %cond3A_831 {
          %mul3A_869 = arith.constant 320 : i32
          %mul3A_870 = arith.muli %add3A_806, %mul3A_869 : i32
          %add3A_871 = arith.constant 96 : i32
          %add3A_872 = arith.addi %mul3A_870, %add3A_871 : i32
          %multiple_of3A_873 = tpu.assume_multiple %add3A_872, 32 : i32
          %dma_start3A_874 = arith.constant 96 : i32
          %dma_start3A_875 = arith.constant 0 : i32
          %dma_start3A_876 = tpu.memref_slice %arg13[%dma_start3A_874, %dma_start3A_875] : memref<320x128xf32, #tpu.memory_space<vmem>> -> memref<32x128xf32, #tpu.memory_space<vmem>>
          %dma_start3A_877 = tpu.memref_slice %arg8[%multiple_of3A_873] : memref<2624xi32, #tpu.memory_space<vmem>> -> memref<32xi32, #tpu.memory_space<vmem>>
          %dma_start3A_878 = arith.constant 0 : i32
          %dma_start3A_879 = arith.constant 0 : i32
          %dma_start3A_880 = tpu.memref_slice %arg2[%dma_start3A_878, %dma_start3A_879] : memref<100000x128xf32, #tpu.memory_space<hbm>> -> memref<100000x128xf32, #tpu.memory_space<hbm>>
          tpu.enqueue_indirect_dma source(%dma_start3A_880 : memref<100000x128xf32, #tpu.memory_space<hbm>>) target(%dma_start3A_876 : memref<32x128xf32, #tpu.memory_space<vmem>>) offsets(%dma_start3A_877 : memref<32xi32, #tpu.memory_space<vmem>>) semaphore(%arg18 : memref<!tpu.dma_semaphore, #tpu.memory_space<semaphore_mem>>)
        } else {
        }
        %gt3A_832 = arith.constant 4 : i32
        %gt3A_833 = arith.cmpi sgt, %squeeze3A_811, %gt3A_832 : i32
        %convert_element_type3A_834 = arith.extui %gt3A_833 : i1 to i32
        %cond3A_835 = arith.constant 0 : i32
        %cond3A_836 = arith.cmpi ne, %convert_element_type3A_834, %cond3A_835 : i32
        scf.if %cond3A_836 {
          %mul3A_869 = arith.constant 320 : i32
          %mul3A_870 = arith.muli %add3A_806, %mul3A_869 : i32
          %add3A_871 = arith.constant 128 : i32
          %add3A_872 = arith.addi %mul3A_870, %add3A_871 : i32
          %multiple_of3A_873 = tpu.assume_multiple %add3A_872, 32 : i32
          %dma_start3A_874 = arith.constant 128 : i32
          %dma_start3A_875 = arith.constant 0 : i32
          %dma_start3A_876 = tpu.memref_slice %arg13[%dma_start3A_874, %dma_start3A_875] : memref<320x128xf32, #tpu.memory_space<vmem>> -> memref<32x128xf32, #tpu.memory_space<vmem>>
          %dma_start3A_877 = tpu.memref_slice %arg8[%multiple_of3A_873] : memref<2624xi32, #tpu.memory_space<vmem>> -> memref<32xi32, #tpu.memory_space<vmem>>
          %dma_start3A_878 = arith.constant 0 : i32
          %dma_start3A_879 = arith.constant 0 : i32
          %dma_start3A_880 = tpu.memref_slice %arg2[%dma_start3A_878, %dma_start3A_879] : memref<100000x128xf32, #tpu.memory_space<hbm>> -> memref<100000x128xf32, #tpu.memory_space<hbm>>
          tpu.enqueue_indirect_dma source(%dma_start3A_880 : memref<100000x128xf32, #tpu.memory_space<hbm>>) target(%dma_start3A_876 : memref<32x128xf32, #tpu.memory_space<vmem>>) offsets(%dma_start3A_877 : memref<32xi32, #tpu.memory_space<vmem>>) semaphore(%arg18 : memref<!tpu.dma_semaphore, #tpu.memory_space<semaphore_mem>>)
        } else {
        }
        %gt3A_837 = arith.constant 5 : i32
        %gt3A_838 = arith.cmpi sgt, %squeeze3A_811, %gt3A_837 : i32
        %convert_element_type3A_839 = arith.extui %gt3A_838 : i1 to i32
        %cond3A_840 = arith.constant 0 : i32
        %cond3A_841 = arith.cmpi ne, %convert_element_type3A_839, %cond3A_840 : i32
        scf.if %cond3A_841 {
          %mul3A_869 = arith.constant 320 : i32
          %mul3A_870 = arith.muli %add3A_806, %mul3A_869 : i32
          %add3A_871 = arith.constant 160 : i32
          %add3A_872 = arith.addi %mul3A_870, %add3A_871 : i32
          %multiple_of3A_873 = tpu.assume_multiple %add3A_872, 32 : i32
          %dma_start3A_874 = arith.constant 160 : i32
          %dma_start3A_875 = arith.constant 0 : i32
          %dma_start3A_876 = tpu.memref_slice %arg13[%dma_start3A_874, %dma_start3A_875] : memref<320x128xf32, #tpu.memory_space<vmem>> -> memref<32x128xf32, #tpu.memory_space<vmem>>
          %dma_start3A_877 = tpu.memref_slice %arg8[%multiple_of3A_873] : memref<2624xi32, #tpu.memory_space<vmem>> -> memref<32xi32, #tpu.memory_space<vmem>>
          %dma_start3A_878 = arith.constant 0 : i32
          %dma_start3A_879 = arith.constant 0 : i32
          %dma_start3A_880 = tpu.memref_slice %arg2[%dma_start3A_878, %dma_start3A_879] : memref<100000x128xf32, #tpu.memory_space<hbm>> -> memref<100000x128xf32, #tpu.memory_space<hbm>>
          tpu.enqueue_indirect_dma source(%dma_start3A_880 : memref<100000x128xf32, #tpu.memory_space<hbm>>) target(%dma_start3A_876 : memref<32x128xf32, #tpu.memory_space<vmem>>) offsets(%dma_start3A_877 : memref<32xi32, #tpu.memory_space<vmem>>) semaphore(%arg18 : memref<!tpu.dma_semaphore, #tpu.memory_space<semaphore_mem>>)
        } else {
        }
        %gt3A_842 = arith.constant 6 : i32
        %gt3A_843 = arith.cmpi sgt, %squeeze3A_811, %gt3A_842 : i32
        %convert_element_type3A_844 = arith.extui %gt3A_843 : i1 to i32
        %cond3A_845 = arith.constant 0 : i32
        %cond3A_846 = arith.cmpi ne, %convert_element_type3A_844, %cond3A_845 : i32
        scf.if %cond3A_846 {
          %mul3A_869 = arith.constant 320 : i32
          %mul3A_870 = arith.muli %add3A_806, %mul3A_869 : i32
          %add3A_871 = arith.constant 192 : i32
          %add3A_872 = arith.addi %mul3A_870, %add3A_871 : i32
          %multiple_of3A_873 = tpu.assume_multiple %add3A_872, 32 : i32
          %dma_start3A_874 = arith.constant 192 : i32
          %dma_start3A_875 = arith.constant 0 : i32
          %dma_start3A_876 = tpu.memref_slice %arg13[%dma_start3A_874, %dma_start3A_875] : memref<320x128xf32, #tpu.memory_space<vmem>> -> memref<32x128xf32, #tpu.memory_space<vmem>>
          %dma_start3A_877 = tpu.memref_slice %arg8[%multiple_of3A_873] : memref<2624xi32, #tpu.memory_space<vmem>> -> memref<32xi32, #tpu.memory_space<vmem>>
          %dma_start3A_878 = arith.constant 0 : i32
          %dma_start3A_879 = arith.constant 0 : i32
          %dma_start3A_880 = tpu.memref_slice %arg2[%dma_start3A_878, %dma_start3A_879] : memref<100000x128xf32, #tpu.memory_space<hbm>> -> memref<100000x128xf32, #tpu.memory_space<hbm>>
          tpu.enqueue_indirect_dma source(%dma_start3A_880 : memref<100000x128xf32, #tpu.memory_space<hbm>>) target(%dma_start3A_876 : memref<32x128xf32, #tpu.memory_space<vmem>>) offsets(%dma_start3A_877 : memref<32xi32, #tpu.memory_space<vmem>>) semaphore(%arg18 : memref<!tpu.dma_semaphore, #tpu.memory_space<semaphore_mem>>)
        } else {
        }
        %gt3A_847 = arith.constant 7 : i32
        %gt3A_848 = arith.cmpi sgt, %squeeze3A_811, %gt3A_847 : i32
        %convert_element_type3A_849 = arith.extui %gt3A_848 : i1 to i32
        %cond3A_850 = arith.constant 0 : i32
        %cond3A_851 = arith.cmpi ne, %convert_element_type3A_849, %cond3A_850 : i32
        scf.if %cond3A_851 {
          %mul3A_869 = arith.constant 320 : i32
          %mul3A_870 = arith.muli %add3A_806, %mul3A_869 : i32
          %add3A_871 = arith.constant 224 : i32
          %add3A_872 = arith.addi %mul3A_870, %add3A_871 : i32
          %multiple_of3A_873 = tpu.assume_multiple %add3A_872, 32 : i32
          %dma_start3A_874 = arith.constant 224 : i32
          %dma_start3A_875 = arith.constant 0 : i32
          %dma_start3A_876 = tpu.memref_slice %arg13[%dma_start3A_874, %dma_start3A_875] : memref<320x128xf32, #tpu.memory_space<vmem>> -> memref<32x128xf32, #tpu.memory_space<vmem>>
          %dma_start3A_877 = tpu.memref_slice %arg8[%multiple_of3A_873] : memref<2624xi32, #tpu.memory_space<vmem>> -> memref<32xi32, #tpu.memory_space<vmem>>
          %dma_start3A_878 = arith.constant 0 : i32
          %dma_start3A_879 = arith.constant 0 : i32
          %dma_start3A_880 = tpu.memref_slice %arg2[%dma_start3A_878, %dma_start3A_879] : memref<100000x128xf32, #tpu.memory_space<hbm>> -> memref<100000x128xf32, #tpu.memory_space<hbm>>
          tpu.enqueue_indirect_dma source(%dma_start3A_880 : memref<100000x128xf32, #tpu.memory_space<hbm>>) target(%dma_start3A_876 : memref<32x128xf32, #tpu.memory_space<vmem>>) offsets(%dma_start3A_877 : memref<32xi32, #tpu.memory_space<vmem>>) semaphore(%arg18 : memref<!tpu.dma_semaphore, #tpu.memory_space<semaphore_mem>>)
        } else {
        }
        %gt3A_852 = arith.constant 8 : i32
        %gt3A_853 = arith.cmpi sgt, %squeeze3A_811, %gt3A_852 : i32
        %convert_element_type3A_854 = arith.extui %gt3A_853 : i1 to i32
        %cond3A_855 = arith.constant 0 : i32
        %cond3A_856 = arith.cmpi ne, %convert_element_type3A_854, %cond3A_855 : i32
        scf.if %cond3A_856 {
          %mul3A_869 = arith.constant 320 : i32
          %mul3A_870 = arith.muli %add3A_806, %mul3A_869 : i32
          %add3A_871 = arith.constant 256 : i32
          %add3A_872 = arith.addi %mul3A_870, %add3A_871 : i32
          %multiple_of3A_873 = tpu.assume_multiple %add3A_872, 32 : i32
          %dma_start3A_874 = arith.constant 256 : i32
          %dma_start3A_875 = arith.constant 0 : i32
          %dma_start3A_876 = tpu.memref_slice %arg13[%dma_start3A_874, %dma_start3A_875] : memref<320x128xf32, #tpu.memory_space<vmem>> -> memref<32x128xf32, #tpu.memory_space<vmem>>
          %dma_start3A_877 = tpu.memref_slice %arg8[%multiple_of3A_873] : memref<2624xi32, #tpu.memory_space<vmem>> -> memref<32xi32, #tpu.memory_space<vmem>>
          %dma_start3A_878 = arith.constant 0 : i32
          %dma_start3A_879 = arith.constant 0 : i32
          %dma_start3A_880 = tpu.memref_slice %arg2[%dma_start3A_878, %dma_start3A_879] : memref<100000x128xf32, #tpu.memory_space<hbm>> -> memref<100000x128xf32, #tpu.memory_space<hbm>>
          tpu.enqueue_indirect_dma source(%dma_start3A_880 : memref<100000x128xf32, #tpu.memory_space<hbm>>) target(%dma_start3A_876 : memref<32x128xf32, #tpu.memory_space<vmem>>) offsets(%dma_start3A_877 : memref<32xi32, #tpu.memory_space<vmem>>) semaphore(%arg18 : memref<!tpu.dma_semaphore, #tpu.memory_space<semaphore_mem>>)
        } else {
        }
        %gt3A_857 = arith.constant 9 : i32
        %gt3A_858 = arith.cmpi sgt, %squeeze3A_811, %gt3A_857 : i32
        %convert_element_type3A_859 = arith.extui %gt3A_858 : i1 to i32
        %cond3A_860 = arith.constant 0 : i32
        %cond3A_861 = arith.cmpi ne, %convert_element_type3A_859, %cond3A_860 : i32
        scf.if %cond3A_861 {
          %mul3A_869 = arith.constant 320 : i32
          %mul3A_870 = arith.muli %add3A_806, %mul3A_869 : i32
          %add3A_871 = arith.constant 288 : i32
          %add3A_872 = arith.addi %mul3A_870, %add3A_871 : i32
          %multiple_of3A_873 = tpu.assume_multiple %add3A_872, 32 : i32
          %dma_start3A_874 = arith.constant 288 : i32
          %dma_start3A_875 = arith.constant 0 : i32
          %dma_start3A_876 = tpu.memref_slice %arg13[%dma_start3A_874, %dma_start3A_875] : memref<320x128xf32, #tpu.memory_space<vmem>> -> memref<32x128xf32, #tpu.memory_space<vmem>>
          %dma_start3A_877 = tpu.memref_slice %arg8[%multiple_of3A_873] : memref<2624xi32, #tpu.memory_space<vmem>> -> memref<32xi32, #tpu.memory_space<vmem>>
          %dma_start3A_878 = arith.constant 0 : i32
          %dma_start3A_879 = arith.constant 0 : i32
          %dma_start3A_880 = tpu.memref_slice %arg2[%dma_start3A_878, %dma_start3A_879] : memref<100000x128xf32, #tpu.memory_space<hbm>> -> memref<100000x128xf32, #tpu.memory_space<hbm>>
          tpu.enqueue_indirect_dma source(%dma_start3A_880 : memref<100000x128xf32, #tpu.memory_space<hbm>>) target(%dma_start3A_876 : memref<32x128xf32, #tpu.memory_space<vmem>>) offsets(%dma_start3A_877 : memref<32xi32, #tpu.memory_space<vmem>>) semaphore(%arg18 : memref<!tpu.dma_semaphore, #tpu.memory_space<semaphore_mem>>)
        } else {
        }
        %mul3A_862 = arith.constant 16 : i32
        %mul3A_863 = arith.muli %add3A_806, %mul3A_862 : i32
        %multiple_of3A_864 = tpu.assume_multiple %mul3A_863, 16 : i32
        %dma_start3A_865 = tpu.memref_slice %arg11[%multiple_of3A_864] : memref<128xi32, #tpu.memory_space<vmem>> -> memref<16xi32, #tpu.memory_space<vmem>>
        %dma_start3A_866 = arith.constant 0 : i32
        %dma_start3A_867 = arith.constant 0 : i32
        %dma_start3A_868 = tpu.memref_slice %arg2[%dma_start3A_866, %dma_start3A_867] : memref<100000x128xf32, #tpu.memory_space<hbm>> -> memref<100000x128xf32, #tpu.memory_space<hbm>>
        tpu.enqueue_indirect_dma source(%dma_start3A_868 : memref<100000x128xf32, #tpu.memory_space<hbm>>) target(%arg15 : memref<16x128xf32, #tpu.memory_space<vmem>>) offsets(%dma_start3A_865 : memref<16xi32, #tpu.memory_space<vmem>>) semaphore(%arg18 : memref<!tpu.dma_semaphore, #tpu.memory_space<semaphore_mem>>)
      } else {
      }
      scf.yield %scan3A_798#0, %scan3A_798#1, %scan3A_798#2, %scan3A_798#3, %scan3A_798#4, %scan3A_798#5, %scan3A_798#6, %scan3A_798#7 : vector<16xf32>, vector<16xf32>, vector<16xf32>, vector<16xf32>, vector<16xf32>, vector<16xf32>, vector<16xf32>, vector<16xf32>
    }
    %scan3A_638 = arith.constant 4 : i32
    %add3A_639 = arith.addf %scan3A_637#0, %scan3A_637#1 : vector<16xf32>
    %add3A_640 = arith.addf %add3A_639, %scan3A_637#2 : vector<16xf32>
    %add3A_641 = arith.addf %add3A_640, %scan3A_637#3 : vector<16xf32>
    %add3A_642 = arith.addf %add3A_641, %scan3A_637#4 : vector<16xf32>
    %add3A_643 = arith.addf %add3A_642, %scan3A_637#5 : vector<16xf32>
    %add3A_644 = arith.addf %add3A_643, %scan3A_637#6 : vector<16xf32>
    %add3A_645 = arith.addf %add3A_644, %scan3A_637#7 : vector<16xf32>
    %swap3A_646 = arith.constant 0 : index
    %swap3A_647 = tpu.vector_load %arg16[%swap3A_646] {strides = array<i32>} : memref<16xf32, #tpu.memory_space<vmem>>, vector<16xf32>,
    %swap3A_648 = vector.shape_cast %swap3A_647 : vector<16xf32> to vector<16xf32>
    %swap3A_649 = vector.shape_cast %add3A_645 : vector<16xf32> to vector<16xf32>
    tpu.vector_store %arg16[%swap3A_646], %swap3A_649 {strides = array<i32>} : memref<16xf32, #tpu.memory_space<vmem>>, vector<16xf32>,
    "tpu.region"() ({
      %run_scoped3A = tpu.sem_alloc : memref<!tpu.dma_semaphore, #tpu.memory_space<semaphore_mem>>
      %dma_start3A_650 = arith.constant 0 : i32
      %dma_start3A_651 = tpu.memref_slice %arg6[%add3A, %dma_start3A_650] : memref<32x16xf32, #tpu.memory_space<hbm>> -> memref<1x16xf32, #tpu.memory_space<hbm>>
      %dma_start3A_652 = tpu.memref_squeeze %dma_start3A_651 : memref<1x16xf32, #tpu.memory_space<hbm>> -> memref<16xf32, #tpu.memory_space<hbm>>
      %dma_start3A_653 = arith.constant 0 : i32
      %dma_start3A_654 = tpu.memref_slice %arg6[%add3A, %dma_start3A_653] : memref<32x16xf32, #tpu.memory_space<hbm>> -> memref<1x16xf32, #tpu.memory_space<hbm>>
      %dma_start3A_655 = tpu.memref_squeeze %dma_start3A_654 : memref<1x16xf32, #tpu.memory_space<hbm>> -> memref<16xf32, #tpu.memory_space<hbm>>
      tpu.enqueue_dma source(%arg16 : memref<16xf32, #tpu.memory_space<vmem>>) target(%dma_start3A_655 : memref<16xf32, #tpu.memory_space<hbm>>) target_semaphore(%run_scoped3A : memref<!tpu.dma_semaphore, #tpu.memory_space<semaphore_mem>>)
      %dma_wait3A_656 = arith.constant 0 : i32
      %dma_wait3A_657 = tpu.memref_slice %arg6[%add3A, %dma_wait3A_656] : memref<32x16xf32, #tpu.memory_space<hbm>> -> memref<1x16xf32, #tpu.memory_space<hbm>>
      %dma_wait3A_658 = tpu.memref_squeeze %dma_wait3A_657 : memref<1x16xf32, #tpu.memory_space<hbm>> -> memref<16xf32, #tpu.memory_space<hbm>>
      %dma_wait3A_659 = arith.constant 0 : i32
      %dma_wait3A_660 = tpu.memref_slice %arg6[%add3A, %dma_wait3A_659] : memref<32x16xf32, #tpu.memory_space<hbm>> -> memref<1x16xf32, #tpu.memory_space<hbm>>
      %dma_wait3A_661 = tpu.memref_squeeze %dma_wait3A_660 : memref<1x16xf32, #tpu.memory_space<hbm>> -> memref<16xf32, #tpu.memory_space<hbm>>
      tpu.wait_dma2 semaphore(%run_scoped3A : memref<!tpu.dma_semaphore, #tpu.memory_space<semaphore_mem>>) src(%arg16 : memref<16xf32, #tpu.memory_space<vmem>>) dst(%dma_wait3A_661 : memref<16xf32, #tpu.memory_space<hbm>>)
      tpu.yield
    }) : () -> ()
    return
  }
}

</mosaic_0001>

<sc_bundles>
// kernel: kernel.3.cloned.1.call-start
scs
__scs_entry_jumppad:
0x0: {  	(pc) =	sbr.rel $0x88, $3  }
0x1: {  	(tag) =	ssettag $0x0;
	lr =	simm.s32 $0x1  }
0x2: {  	[smem:$0x3F9D] =	sst lr;
	_ =	strace $0xD0000000  }
0x3: {  	_ = 	snop  }
0x4: {  	_ = 	snop  }
0x5: {  	_ = 	snop  }
0x6: {  	_ = 	snop  }
0x7: {  	_ = 	snop  }
__scs_overlays_trampoline_lowered:
0x8: {  	[smem:$0x3FAC] =	sst s0  }
0x9: {  	[smem:$0x3FAD] =	sst s1  }
0xa: {  	[smem:$0x3FAE] =	sst s2  }
0xb: {  	[smem:$0x3FAF] =	sst s3  }
0xc: {  	[smem:$0x3FB0] =	sst s4  }
0xd: {  	[smem:$0x3FB1] =	sst s5  }
0xe: {  	[smem:$0x3FB2] =	sst s6  }
0xf: {  	[smem:$0x3FB3] =	sst s7  }
0x10: {  	[smem:$0x3FB4] =	sst s8  }
0x11: {  	[smem:$0x3FB5] =	sst s9;
	s0 =	simm.s32 @!p0 $0x0  }
0x12: {  	s1 =	sld [smem:$0x3F9B];
	s0 =	simm.s32 @p0 $0x1  }
0x13: {  	[smem:$0x3FB6] =	sst s0;
	s0 =	simm.s32 @!p1 $0x0  }
0x14: {  	s2 =	sld [smem:$0x3F9A];
	s0 =	simm.s32 @p1 $0x1  }
0x15: {  	[smem:$0x3FB7] =	sst s0;
	s0 =	simm.s32 @!p2 $0x0  }
0x16: {  	s3 =	sld [smem:$0x3FDB];
	s0 =	simm.s32 @p2 $0x1  }
0x17: {  	s4 =	simm.s32 $0x1BF5;
	[smem:$0x3FB9] =	sst s0  }
0x18: {  	s0 =	sld [smem:$0x3F9C];
	_ =	swait.ge [sflag:s4], $0x0  }
0x19: {  	s7 =	sld [smem:$0x3F9D]  }
0x1a: {  	s8 =	sadd.s32 $0xFFFFE003, lr  }
0x1b: {  	s9 =	sadd.s32 $0xFFFFFEF7, lr;
	s5 =	simm.s32 $0xFFFFFFFF;
	p2 =	slt.u32 s8, $0xFFFFF086  }
0x1c: {  	p1 =	slt.u32 s9, $0xF7A;
	s5 =	simm.s32 @!p2 $0x0  }
0x1d: {  	s5 =	simm.s32 @p1 $0x1;
	p0 =	seq.s32 s7, s2  }
0x1e: {  	s7 =	smul.u32 @!p0 $0xF7A, s2;
	p2 =	seq.s32 @!p0 s5, $0x0  }
0x1f: {  	s9 =	smul.u32 $0xF7A, s1;
	s8 =	simm.s32 @!p0 $0x1BF5;
	p2 =	por !p2, p0  }
0x20: {  	[sflag:s8] =	ssyncset.s32 @!p0 $0xFFFFF086;
	s6 =	sadd.s32 @!p0 s3, s7;
	s7 =	simm.s32 @!p0 $0x108  }
0x21: {  	s3 =	sadd.s32 s3, s9;
	s6 =	sadd.s32 @!p0 $0x88, s6;
	s7 =	simm.s32 @p2 $0x1082  }
0x22: {  	[simem:s7], [sflag:s8] =	dma.local @!p0 [hbm:s6], $0xF7A  }
0x23: {  	s9 =	sor.u32 $0xD0000000, s2;
	s6 =	simm.s32 $0x108;
	_ =	swait.ge @!p0 [sflag:s8], $0x0  }
0x24: {  	s3 =	sadd.s32 $0x88, s3;
	s6 =	simm.s32 @!p1 $0x1082;
	[sflag:s4] =	ssyncset.s32 $0xFFFFF086  }
0x25: {  	[simem:s6], [sflag:s4] =	dma.local [hbm:s3], $0xF7A  }
0x26: {  	[smem:$0x3F9D] =	sst s1;
	(tag) =	ssettag s2;
	_ =	strace s9  }
0x27: {  	s1 =	sld [smem:$0x3FAD]  }
0x28: {  	s2 =	sld [smem:$0x3FAE]  }
0x29: {  	s4 =	sld [smem:$0x3FB0]  }
0x2a: {  	p0 =	seq.s32 s5, $0x0;
	s5 =	sld [smem:$0x3FB1]  }
0x2b: {  	s6 =	sld [smem:$0x3FB2]  }
0x2c: {  	s7 =	sld [smem:$0x3FB3]  }
0x2d: {  	s3 =	simm.s32 $0x108;
	s8 =	sld [smem:$0x3FB4]  }
0x2e: {  	s3 =	simm.s32 @!p0 $0x1082;
	s9 =	sld [smem:$0x3FB5]  }
0x2f: {  	lr =	sadd.s32 s0, s3;
	s0 =	sld [smem:$0x3FAC]  }
0x30: {  	s3 =	sld [smem:$0x3FAF]  }
0x31: {  	[smem:$0x3FB8] =	sst s10  }
0x32: {  	s10 =	sld [smem:$0x3FB6];
	_ =	sdelay $0x3  }
0x33: {  	p0 =	seq.s32 s10, $0x1;
	s10 =	sld [smem:$0x3FB8];
	_ =	sdelay $0x3  }
0x34: {  	[smem:$0x3FB8] =	sst s10  }
0x35: {  	s10 =	sld [smem:$0x3FB7];
	_ =	sdelay $0x3  }
0x36: {  	p1 =	seq.s32 s10, $0x1;
	s10 =	sld [smem:$0x3FB8];
	_ =	sdelay $0x3  }
0x37: {  	[smem:$0x3FB8] =	sst s10  }
0x38: {  	s10 =	sld [smem:$0x3FB9]  }
0x39: {  	_ = 	snop;
	(pc) =	sbr.ind lr, $3  }
0x3a: {  	_ = 	snop  }
0x3b: {  	_ = 	snop  }
0x3c: {  	p2 =	seq.s32 s10, $0x1;
	s10 =	sld [smem:$0x3FB8]  }
0x3d: {  	_ =	shalt  }
0x3e: {  	_ =	shalt  }
0x3f: {  	_ =	shalt  }
0x40: {  	_ =	shalt  }
0x41: {  	_ =	shalt  }
0x42: {  	_ =	shalt  }
0x43: {  	_ =	shalt  }
0x44: {  	_ =	shalt  }
0x45: {  	_ =	shalt  }
0x46: {  	_ =	shalt  }
0x47: {  	_ =	shalt  }
0x48: {  	_ =	shalt  }
0x49: {  	_ =	shalt  }
0x4a: {  	_ =	shalt  }
0x4b: {  	_ =	shalt  }
0x4c: {  	_ =	shalt  }
0x4d: {  	_ =	shalt  }
0x4e: {  	_ =	shalt  }
0x4f: {  	_ =	shalt  }
0x50: {  	_ =	shalt  }
0x51: {  	_ =	shalt  }
0x52: {  	_ =	shalt  }
0x53: {  	_ =	shalt  }
0x54: {  	_ =	shalt  }
0x55: {  	_ =	shalt  }
0x56: {  	_ =	shalt  }
0x57: {  	_ =	shalt  }
0x58: {  	_ =	shalt  }
0x59: {  	_ =	shalt  }
0x5a: {  	_ =	shalt  }
0x5b: {  	_ =	shalt  }
0x5c: {  	_ =	shalt  }
0x5d: {  	_ =	shalt  }
0x5e: {  	_ =	shalt  }
0x5f: {  	_ =	shalt  }
0x60: {  	_ =	shalt  }
0x61: {  	_ =	shalt  }
0x62: {  	_ =	shalt  }
0x63: {  	_ =	shalt  }
0x64: {  	_ =	shalt  }
0x65: {  	_ =	shalt  }
0x66: {  	_ =	shalt  }
0x67: {  	_ =	shalt  }
0x68: {  	_ =	shalt  }
0x69: {  	_ =	shalt  }
0x6a: {  	_ =	shalt  }
0x6b: {  	_ =	shalt  }
0x6c: {  	_ =	shalt  }
0x6d: {  	_ =	shalt  }
0x6e: {  	_ =	shalt  }
0x6f: {  	_ =	shalt  }
0x70: {  	_ =	shalt  }
0x71: {  	_ =	shalt  }
0x72: {  	_ =	shalt  }
0x73: {  	_ =	shalt  }
0x74: {  	_ =	shalt  }
0x75: {  	_ =	shalt  }
0x76: {  	_ =	shalt  }
0x77: {  	_ =	shalt  }
0x78: {  	_ =	shalt  }
0x79: {  	_ =	shalt  }
0x7a: {  	_ =	shalt  }
0x7b: {  	_ =	shalt  }
0x7c: {  	_ =	shalt  }
0x7d: {  	_ =	shalt  }
0x7e: {  	_ =	shalt  }
0x7f: {  	_ =	shalt  }
0x80: {  	_ =	shalt  }
0x81: {  	_ =	shalt  }
0x82: {  	_ =	shalt  }
0x83: {  	_ =	shalt  }
0x84: {  	_ =	shalt  }
0x85: {  	_ =	shalt  }
0x86: {  	_ =	shalt  }
0x87: {  	_ =	shalt  }
.Lfunc_end0:
.L_simem_size_0:
called_computation_lowered:
.L_overlay_start_0:
0x88: {  	s2 =	sld [smem:$0x3FD9]  }
0x89: {  	s3 =	sld [smem:$0x3FFE];
	_ =	sdelay $0x1  }
0x8a: {  	s1 =	srdreg.scid  }
0x8b: {  	s0 =	sand.u32 $0x1, s1  }
0x8c: {  	s17 =	sshll.u32 s0, $0xA;
	s2 =	sadd.s32 s3, s2  }
0x8d: {  	s2 =	sadd.s32 s2, s17  }
0x8e: {  	[smem:$0x3FC4] =	sst s2  }
0x8f: {  	_ = 	snop  }
0x90: {  	s2 =	sld [smem:$0x3FC9]  }
0x91: {  	s18 =	sld [smem:$0x3FC7]  }
0x92: {  	s4 =	sld [smem:$0x3FC6];
	(tm) =	ssettm $0x1  }
0x93: {  	s5 =	sld [smem:$0x3FFB];
	_ =	sdelay $0x3  }
0x94: {  	_ =	strace s5  }
0x95: {  	s5 =	sld [smem:$0x3FFC];
	_ =	sdelay $0x3  }
0x96: {  	_ =	strace s5  }
0x97: {  	s5 =	sld [smem:$0x3FFD];
	_ =	sdelay $0x3  }
0x98: {  	_ =	strace s5  }
0x99: {  	_ =	strace $0x8FFFFFFF  }
0x9a: {  	s19 =	sld [smem:$0x3FDB];
	_ =	sdelay $0x1  }
0x9b: {  	s6 =	simm.s32 $_scs_section_size  }
0x9c: {  	s7 =	simm.s32 $_size__tile_overlayer_lowered;
	s8 =	simm.s32 $_tile_overlayer_lowered  }
0x9d: {  	s22 =	simm.s32 $0x1BFF;
	s21 =	sshll.u32 s8, $0x1;
	s5 =	sadd.s32 s6, s19  }
0x9e: {  	s9 =	simm.s32 $0x0;
	s20 =	sshll.u32 s7, $0x1;
	s7 =	sadd.s32 s21, s5  }
0x9f: {  	[timem:s9], [sflag:s22] =	dma.local [hbm:s7], s20  }
0xa0: {  	_ =	swait.ge [sflag:s22], s20  }
0xa1: {  	s6 =	ssub.s32 $0x0, s20;
	[sflag:s22] =	ssyncset.done $0x0  }
0xa2: {  	[sflag:s22] =	ssyncadd.s32 s6;
	_ =	sdelay $0x1  }
0xa3: {  	s23 =	simm.s32 $0x1B8B  }
0xa4: {  	_ =	swait.ge [sflag:s23], $0x1  }
0xa5: {  	[sflag:s23] =	ssyncset.done $0x0  }
0xa6: {  	s25 =	simm.s32 $0x1B8E;
	s24 =	sld [smem:$0x3FFE];
	[sflag:s23] =	ssyncadd.s32 $0xFFFFFFFF  }
0xa7: {  	s26 =	simm.s32 $execute0_lowered;
	[smem:$0x3FD2] =	sst s25  }
0xa8: {  	s7 =	sshll.u32 s26, $0x1;
	_ =	strace $0x80000046;
	[dreg:$0x1] =	wrdreg $0xFFFFFFFF  }
0xa9: {  	s28 =	simm.s32 $_size_execute0_lowered;
	s5 =	sadd.s32 s5, s7;
	[dreg:$0x0] =	wrdreg $0x0  }
0xaa: {  	s7 =	sshll.u32 s28, $0x1;
	[dreg:$0x2] =	wrdreg s5  }
0xab: {  	[dreg:$0x3] =	wrdreg s7  }
0xac: {  	[dreg:$0x4] =	wrdreg $0xC0  }
0xad: {  	_ =	task [dreg:s9], $0x5FFFF  }
0xae: {  	[dreg:$0x1] =	wrdreg $0xFFFFFFFF  }
0xaf: {  	[dreg:$0x0] =	wrdreg $0x60  }
0xb0: {  	[dreg:$0x2] =	wrdreg s2  }
0xb1: {  	[dreg:$0x3] =	wrdreg s24  }
0xb2: {  	[dreg:$0x4] =	wrdreg s18  }
0xb3: {  	[dreg:$0x5] =	wrdreg s4  }
0xb4: {  	[dreg:$0x6] =	wrdreg $0x9  }
0xb5: {  	_ =	task.clear_ibuf [dreg:s9], $0x7FFFF;
	_ =	strace $0x90000046  }
0xb6: {  	s29 =	simm.s32 $0x9;
	_ =	strace $0x80000048  }
0xb7: {  	_ =	swait.ge [sflag:s29], $0x1  }
0xb8: {  	[sflag:s29] =	ssyncadd.s32 $0xFFFFFFFF  }
0xb9: {  	_ =	strace $0x90000048  }
0xba: {  	_ =	sfence  }
0xbb: {  	s30 =	sld [smem:$0x0];
	_ =	sdelay $0x2  }
0xbc: {  	s31 =	sshll.u32 s1, $0xD;
	s1 =	sshrl.u32 s1, $0x2  }
0xbd: {  	s3 =	sand.u32 $0x4000, s31;
	s1 =	sadd.s32 s1, s30  }
0xbe: {  	s0 =	sor.u32 s3, s0;
	s1 =	sshll.u32 s1, $0x11  }
0xbf: {  	s0 =	sor.u32 s1, s0  }
0xc0: {  	s0 =	sadd.s32 $0x8F2B, s0  }
0xc1: {  	[sflag:s0] =	ssyncadd.remote.s32 $0x1  }
0xc2: {  	_ =	sfence.sel $0xFFFF  }
0xc3: {  	[dreg:$0x0] =	wrdreg $0xFFFFFFFF;
	(pc) =	sbr.abs _section_cstart, $3  }
0xc4: {  	[dreg:$0x1] =	wrdreg $0xFFFFFFFF  }
0xc5: {  	_ =	task.clear_ibuf [dreg:s9], $0x2FFFF;
	_ =	strace $0x9FFFFFFF  }
0xc6: {  	(tm) =	ssettm $0x7FFFFFFF  }
0xc7: {  	_ =	shalt  }
tec
execute0_lowered:
.L_overlay_start_1:
0x0: {  	(tag) =	ssettag $0x1  }
0x1: {  	s1 =	rddreg [dreg:$0x0]  }
0x2: {  	s0 =	rddreg [dreg:$0x1]  }
0x3: {  	s2 =	rddreg [dreg:$0x2]  }
0x4: {  	s6 =	rddreg [dreg:$0x3]  }
0x5: {  	s4 =	srdreg.scid;
	s5 =	stileid.u32  }
0x6: {  	s3 =	simm.s32 $0x0;
	s11 =	simm.s32 $0x1;
	s12 =	simm.s32 $0x20  }
0x7: {  	s14 =	simm.s32 $0x8C80;
	s15 =	simm.s32 $0x10;
	s18 =	simm.s32 $0x12C80  }
0x8: {  	s20 =	simm.s32 $0x19480;
	s21 =	simm.s32 $0x2;
	s23 =	simm.s32 $0x3  }
0x9: {  	s24 =	simm.s32 $0x0;
	s4 =	sand.u32 $0x1, s4;
	s5 =	sshll.u32 s5, $0x1  }
0xa: {  	[smem:$0x7FF] =	sst s3;
	s5 =	sor.u32 s4, s5;
	s4 =	ssub.s32 $0x2, s4  }
0xb: {  	_ =	strace $0x80000047;
	s7 =	sshll.u32 s5, $0x4;
	s9 =	sshrl.u32 s4, $0x1  }
0xc: {  	v0 =	vlaneseq.u32;
	vm0 =	vcmask $0x300;
	s10 =	sshll.u32 s5, $0xB;
	s29 =	sshll.u32 s5, $0x8;
	s8 =	sadd.s32 s7, s0  }
0xd: {  	vm1 =	vcmask $0x704;
	v16 =	vor.u32 $0x10, v0;
	s9 =	ssub.s32 s4, s9;
	s4 =	sadd.s32 s0, s10;
	s30 =	sor.u32 $0x20, s29;
	v1 =	vor.u32 s29, v0  }
.Ltmp0:
0xe: {  	s31 =	sor.u32 $0x40, s29;
	s13 =	sor.u32 $0x60, s29;
	v2 =	vor.u32 s29, v16;
	v3 =	vor.u32 s30, v0;
	v4 =	vor.u32 s30, v16;
	(pc) =	sbr.rel .LBB2_1-.Ltmp0, $4  }
0xf: {  	s5 =	sadd.s32 s2, s7;
	s6 =	sadd.s32 s6, s7;
	s16 =	sor.u32 $0x80, s29;
	v5 =	vor.u32 s31, v0;
	v6 =	vor.u32 s31, v16;
	v7 =	vor.u32 s13, v0  }
0x10: {  	s17 =	sor.u32 $0xA0, s29;
	s19 =	sor.u32 $0xC0, s29;
	s22 =	sor.u32 $0xE0, s29;
	v8 =	vor.u32 s13, v16;
	v9 =	vor.u32 s16, v0;
	v10 =	vor.u32 s16, v16  }
0x11: {  	s10 =	simm.s32 $0x4C00;
	s7 =	sadd.s32 $0x10000, s8;
	s8 =	smax.u32 s9, $0x1;
	v11 =	vor.u32 s17, v0;
	v12 =	vor.u32 s17, v16;
	v13 =	vor.u32 s19, v0  }
0x12: {  	s16 =	simm.s32 $0x18C80;
	v14 =	vor.u32 s19, v16;
	v15 =	vor.u32 s22, v0;
	s19 =	simm.s32 $0x4C10;
	v16 =	vor.u32 s22, v16;
	s22 =	simm.s32 $0x19C80  }
.LBB2_54:
0x13: {  	v23 =	vadd.f32 v23, v24;
	_ =	sdelay $0x1  }
0x14: {  	v22 =	vadd.f32 v22, v23;
	_ =	sdelay $0x1  }
0x15: {  	v21 =	vadd.f32 v21, v22;
	_ =	sdelay $0x1  }
0x16: {  	v20 =	vadd.f32 v20, v21;
	_ =	sdelay $0x1  }
0x17: {  	v19 =	vadd.f32 v19, v20;
	_ =	sdelay $0x1  }
0x18: {  	v18 =	vadd.f32 v18, v19;
	_ =	sdelay $0x1  }
0x19: {  	s24 =	sadd.s32 $0x1, s24;
	v17 =	vadd.f32 v17, v18  }
0x1a: {  	p0 =	sne.s32 s24, s8  }
.Ltmp1:
0x1b: {  	[tilespmem:$0x19C80] =	vst v17;
	(pc) =	sbr.rel @!p0 .LBB2_55-.Ltmp1, $4  }
0x1c: {  	[hbm4b:s7+s3] =	stream.linear.scatter [tilespmem:s22], [sflag:$0x3], $0x80, $0x38;
	[tilespmem:$0x19D00] =	vst v63  }
0x1d: {  	_ =	swait.ge [sflag:s23], $0x80  }
0x1e: {  	[sflag:s23] =	ssyncset.done $0x0  }
0x1f: {  	[sflag:s23] =	ssyncadd.s32 $0xFFFFFF80  }
.LBB2_1:
0x20: {  	[tilespmem:s3], [sflag:$0x1] =	stream.linear.gather [hbm4b:s4+s3], $0x4000, $0x38;
	[tilespmem:$0x19D00] =	vst v63  }
0x21: {  	s0 =	simm.s32 $0x4B00  }
0x22: {  	[tilespmem:s0], [sflag:$0x1] =	stream.linear.gather [hbm4b:s5+s3], $0x80, $0x38;
	[tilespmem:$0x19D00] =	vst v63  }
0x23: {  	_ = 	snop  }
0x24: {  	[tilespmem:s10], [sflag:$0x1] =	stream.linear.gather [hbm4b:s6+s3], $0x80, $0x38;
	[tilespmem:$0x19D00] =	vst v63  }
0x25: {  	_ =	swait.ge [sflag:s11], $0x4000  }
0x26: {  	[sflag:s11] =	ssyncset.done $0x0  }
0x27: {  	[sflag:s11] =	ssyncadd.s32 $0xFFFFC000  }
0x28: {  	_ =	swait.ge [sflag:s11], $0x80  }
0x29: {  	[sflag:s11] =	ssyncset.done $0x0  }
0x2a: {  	[sflag:s11] =	ssyncadd.s32 $0xFFFFFF80  }
0x2b: {  	_ =	swait.ge [sflag:s11], $0x80  }
0x2c: {  	[sflag:s11] =	ssyncset.done $0x0  }
0x2d: {  	s2 =	simm.s32 $0x0;
	[sflag:s11] =	ssyncadd.s32 $0xFFFFFF80  }
0x2e: {  	v17 =	vld [tilespmem:s2+$0x4B00];
	_ =	sdelay $0x4  }
0x2f: {  	(v2sf) =	vpush v17, $0x0;
	_ =	sdelay $0x2  }
0x30: {  	s0 =	simm.s32 $0x4  }
0x31: {  	v18 =	vld [tilespmem:s0+$0xFFFFFFFC]  }
0x32: {  	v19 =	vld [tilespmem:s0+$0x0];
	_ =	sdelay $0x3  }
0x33: {  	[tilespmem:s3+$0x4000] =	vst v18  }
0x34: {  	s26 =	simm.s32 $0x1;
	s25 =	simm.s32 $0x0;
	s2 =	simm.s32 $0x8;
	[tilespmem:s3+$0x4004] =	vst v19  }
.LBB2_2:
0x35: {  	p0 =	sne.s32 s2, $0x3C;
	v17 =	vld [tilespmem:s26+$0x4B00];
	s0 =	sadd.s32 $0x80, s0  }
0x36: {  	v18 =	vld [tilespmem:s0+$0xFFFFFFFC]  }
0x37: {  	v19 =	vld [tilespmem:s0+$0x0];
	_ =	sdelay $0x1  }
0x38: {  	s13 =	spop (v2sf)  }
0x39: {  	(v2sf) =	vpush v17, $0x0;
	s25 =	sadd.s32 s25, s13  }
0x3a: {  	[tilespmem:s25+$0x4000] =	vst v18  }
0x3b: {  	[tilespmem:s25+$0x4004] =	vst v19;
	_ =	sdelay $0x3  }
.Ltmp2:
0x3c: {  	(pc) =	sbr.rel @p0 .LBB2_2-.Ltmp2, $2  }
0x3d: {  	_ =	sdelay $0x2  }
0x3e: {  	s26 =	sshra.s32 s2, $0x2;
	s2 =	sadd.s32 $0x4, s2  }
0x3f: {  	v17 =	vld [tilespmem:s26+$0x4B00];
	_ =	sdelay $0x4  }
0x40: {  	(v2sf) =	vpush v17, $0x0;
	_ =	sdelay $0x8  }
0x41: {  	s0 =	sadd.s32 $0x80, s0  }
0x42: {  	v17 =	vld [tilespmem:s0+$0xFFFFFFFC]  }
0x43: {  	v18 =	vld [tilespmem:s0+$0x0];
	_ =	sdelay $0x1  }
0x44: {  	s30 =	spop (v2sf)  }
0x45: {  	s0 =	sadd.s32 s25, s30  }
0x46: {  	[tilespmem:s0+$0x4000] =	vst v17;
	s2 =	spop (v2sf)  }
0x47: {  	[tilespmem:s0+$0x4004] =	vst v18;
	s0 =	sadd.s32 s0, s2  }
0x48: {  	[tilespmem:s0+$0x4000] =	vst v1  }
0x49: {  	s31 =	simm.s32 $0x0;
	[tilespmem:s0+$0x4010] =	vst v2  }
0x4a: {  	v17 =	vld [tilespmem:s31+$0x4B10];
	_ =	sdelay $0x4  }
0x4b: {  	(v2sf) =	vpush v17, $0x0;
	_ =	sdelay $0x2  }
0x4c: {  	s26 =	simm.s32 $0x804  }
0x4d: {  	v18 =	vld [tilespmem:s26+$0xFFFFFFFC]  }
0x4e: {  	v19 =	vld [tilespmem:s26+$0x0];
	_ =	sdelay $0x2  }
0x4f: {  	s25 =	simm.s32 $0x140  }
0x50: {  	[tilespmem:s25+$0x4000] =	vst v18  }
0x51: {  	s28 =	simm.s32 $0x1;
	s2 =	simm.s32 $0x8;
	[tilespmem:s25+$0x4004] =	vst v19  }
.LBB2_4:
0x52: {  	p0 =	sne.s32 s2, $0x3C;
	v17 =	vld [tilespmem:s28+$0x4B10];
	s26 =	sadd.s32 $0x80, s26  }
0x53: {  	v18 =	vld [tilespmem:s26+$0xFFFFFFFC]  }
0x54: {  	v19 =	vld [tilespmem:s26+$0x0];
	_ =	sdelay $0x1  }
0x55: {  	s13 =	spop (v2sf)  }
0x56: {  	(v2sf) =	vpush v17, $0x0;
	s25 =	sadd.s32 s25, s13  }
0x57: {  	[tilespmem:s25+$0x4000] =	vst v18  }
0x58: {  	[tilespmem:s25+$0x4004] =	vst v19;
	_ =	sdelay $0x3  }
.Ltmp3:
0x59: {  	(pc) =	sbr.rel @p0 .LBB2_4-.Ltmp3, $2  }
0x5a: {  	_ =	sdelay $0x2  }
0x5b: {  	s28 =	sshra.s32 s2, $0x2;
	s2 =	sadd.s32 $0x4, s2  }
0x5c: {  	v17 =	vld [tilespmem:s28+$0x4B10];
	_ =	sdelay $0x4  }
0x5d: {  	(v2sf) =	vpush v17, $0x0;
	_ =	sdelay $0x8  }
0x5e: {  	s2 =	sadd.s32 $0x80, s26;
	s0 =	sadd.s32 $0x1F, s0  }
0x5f: {  	s9 =	sand.u32 $0x1F, s0;
	s17 =	sshra.s32 s0, $0x1F;
	v17 =	vld [tilespmem:s2+$0xFFFFFFFC]  }
0x60: {  	v18 =	vld [tilespmem:s2+$0x0];
	p0 =	slt.s32 s0, $0x1;
	p1 =	sne.s32 s9, $0x0;
	s29 =	sshrl.u32 s17, $0x1B  }
0x61: {  	p0 =	por !p0, !p1;
	s0 =	sadd.s32 s29, s0;
	s13 =	spop (v2sf)  }
0x62: {  	p0 =	por !p0, !p0;
	s28 =	sadd.s32 s25, s13;
	s13 =	simm.s32 $0x1  }
0x63: {  	s31 =	sshra.s32 s0, $0x5;
	s13 =	simm.s32 @!p0 $0x0  }
0x64: {  	s25 =	ssub.s32 s31, s13;
	[tilespmem:s28+$0x4000] =	vst v17;
	s30 =	spop (v2sf)  }
0x65: {  	p0 =	slt.s32 s25, $0x1;
	[tilespmem:s28+$0x4004] =	vst v18;
	s0 =	sadd.s32 s28, s30  }
0x66: {  	s2 =	simm.s32 @!p0 $0x20;
	[tilespmem:s0+$0x4000] =	vst v3  }
0x67: {  	s13 =	simm.s32 @!p0 $0x4000;
	s26 =	simm.s32 @!p0 $0x4C80;
	p1 =	seq.s32 @!p0 s25, $0x1;
	[tilespmem:s0+$0x4010] =	vst v4  }
0x68: {  	[tilespmem:s26], [sflag:$0x1] =	stream.indirect.gather @!p0 [hbm4b:s1+s2], $0x80, s13, s2, $0xb8;
	[tilespmem:$0x19D00] =	vst v63  }
0x69: {  	p0 =	por p0, p1  }
0x6a: {  	s2 =	simm.s32 @!p0 $0x20  }
0x6b: {  	s13 =	simm.s32 @!p0 $0x4020;
	s26 =	simm.s32 @!p0 $0x5C80;
	p1 =	slt.u32 @!p0 s25, $0x3  }
0x6c: {  	[tilespmem:s26], [sflag:$0x1] =	stream.indirect.gather @!p0 [hbm4b:s1+s2], $0x80, s13, s2, $0xb8;
	[tilespmem:$0x19D00] =	vst v63  }
0x6d: {  	p0 =	por p0, p1  }
0x6e: {  	s2 =	simm.s32 @!p0 $0x20  }
0x6f: {  	s13 =	simm.s32 @!p0 $0x4040;
	s26 =	simm.s32 @!p0 $0x6C80;
	p1 =	seq.s32 @!p0 s25, $0x3  }
0x70: {  	[tilespmem:s26], [sflag:$0x1] =	stream.indirect.gather @!p0 [hbm4b:s1+s2], $0x80, s13, s2, $0xb8;
	[tilespmem:$0x19D00] =	vst v63  }
0x71: {  	p0 =	por p0, p1  }
0x72: {  	s2 =	simm.s32 @!p0 $0x20  }
0x73: {  	s13 =	simm.s32 @!p0 $0x4060;
	s26 =	simm.s32 @!p0 $0x7C80;
	p1 =	slt.u32 @!p0 s25, $0x5  }
0x74: {  	[tilespmem:s26], [sflag:$0x1] =	stream.indirect.gather @!p0 [hbm4b:s1+s2], $0x80, s13, s2, $0xb8;
	[tilespmem:$0x19D00] =	vst v63  }
0x75: {  	p0 =	por p0, p1  }
.Ltmp4:
0x76: {  	_ = 	snop;
	(pc) =	sbr.rel @p0 .LBB2_7-.Ltmp4, $1  }
0x77: {  	_ =	sdelay $0x3  }
0x78: {  	s2 =	simm.s32 $0x4080;
	p0 =	seq.s32 s25, $0x5  }
0x79: {  	[tilespmem:s14], [sflag:$0x1] =	stream.indirect.gather [hbm4b:s1+s12], $0x80, s2, s12, $0xb8;
	[tilespmem:$0x19D00] =	vst v63  }
0x7a: {  	s2 =	simm.s32 @!p0 $0x20;
	p1 =	slt.u32 @!p0 s25, $0x7  }
0x7b: {  	s13 =	simm.s32 @!p0 $0x40A0;
	s26 =	simm.s32 @!p0 $0x9C80;
	p2 =	por p1, p0  }
0x7c: {  	[tilespmem:s26], [sflag:$0x1] =	stream.indirect.gather @!p0 [hbm4b:s1+s2], $0x80, s13, s2, $0xb8;
	[tilespmem:$0x19D00] =	vst v63  }
0x7d: {  	s2 =	simm.s32 @!p2 $0x20;
	p3 =	seq.s32 @!p2 s25, $0x7  }
0x7e: {  	s13 =	simm.s32 @!p2 $0x40C0;
	s26 =	simm.s32 @!p2 $0xAC80;
	p4 =	por @!p0 p3, p1  }
0x7f: {  	[tilespmem:s26], [sflag:$0x1] =	stream.indirect.gather @!p2 [hbm4b:s1+s2], $0x80, s13, s2, $0xb8;
	[tilespmem:$0x19D00] =	vst v63  }
0x80: {  	p4 =	por p4, p0  }
0x81: {  	s2 =	simm.s32 @!p4 $0x20  }
0x82: {  	s13 =	simm.s32 @!p4 $0x40E0;
	s26 =	simm.s32 @!p4 $0xBC80;
	p5 =	slt.u32 @!p4 s25, $0x9  }
0x83: {  	[tilespmem:s26], [sflag:$0x1] =	stream.indirect.gather @!p4 [hbm4b:s1+s2], $0x80, s13, s2, $0xb8;
	[tilespmem:$0x19D00] =	vst v63  }
0x84: {  	p6 =	por @!p2 p5, p3  }
0x85: {  	p6 =	por @!p0 p6, p1  }
0x86: {  	p6 =	por p6, p0  }
0x87: {  	s2 =	simm.s32 @!p6 $0x20;
	s13 =	simm.s32 @!p6 $0x4100;
	s26 =	simm.s32 @!p6 $0xCC80  }
0x88: {  	[tilespmem:s26], [sflag:$0x1] =	stream.indirect.gather @!p6 [hbm4b:s1+s2], $0x80, s13, s2, $0xb8;
	[tilespmem:$0x19D00] =	vst v63  }
0x89: {  	p6 =	seq.s32 @!p6 s25, $0x9  }
0x8a: {  	p4 =	por @!p4 p6, p5  }
0x8b: {  	p2 =	por @!p2 p4, p3  }
0x8c: {  	p1 =	por @!p0 p2, p1  }
0x8d: {  	p0 =	por p1, p0  }
0x8e: {  	s2 =	simm.s32 @!p0 $0x20;
	s13 =	simm.s32 @!p0 $0x4120;
	s26 =	simm.s32 @!p0 $0xDC80  }
0x8f: {  	[tilespmem:s26], [sflag:$0x1] =	stream.indirect.gather @!p0 [hbm4b:s1+s2], $0x80, s13, s2, $0xb8;
	[tilespmem:$0x19D00] =	vst v63  }
.LBB2_7:
0x90: {  	s0 =	sadd.s32 $0xFFFFFEDF, s0  }
0x91: {  	[tilespmem:s16], [sflag:$0x1] =	stream.indirect.gather [hbm4b:s1+s15], $0x80, s10, s15, $0xb8;
	[tilespmem:$0x19D00] =	vst v63  }
0x92: {  	s2 =	sand.u32 $0x1F, s0  }
0x93: {  	s13 =	sshra.s32 s0, $0x1F;
	p0 =	slt.s32 s0, $0x1;
	p1 =	sne.s32 s2, $0x0  }
0x94: {  	s31 =	sshrl.u32 s13, $0x1B;
	p0 =	por !p0, !p1  }
0x95: {  	s2 =	simm.s32 $0x1;
	s0 =	sadd.s32 s31, s0;
	p0 =	por !p0, !p0  }
0x96: {  	s0 =	sshra.s32 s0, $0x5;
	s2 =	simm.s32 @!p0 $0x0  }
0x97: {  	s0 =	ssub.s32 s0, s2  }
0x98: {  	p0 =	slt.s32 s0, $0x1  }
0x99: {  	s2 =	simm.s32 @!p0 $0x20  }
0x9a: {  	s13 =	simm.s32 @!p0 $0x4140;
	s26 =	simm.s32 @!p0 $0xEC80;
	p1 =	seq.s32 @!p0 s0, $0x1  }
0x9b: {  	[tilespmem:s26], [sflag:$0x2] =	stream.indirect.gather @!p0 [hbm4b:s1+s2], $0x80, s13, s2, $0xb8;
	[tilespmem:$0x19D00] =	vst v63  }
0x9c: {  	p0 =	por p0, p1  }
0x9d: {  	s2 =	simm.s32 @!p0 $0x20  }
0x9e: {  	s13 =	simm.s32 @!p0 $0x4160;
	s26 =	simm.s32 @!p0 $0xFC80;
	p1 =	slt.u32 @!p0 s0, $0x3  }
0x9f: {  	[tilespmem:s26], [sflag:$0x2] =	stream.indirect.gather @!p0 [hbm4b:s1+s2], $0x80, s13, s2, $0xb8;
	[tilespmem:$0x19D00] =	vst v63  }
0xa0: {  	p0 =	por p0, p1  }
0xa1: {  	s2 =	simm.s32 @!p0 $0x20  }
0xa2: {  	s13 =	simm.s32 @!p0 $0x4180;
	s26 =	simm.s32 @!p0 $0x10C80;
	p1 =	seq.s32 @!p0 s0, $0x3  }
0xa3: {  	[tilespmem:s26], [sflag:$0x2] =	stream.indirect.gather @!p0 [hbm4b:s1+s2], $0x80, s13, s2, $0xb8;
	[tilespmem:$0x19D00] =	vst v63  }
0xa4: {  	p0 =	por p0, p1  }
0xa5: {  	s2 =	simm.s32 @!p0 $0x20  }
0xa6: {  	s13 =	simm.s32 @!p0 $0x41A0;
	s26 =	simm.s32 @!p0 $0x11C80;
	p1 =	slt.u32 @!p0 s0, $0x5  }
0xa7: {  	[tilespmem:s26], [sflag:$0x2] =	stream.indirect.gather @!p0 [hbm4b:s1+s2], $0x80, s13, s2, $0xb8;
	[tilespmem:$0x19D00] =	vst v63  }
0xa8: {  	p0 =	por p0, p1  }
.Ltmp5:
0xa9: {  	_ = 	snop;
	(pc) =	sbr.rel @p0 .LBB2_9-.Ltmp5, $1  }
0xaa: {  	_ =	sdelay $0x3  }
0xab: {  	s2 =	simm.s32 $0x41C0;
	p0 =	seq.s32 s0, $0x5  }
0xac: {  	[tilespmem:s18], [sflag:$0x2] =	stream.indirect.gather [hbm4b:s1+s12], $0x80, s2, s12, $0xb8;
	[tilespmem:$0x19D00] =	vst v63  }
0xad: {  	s2 =	simm.s32 @!p0 $0x20;
	p1 =	slt.u32 @!p0 s0, $0x7  }
0xae: {  	s13 =	simm.s32 @!p0 $0x41E0;
	s26 =	simm.s32 @!p0 $0x13C80;
	p2 =	por p1, p0  }
0xaf: {  	[tilespmem:s26], [sflag:$0x2] =	stream.indirect.gather @!p0 [hbm4b:s1+s2], $0x80, s13, s2, $0xb8;
	[tilespmem:$0x19D00] =	vst v63  }
0xb0: {  	s2 =	simm.s32 @!p2 $0x20;
	p3 =	seq.s32 @!p2 s0, $0x7  }
0xb1: {  	s13 =	simm.s32 @!p2 $0x4200;
	s26 =	simm.s32 @!p2 $0x14C80;
	p4 =	por @!p0 p3, p1  }
0xb2: {  	[tilespmem:s26], [sflag:$0x2] =	stream.indirect.gather @!p2 [hbm4b:s1+s2], $0x80, s13, s2, $0xb8;
	[tilespmem:$0x19D00] =	vst v63  }
0xb3: {  	p4 =	por p4, p0  }
0xb4: {  	s2 =	simm.s32 @!p4 $0x20  }
0xb5: {  	s13 =	simm.s32 @!p4 $0x4220;
	s26 =	simm.s32 @!p4 $0x15C80;
	p5 =	slt.u32 @!p4 s0, $0x9  }
0xb6: {  	[tilespmem:s26], [sflag:$0x2] =	stream.indirect.gather @!p4 [hbm4b:s1+s2], $0x80, s13, s2, $0xb8;
	[tilespmem:$0x19D00] =	vst v63  }
0xb7: {  	p6 =	por @!p2 p5, p3  }
0xb8: {  	p6 =	por @!p0 p6, p1  }
0xb9: {  	p6 =	por p6, p0  }
0xba: {  	s2 =	simm.s32 @!p6 $0x20;
	s13 =	simm.s32 @!p6 $0x4240;
	s26 =	simm.s32 @!p6 $0x16C80  }
0xbb: {  	[tilespmem:s26], [sflag:$0x2] =	stream.indirect.gather @!p6 [hbm4b:s1+s2], $0x80, s13, s2, $0xb8;
	[tilespmem:$0x19D00] =	vst v63  }
0xbc: {  	p6 =	seq.s32 @!p6 s0, $0x9  }
0xbd: {  	p4 =	por @!p4 p6, p5  }
0xbe: {  	p2 =	por @!p2 p4, p3  }
0xbf: {  	p1 =	por @!p0 p2, p1  }
0xc0: {  	p0 =	por p1, p0  }
0xc1: {  	s2 =	simm.s32 @!p0 $0x20;
	s13 =	simm.s32 @!p0 $0x4260;
	s26 =	simm.s32 @!p0 $0x17C80  }
0xc2: {  	[tilespmem:s26], [sflag:$0x2] =	stream.indirect.gather @!p0 [hbm4b:s1+s2], $0x80, s13, s2, $0xb8;
	[tilespmem:$0x19D00] =	vst v63  }
.LBB2_9:
0xc3: {  	[tilespmem:s20], [sflag:$0x2] =	stream.indirect.gather [hbm4b:s1+s15], $0x80, s19, s15, $0xb8;
	[tilespmem:$0x19D00] =	vst v63  }
0xc4: {  	s2 =	simm.s32 $0x0  }
0xc5: {  	v18 =	vld [tilespmem:s2+$0x4B20];
	_ =	sdelay $0x4  }
0xc6: {  	(v2sf) =	vpush v18, $0x0;
	_ =	sdelay $0x2  }
0xc7: {  	s26 =	simm.s32 $0x1004  }
0xc8: {  	v17 =	vld [tilespmem:s26+$0xFFFFFFFC]  }
0xc9: {  	v19 =	vld [tilespmem:s26+$0x0];
	_ =	sdelay $0x2  }
0xca: {  	v20 =	vmov s25;
	s25 =	simm.s32 $0x280  }
0xcb: {  	v20 =	vnsel vm0, $0x0, v20;
	[tilespmem:s25+$0x4000] =	vst v17  }
0xcc: {  	s2 =	simm.s32 $0x1;
	v17 =	vsel vm1, s0, v20;
	s0 =	simm.s32 $0x8;
	[tilespmem:s25+$0x4004] =	vst v19  }
.LBB2_10:
0xcd: {  	p0 =	sne.s32 s0, $0x3C;
	v18 =	vld [tilespmem:s2+$0x4B20];
	s26 =	sadd.s32 $0x80, s26  }
0xce: {  	v19 =	vld [tilespmem:s26+$0xFFFFFFFC]  }
0xcf: {  	v20 =	vld [tilespmem:s26+$0x0];
	_ =	sdelay $0x1  }
0xd0: {  	s2 =	spop (v2sf)  }
0xd1: {  	(v2sf) =	vpush v18, $0x0;
	s25 =	sadd.s32 s25, s2  }
0xd2: {  	[tilespmem:s25+$0x4000] =	vst v19  }
0xd3: {  	[tilespmem:s25+$0x4004] =	vst v20;
	_ =	sdelay $0x3  }
.Ltmp6:
0xd4: {  	(pc) =	sbr.rel @p0 .LBB2_10-.Ltmp6, $2  }
0xd5: {  	_ =	sdelay $0x2  }
0xd6: {  	s2 =	sshra.s32 s0, $0x2;
	s0 =	sadd.s32 $0x4, s0  }
0xd7: {  	v18 =	vld [tilespmem:s2+$0x4B20];
	_ =	sdelay $0x4  }
0xd8: {  	(v2sf) =	vpush v18, $0x0;
	_ =	sdelay $0x8  }
0xd9: {  	s0 =	sadd.s32 $0x80, s26  }
0xda: {  	v18 =	vld [tilespmem:s0+$0xFFFFFFFC]  }
0xdb: {  	v19 =	vld [tilespmem:s0+$0x0];
	_ =	sdelay $0x1  }
0xdc: {  	s29 =	spop (v2sf)  }
0xdd: {  	s0 =	sadd.s32 s25, s29  }
0xde: {  	[tilespmem:s0+$0x4000] =	vst v18;
	s30 =	spop (v2sf)  }
0xdf: {  	[tilespmem:s0+$0x4004] =	vst v19;
	s25 =	sadd.s32 s0, s30  }
0xe0: {  	[tilespmem:s25+$0x4000] =	vst v5  }
0xe1: {  	s31 =	simm.s32 $0x0;
	[tilespmem:s25+$0x4010] =	vst v6  }
0xe2: {  	v18 =	vld [tilespmem:s31+$0x4B30];
	_ =	sdelay $0x4  }
0xe3: {  	(v2sf) =	vpush v18, $0x0;
	_ =	sdelay $0x2  }
0xe4: {  	s0 =	simm.s32 $0x1804  }
0xe5: {  	v19 =	vld [tilespmem:s0+$0xFFFFFFFC]  }
0xe6: {  	v20 =	vld [tilespmem:s0+$0x0];
	_ =	sdelay $0x2  }
0xe7: {  	s26 =	simm.s32 $0x3C0  }
0xe8: {  	[tilespmem:s26+$0x4000] =	vst v19  }
0xe9: {  	s28 =	simm.s32 $0x1;
	s2 =	simm.s32 $0x8;
	[tilespmem:s26+$0x4004] =	vst v20  }
.LBB2_12:
0xea: {  	p0 =	sne.s32 s2, $0x3C;
	v18 =	vld [tilespmem:s28+$0x4B30];
	s0 =	sadd.s32 $0x80, s0  }
0xeb: {  	v19 =	vld [tilespmem:s0+$0xFFFFFFFC]  }
0xec: {  	v20 =	vld [tilespmem:s0+$0x0];
	_ =	sdelay $0x1  }
0xed: {  	s13 =	spop (v2sf)  }
0xee: {  	(v2sf) =	vpush v18, $0x0;
	s26 =	sadd.s32 s26, s13  }
0xef: {  	[tilespmem:s26+$0x4000] =	vst v19  }
0xf0: {  	[tilespmem:s26+$0x4004] =	vst v20;
	_ =	sdelay $0x3  }
.Ltmp7:
0xf1: {  	(pc) =	sbr.rel @p0 .LBB2_12-.Ltmp7, $2  }
0xf2: {  	_ =	sdelay $0x2  }
0xf3: {  	s28 =	sshra.s32 s2, $0x2;
	s2 =	sadd.s32 $0x4, s2  }
0xf4: {  	v18 =	vld [tilespmem:s28+$0x4B30];
	_ =	sdelay $0x4  }
0xf5: {  	(v2sf) =	vpush v18, $0x0;
	_ =	sdelay $0x8  }
0xf6: {  	s0 =	sadd.s32 $0x80, s0  }
0xf7: {  	v18 =	vld [tilespmem:s0+$0xFFFFFFFC]  }
0xf8: {  	v19 =	vld [tilespmem:s0+$0x0];
	_ =	sdelay $0x1  }
0xf9: {  	s30 =	spop (v2sf)  }
0xfa: {  	s0 =	sadd.s32 s26, s30  }
0xfb: {  	[tilespmem:s0+$0x4000] =	vst v18;
	s2 =	spop (v2sf)  }
0xfc: {  	[tilespmem:s0+$0x4004] =	vst v19;
	s26 =	sadd.s32 s0, s2  }
0xfd: {  	[tilespmem:s26+$0x4000] =	vst v7  }
0xfe: {  	s31 =	simm.s32 $0x0;
	[tilespmem:s26+$0x4010] =	vst v8  }
0xff: {  	v18 =	vld [tilespmem:s31+$0x4B40];
	_ =	sdelay $0x4  }
0x100: {  	(v2sf) =	vpush v18, $0x0;
	_ =	sdelay $0x2  }
0x101: {  	s0 =	simm.s32 $0x2004  }
0x102: {  	v19 =	vld [tilespmem:s0+$0xFFFFFFFC]  }
0x103: {  	v20 =	vld [tilespmem:s0+$0x0];
	_ =	sdelay $0x2  }
0x104: {  	s28 =	simm.s32 $0x500  }
0x105: {  	[tilespmem:s28+$0x4000] =	vst v19  }
0x106: {  	s29 =	simm.s32 $0x1;
	s2 =	simm.s32 $0x8;
	[tilespmem:s28+$0x4004] =	vst v20  }
.LBB2_14:
0x107: {  	p0 =	sne.s32 s2, $0x3C;
	v18 =	vld [tilespmem:s29+$0x4B40];
	s0 =	sadd.s32 $0x80, s0  }
0x108: {  	v19 =	vld [tilespmem:s0+$0xFFFFFFFC]  }
0x109: {  	v20 =	vld [tilespmem:s0+$0x0];
	_ =	sdelay $0x1  }
0x10a: {  	s13 =	spop (v2sf)  }
0x10b: {  	(v2sf) =	vpush v18, $0x0;
	s28 =	sadd.s32 s28, s13  }
0x10c: {  	[tilespmem:s28+$0x4000] =	vst v19  }
0x10d: {  	[tilespmem:s28+$0x4004] =	vst v20;
	_ =	sdelay $0x3  }
.Ltmp8:
0x10e: {  	(pc) =	sbr.rel @p0 .LBB2_14-.Ltmp8, $2  }
0x10f: {  	_ =	sdelay $0x2  }
0x110: {  	s29 =	sshra.s32 s2, $0x2;
	s2 =	sadd.s32 $0x4, s2  }
0x111: {  	v18 =	vld [tilespmem:s29+$0x4B40];
	_ =	sdelay $0x4  }
0x112: {  	(v2sf) =	vpush v18, $0x0;
	_ =	sdelay $0x8  }
0x113: {  	s0 =	sadd.s32 $0x80, s0  }
0x114: {  	v18 =	vld [tilespmem:s0+$0xFFFFFFFC]  }
0x115: {  	v19 =	vld [tilespmem:s0+$0x0];
	_ =	sdelay $0x1  }
0x116: {  	s17 =	spop (v2sf)  }
0x117: {  	s0 =	sadd.s32 s28, s17  }
0x118: {  	[tilespmem:s0+$0x4000] =	vst v18;
	s2 =	spop (v2sf)  }
0x119: {  	[tilespmem:s0+$0x4004] =	vst v19;
	s28 =	sadd.s32 s0, s2  }
0x11a: {  	[tilespmem:s28+$0x4000] =	vst v9  }
0x11b: {  	s31 =	simm.s32 $0x0;
	[tilespmem:s28+$0x4010] =	vst v10  }
0x11c: {  	v18 =	vld [tilespmem:s31+$0x4B50];
	_ =	sdelay $0x4  }
0x11d: {  	(v2sf) =	vpush v18, $0x0;
	_ =	sdelay $0x2  }
0x11e: {  	s0 =	simm.s32 $0x2804  }
0x11f: {  	v19 =	vld [tilespmem:s0+$0xFFFFFFFC]  }
0x120: {  	v20 =	vld [tilespmem:s0+$0x0];
	_ =	sdelay $0x2  }
0x121: {  	s29 =	simm.s32 $0x640  }
0x122: {  	[tilespmem:s29+$0x4000] =	vst v19  }
0x123: {  	s30 =	simm.s32 $0x1;
	s2 =	simm.s32 $0x8;
	[tilespmem:s29+$0x4004] =	vst v20  }
.LBB2_16:
0x124: {  	p0 =	sne.s32 s2, $0x3C;
	v18 =	vld [tilespmem:s30+$0x4B50];
	s0 =	sadd.s32 $0x80, s0  }
0x125: {  	v19 =	vld [tilespmem:s0+$0xFFFFFFFC]  }
0x126: {  	v20 =	vld [tilespmem:s0+$0x0];
	_ =	sdelay $0x1  }
0x127: {  	s13 =	spop (v2sf)  }
0x128: {  	(v2sf) =	vpush v18, $0x0;
	s29 =	sadd.s32 s29, s13  }
0x129: {  	[tilespmem:s29+$0x4000] =	vst v19  }
0x12a: {  	[tilespmem:s29+$0x4004] =	vst v20;
	_ =	sdelay $0x3  }
.Ltmp9:
0x12b: {  	(pc) =	sbr.rel @p0 .LBB2_16-.Ltmp9, $2  }
0x12c: {  	_ =	sdelay $0x2  }
0x12d: {  	s30 =	sshra.s32 s2, $0x2;
	s2 =	sadd.s32 $0x4, s2  }
0x12e: {  	v18 =	vld [tilespmem:s30+$0x4B50];
	_ =	sdelay $0x4  }
0x12f: {  	(v2sf) =	vpush v18, $0x0;
	_ =	sdelay $0x8  }
0x130: {  	s0 =	sadd.s32 $0x80, s0  }
0x131: {  	v18 =	vld [tilespmem:s0+$0xFFFFFFFC]  }
0x132: {  	v19 =	vld [tilespmem:s0+$0x0];
	_ =	sdelay $0x1  }
0x133: {  	s13 =	spop (v2sf)  }
0x134: {  	s0 =	sadd.s32 s29, s13  }
0x135: {  	[tilespmem:s0+$0x4000] =	vst v18;
	s2 =	spop (v2sf)  }
0x136: {  	[tilespmem:s0+$0x4004] =	vst v19;
	s29 =	sadd.s32 s0, s2  }
0x137: {  	[tilespmem:s29+$0x4000] =	vst v11  }
0x138: {  	s17 =	simm.s32 $0x0;
	[tilespmem:s29+$0x4010] =	vst v12  }
0x139: {  	v18 =	vld [tilespmem:s17+$0x4B60];
	_ =	sdelay $0x4  }
0x13a: {  	(v2sf) =	vpush v18, $0x0;
	_ =	sdelay $0x2  }
0x13b: {  	s0 =	simm.s32 $0x3004  }
0x13c: {  	v19 =	vld [tilespmem:s0+$0xFFFFFFFC]  }
0x13d: {  	v20 =	vld [tilespmem:s0+$0x0];
	_ =	sdelay $0x2  }
0x13e: {  	s30 =	simm.s32 $0x780  }
0x13f: {  	[tilespmem:s30+$0x4000] =	vst v19  }
0x140: {  	s31 =	simm.s32 $0x1;
	s2 =	simm.s32 $0x8;
	[tilespmem:s30+$0x4004] =	vst v20  }
.LBB2_18:
0x141: {  	p0 =	sne.s32 s2, $0x3C;
	v18 =	vld [tilespmem:s31+$0x4B60];
	s0 =	sadd.s32 $0x80, s0  }
0x142: {  	v19 =	vld [tilespmem:s0+$0xFFFFFFFC]  }
0x143: {  	v20 =	vld [tilespmem:s0+$0x0];
	_ =	sdelay $0x1  }
0x144: {  	s13 =	spop (v2sf)  }
0x145: {  	(v2sf) =	vpush v18, $0x0;
	s30 =	sadd.s32 s30, s13  }
0x146: {  	[tilespmem:s30+$0x4000] =	vst v19  }
0x147: {  	[tilespmem:s30+$0x4004] =	vst v20;
	_ =	sdelay $0x3  }
.Ltmp10:
0x148: {  	(pc) =	sbr.rel @p0 .LBB2_18-.Ltmp10, $2  }
0x149: {  	_ =	sdelay $0x2  }
0x14a: {  	s31 =	sshra.s32 s2, $0x2;
	s2 =	sadd.s32 $0x4, s2  }
0x14b: {  	v18 =	vld [tilespmem:s31+$0x4B60];
	_ =	sdelay $0x4  }
0x14c: {  	(v2sf) =	vpush v18, $0x0;
	_ =	sdelay $0x8  }
0x14d: {  	s0 =	sadd.s32 $0x80, s0  }
0x14e: {  	v18 =	vld [tilespmem:s0+$0xFFFFFFFC]  }
0x14f: {  	v19 =	vld [tilespmem:s0+$0x0];
	_ =	sdelay $0x1  }
0x150: {  	s13 =	spop (v2sf)  }
0x151: {  	s0 =	sadd.s32 s30, s13  }
0x152: {  	[tilespmem:s0+$0x4000] =	vst v18;
	s2 =	spop (v2sf)  }
0x153: {  	[tilespmem:s0+$0x4004] =	vst v19;
	s30 =	sadd.s32 s0, s2  }
0x154: {  	[tilespmem:s30+$0x4000] =	vst v13  }
0x155: {  	s17 =	simm.s32 $0x0;
	[tilespmem:s30+$0x4010] =	vst v14  }
0x156: {  	v18 =	vld [tilespmem:s17+$0x4B70];
	_ =	sdelay $0x4  }
0x157: {  	(v2sf) =	vpush v18, $0x0;
	_ =	sdelay $0x2  }
0x158: {  	s0 =	simm.s32 $0x3804  }
0x159: {  	v19 =	vld [tilespmem:s0+$0xFFFFFFFC]  }
0x15a: {  	v20 =	vld [tilespmem:s0+$0x0];
	_ =	sdelay $0x2  }
0x15b: {  	s31 =	simm.s32 $0x8C0  }
0x15c: {  	[tilespmem:s31+$0x4000] =	vst v19  }
0x15d: {  	s13 =	simm.s32 $0x1;
	s2 =	simm.s32 $0x8;
	[tilespmem:s31+$0x4004] =	vst v20  }
.LBB2_20:
0x15e: {  	p0 =	sne.s32 s2, $0x3C;
	v18 =	vld [tilespmem:s13+$0x4B70];
	s0 =	sadd.s32 $0x80, s0  }
0x15f: {  	v19 =	vld [tilespmem:s0+$0xFFFFFFFC]  }
0x160: {  	v20 =	vld [tilespmem:s0+$0x0];
	_ =	sdelay $0x1  }
0x161: {  	s13 =	spop (v2sf)  }
0x162: {  	(v2sf) =	vpush v18, $0x0;
	s31 =	sadd.s32 s31, s13  }
0x163: {  	[tilespmem:s31+$0x4000] =	vst v19  }
0x164: {  	[tilespmem:s31+$0x4004] =	vst v20;
	_ =	sdelay $0x3  }
.Ltmp11:
0x165: {  	(pc) =	sbr.rel @p0 .LBB2_20-.Ltmp11, $2  }
0x166: {  	_ =	sdelay $0x2  }
0x167: {  	s13 =	sshra.s32 s2, $0x2;
	s2 =	sadd.s32 $0x4, s2  }
0x168: {  	v18 =	vld [tilespmem:s13+$0x4B70];
	_ =	sdelay $0x4  }
0x169: {  	(v2sf) =	vpush v18, $0x0;
	_ =	sdelay $0x9  }
0x16a: {  	s2 =	spop (v2sf)  }
0x16b: {  	s31 =	sadd.s32 s31, s2;
	s2 =	sadd.s32 $0xFFFFFD9F, s25  }
0x16c: {  	s25 =	sshra.s32 s2, $0x1F;
	s17 =	sand.u32 $0x1F, s2  }
0x16d: {  	p0 =	slt.s32 s2, $0x1;
	s9 =	sshrl.u32 s25, $0x1B;
	p1 =	sne.s32 s17, $0x0  }
0x16e: {  	s2 =	sadd.s32 s9, s2;
	p0 =	por !p0, !p1;
	s9 =	simm.s32 $0x1  }
0x16f: {  	p0 =	por !p0, !p0;
	s2 =	sshra.s32 s2, $0x5;
	s13 =	spop (v2sf)  }
0x170: {  	s9 =	simm.s32 @!p0 $0x0;
	s25 =	sadd.s32 s31, s13;
	s13 =	sadd.s32 $0xFFFFFC5F, s26  }
0x171: {  	s0 =	sadd.s32 $0x80, s0;
	s2 =	ssub.s32 s2, s9;
	s26 =	sshra.s32 s13, $0x1F  }
0x172: {  	p3 =	slt.s32 s13, $0x1;
	s17 =	sshrl.u32 s26, $0x1B;
	s26 =	sand.u32 $0x1F, s13  }
0x173: {  	s9 =	sadd.s32 s17, s13;
	p4 =	sne.s32 s26, $0x0;
	s13 =	sadd.s32 $0xFFFFFB1F, s28  }
0x174: {  	s17 =	simm.s32 $0x1;
	s9 =	sshra.s32 s9, $0x5;
	p0 =	por !p3, !p4  }
0x175: {  	s28 =	sshra.s32 s13, $0x1F;
	p5 =	slt.s32 s13, $0x1;
	p0 =	por !p0, !p0  }
0x176: {  	s26 =	sshrl.u32 s28, $0x1B;
	s28 =	sand.u32 $0x1F, s13;
	s17 =	simm.s32 @!p0 $0x0  }
0x177: {  	s26 =	sadd.s32 s26, s13;
	p6 =	sne.s32 s28, $0x0;
	s9 =	ssub.s32 s9, s17  }
0x178: {  	vm2 =	veq.s32 v0, $0x2;
	s13 =	sshra.s32 s26, $0x5;
	p0 =	por !p5, !p6;
	s26 =	sadd.s32 $0xFFFFF9DF, s29  }
0x179: {  	v17 =	vsel vm2, s2, v17;
	vm2 =	veq.s32 v0, $0x3;
	s17 =	simm.s32 $0x1;
	p0 =	por !p0, !p0;
	s28 =	sshra.s32 s26, $0x1F  }
0x17a: {  	s29 =	sand.u32 $0x1F, s26;
	p1 =	slt.s32 s26, $0x1;
	v17 =	vsel vm2, s9, v17;
	s9 =	simm.s32 $0x1  }
0x17b: {  	s17 =	simm.s32 @!p0 $0x0;
	s28 =	sshrl.u32 s28, $0x1B;
	p2 =	sne.s32 s29, $0x0  }
0x17c: {  	s13 =	ssub.s32 s13, s17;
	s29 =	sadd.s32 s28, s26;
	p0 =	por !p1, !p2  }
0x17d: {  	s26 =	simm.s32 $0x1;
	s28 =	sadd.s32 $0xFFFFF89F, s30;
	p0 =	por !p0, !p0  }
0x17e: {  	s17 =	sshra.s32 s29, $0x5;
	s29 =	sand.u32 $0x1F, s28;
	s30 =	sshra.s32 s28, $0x1F  }
0x17f: {  	p3 =	slt.s32 s28, $0x1;
	s26 =	simm.s32 @!p0 $0x0;
	p4 =	sne.s32 s29, $0x0  }
0x180: {  	v18 =	vld [tilespmem:s0+$0xFFFFFFFC];
	s29 =	simm.s32 $0x1;
	s17 =	ssub.s32 s17, s26;
	p0 =	por !p3, !p4  }
0x181: {  	v19 =	vld [tilespmem:s0+$0x0];
	s26 =	sshrl.u32 s30, $0x1B;
	s30 =	sadd.s32 $0xFFFFF75F, s25;
	p0 =	por !p0, !p0  }
0x182: {  	s0 =	sadd.s32 s26, s28;
	s28 =	sand.u32 $0x1F, s30;
	p6 =	slt.s32 s30, $0x1  }
0x183: {  	s29 =	simm.s32 @!p0 $0x0;
	p5 =	sne.s32 s28, $0x0;
	s28 =	sshra.s32 s30, $0x1F  }
0x184: {  	vm2 =	veq.s32 v0, $0x4;
	s0 =	sshra.s32 s0, $0x5;
	s2 =	sshrl.u32 s28, $0x1B;
	p0 =	por !p6, !p5  }
.Ltmp12:
0x185: {  	v20 =	vimm.f32 $0.0e+00;
	[tilespmem:s31+$0x4000] =	vst v18;
	v17 =	vsel vm2, s13, v17;
	vm2 =	veq.s32 v0, $0x5;
	s2 =	sadd.s32 s2, s30;
	p0 =	por !p0, !p0;
	(pc) =	sbr.rel .LBB2_22-.Ltmp12, $4  }
0x186: {  	v21 =	vimm.f32 $0.0e+00;
	[tilespmem:s31+$0x4004] =	vst v19;
	v17 =	vsel vm2, s17, v17;
	vm2 =	veq.s32 v0, $0x6;
	s0 =	ssub.s32 s0, s29;
	s2 =	sshra.s32 s2, $0x5;
	s9 =	simm.s32 @!p0 $0x0  }
0x187: {  	v23 =	vimm.f32 $0.0e+00;
	[tilespmem:s25+$0x4000] =	vst v15;
	v17 =	vsel vm2, s0, v17;
	vm2 =	veq.s32 v0, $0x7;
	s31 =	ssub.s32 s2, s9  }
0x188: {  	v24 =	vimm.f32 $0.0e+00;
	v18 =	vimm.f32 $0.0e+00;
	[tilespmem:s25+$0x4010] =	vst v16;
	v22 =	vsel vm2, s31, v17  }
0x189: {  	v19 =	vimm.f32 $0.0e+00;
	s25 =	simm.s32 $0x0;
	v17 =	vimm.f32 $0.0e+00;
	[tilespmem:$0x4A80] =	vst v22;
	v22 =	vimm.f32 $0.0e+00  }
.LBB2_53:
0x18a: {  	s0 =	sshll.u32 s0, $0x4  }
0x18b: {  	s0 =	sand.u32 $0x3FFFFFF0, s0  }
0x18c: {  	s25 =	sadd.s32 $0x1, s25;
	s0 =	sadd.s32 $0x4C00, s0  }
0x18d: {  	[tilespmem:s20], [sflag:$0x2] =	stream.indirect.gather [hbm4b:s1+s15], $0x80, s0, s15, $0xb8;
	[tilespmem:$0x19D00] =	vst v63  }
.LBB2_22:
0x18e: {  	s26 =	sshll.u32 s25, $0x1  }
0x18f: {  	v25 =	vld [tilespmem:s26+$0x4A80];
	_ =	sdelay $0x4  }
0x190: {  	(v2sf) =	vpush v25, $0x0;
	_ =	sdelay $0xe  }
0x191: {  	s0 =	spop (v2sf)  }
0x192: {  	p0 =	slt.s32 s0, $0x1  }
0x193: {  	s2 =	simm.s32 @!p0 $0x1  }
0x194: {  	p1 =	seq.s32 @!p0 s0, $0x1;
	_ =	swait.ge @!p0 [sflag:s2], $0x1000  }
0x195: {  	p1 =	por p0, p1;
	[sflag:s2] =	ssyncset.done @!p0 $0x0  }
0x196: {  	[sflag:s2] =	ssyncadd.s32 @!p0 $0xFFFFF000;
	s2 =	simm.s32 @!p1 $0x1  }
0x197: {  	p0 =	slt.u32 @!p1 s0, $0x3;
	_ =	swait.ge @!p1 [sflag:s2], $0x1000  }
0x198: {  	p0 =	por p1, p0;
	[sflag:s2] =	ssyncset.done @!p1 $0x0  }
0x199: {  	[sflag:s2] =	ssyncadd.s32 @!p1 $0xFFFFF000;
	s2 =	simm.s32 @!p0 $0x1  }
0x19a: {  	p1 =	seq.s32 @!p0 s0, $0x3;
	_ =	swait.ge @!p0 [sflag:s2], $0x1000  }
0x19b: {  	p1 =	por p0, p1;
	[sflag:s2] =	ssyncset.done @!p0 $0x0  }
0x19c: {  	[sflag:s2] =	ssyncadd.s32 @!p0 $0xFFFFF000;
	p0 =	slt.u32 @!p1 s0, $0x5  }
0x19d: {  	p0 =	por p1, p0  }
.Ltmp13:
0x19e: {  	_ = 	snop;
	(pc) =	sbr.rel @p0 .LBB2_24-.Ltmp13, $4  }
0x19f: {  	s2 =	simm.s32 @!p1 $0x1  }
0x1a0: {  	_ =	swait.ge @!p1 [sflag:s2], $0x1000  }
0x1a1: {  	[sflag:s2] =	ssyncset.done @!p1 $0x0  }
0x1a2: {  	[sflag:s2] =	ssyncadd.s32 @!p1 $0xFFFFF000  }
0x1a3: {  	p0 =	seq.s32 s0, $0x5  }
0x1a4: {  	p1 =	slt.u32 @!p0 s0, $0x7  }
0x1a5: {  	p2 =	por p1, p0  }
0x1a6: {  	_ =	swait.ge [sflag:s11], $0x1000;
	p3 =	seq.s32 @!p2 s0, $0x7  }
0x1a7: {  	[sflag:s11] =	ssyncset.done $0x0;
	s9 =	simm.s32 @!p3 $0x0;
	p4 =	por @!p0 p3, p1  }
0x1a8: {  	s2 =	simm.s32 @!p0 $0x1;
	s9 =	simm.s32 @p3 $0x1;
	p4 =	por p4, p0  }
0x1a9: {  	[sflag:s11] =	ssyncadd.s32 $0xFFFFF000;
	[smem:$0x7FD] =	sst s9;
	p5 =	slt.u32 @!p4 s0, $0x9  }
0x1aa: {  	_ =	swait.ge @!p0 [sflag:s2], $0x1000;
	s9 =	simm.s32 @!p5 $0x0  }
0x1ab: {  	[sflag:s2] =	ssyncset.done @!p0 $0x0;
	s9 =	simm.s32 @p5 $0x1  }
0x1ac: {  	[sflag:s2] =	ssyncadd.s32 @!p0 $0xFFFFF000;
	s2 =	simm.s32 @!p2 $0x1;
	[smem:$0x7FC] =	sst s9  }
0x1ad: {  	_ =	swait.ge @!p2 [sflag:s2], $0x1000  }
0x1ae: {  	[sflag:s2] =	ssyncset.done @!p2 $0x0  }
0x1af: {  	[sflag:s2] =	ssyncadd.s32 @!p2 $0xFFFFF000;
	s2 =	simm.s32 @!p4 $0x1  }
0x1b0: {  	_ =	swait.ge @!p4 [sflag:s2], $0x1000  }
0x1b1: {  	p6 =	por @!p2 p5, p3;
	s30 =	sld [smem:$0x7FC]  }
0x1b2: {  	p6 =	por @!p0 p6, p1;
	s31 =	sld [smem:$0x7FD]  }
0x1b3: {  	p6 =	por p6, p0  }
0x1b4: {  	p5 =	seq.s32 @!p6 s0, $0x9;
	p3 =	seq.s32 s30, $0x1  }
0x1b5: {  	[sflag:s2] =	ssyncset.done @!p4 $0x0;
	p5 =	por @!p4 p5, p3;
	p3 =	seq.s32 s31, $0x1  }
0x1b6: {  	s0 =	simm.s32 @!p6 $0x1;
	[sflag:s2] =	ssyncadd.s32 @!p4 $0xFFFFF000;
	p2 =	por @!p2 p5, p3  }
0x1b7: {  	_ =	swait.ge @!p6 [sflag:s0], $0x1000;
	p1 =	por @!p0 p2, p1  }
0x1b8: {  	[sflag:s0] =	ssyncset.done @!p6 $0x0;
	p0 =	por p1, p0  }
0x1b9: {  	[sflag:s0] =	ssyncadd.s32 @!p6 $0xFFFFF000;
	s0 =	simm.s32 @!p0 $0x1  }
0x1ba: {  	_ =	swait.ge @!p0 [sflag:s0], $0x1000  }
0x1bb: {  	[sflag:s0] =	ssyncset.done @!p0 $0x0  }
0x1bc: {  	[sflag:s0] =	ssyncadd.s32 @!p0 $0xFFFFF000  }
.LBB2_24:
.Ltmp14:
0x1bd: {  	(pc) =	sbr.rel .LBB2_25-.Ltmp14, $4  }
0x1be: {  	s0 =	sshll.u32 s25, $0x5  }
0x1bf: {  	_ =	swait.ge [sflag:s11], $0x800;
	s28 =	sand.u32 $0x3FFFFFE0, s0  }
0x1c0: {  	[sflag:s11] =	ssyncset.done $0x0;
	s0 =	sadd.s32 $0x4B00, s28  }
0x1c1: {  	s29 =	simm.s32 $0x0;
	s30 =	simm.s32 $0x0;
	[sflag:s11] =	ssyncadd.s32 $0xFFFFF800;
	v25 =	vmov s0  }
.LBB2_26:
0x1c2: {  	v34 =	vimm.f32 $0.0e+00;
	v33 =	vimm.f32 $0.0e+00  }
0x1c3: {  	v30 =	vimm.f32 $0.0e+00;
	v29 =	vimm.f32 $0.0e+00;
	v27 =	vimm.f32 $0.0e+00  }
0x1c4: {  	v31 =	vimm.f32 $0.0e+00;
	v32 =	vimm.f32 $0.0e+00;
	v28 =	vimm.f32 $0.0e+00  }
.LBB2_33:
0x1c5: {  	s0 =	sshll.u32 s30, $0x7  }
0x1c6: {  	s0 =	sand.u32 $0x3FFFFF80, s0  }
0x1c7: {  	v35 =	vld [tilespmem:s0+$0x18C80]  }
0x1c8: {  	v36 =	vld [tilespmem:s0+$0x18C90]  }
0x1c9: {  	v37 =	vld [tilespmem:s0+$0x18CA0]  }
0x1ca: {  	v38 =	vld [tilespmem:s0+$0x18CB0]  }
0x1cb: {  	v57 =	vld [tilespmem:s0+$0x18CC0]  }
0x1cc: {  	v34 =	vmul.f32 v34, v26;
	v33 =	vmul.f32 v33, v26;
	v58 =	vld [tilespmem:s0+$0x18CD0]  }
0x1cd: {  	v30 =	vmul.f32 v30, v26;
	v29 =	vmul.f32 v29, v26;
	v39 =	vld [tilespmem:s0+$0x18CE0]  }
0x1ce: {  	v27 =	vmul.f32 v27, v26;
	v31 =	vmul.f32 v31, v26;
	v40 =	vld [tilespmem:s0+$0x18CF0];
	v34 =	vsub.f32 v34, v35  }
0x1cf: {  	v32 =	vmul.f32 v32, v26;
	v33 =	vsub.f32 v33, v36;
	v30 =	vsub.f32 v30, v37  }
0x1d0: {  	v26 =	vmul.f32 v28, v26;
	v29 =	vsub.f32 v29, v38;
	v27 =	vsub.f32 v27, v57  }
0x1d1: {  	s30 =	sadd.s32 $0x1, s30;
	v60 =	vsub.f32 v31, v58;
	v34 =	vmul.f32 v34, v34;
	v33 =	vmul.f32 v33, v33  }
0x1d2: {  	p0 =	sne.s32 s30, $0x10;
	v61 =	vsub.f32 v32, v39;
	v59 =	vmul.f32 v30, v30;
	v29 =	vmul.f32 v29, v29  }
.Ltmp15:
0x1d3: {  	v26 =	vsub.f32 v26, v40;
	v27 =	vmul.f32 v27, v27;
	v62 =	vmul.f32 v60, v60;
	(pc) =	sbr.rel @!p0 .LBB2_34-.Ltmp15, $4  }
0x1d4: {  	v63 =	vmul.f32 v61, v61;
	v24 =	vadd.f32 v34, v24;
	v23 =	vadd.f32 v33, v23  }
0x1d5: {  	v26 =	vmul.f32 v26, v26;
	v22 =	vadd.f32 v59, v22;
	v21 =	vadd.f32 v29, v21  }
0x1d6: {  	v20 =	vadd.f32 v27, v20;
	v19 =	vadd.f32 v62, v19  }
0x1d7: {  	s29 =	sadd.s32 s29, s31;
	v18 =	vadd.f32 v63, v18;
	v17 =	vadd.f32 v26, v17  }
.LBB2_25:
0x1d8: {  	_ =	sdelay $0x3  }
0x1d9: {  	v26 =	vld.idx.msk [tilespmem:v25+s30+$0x0 ss:$0x1], $0xffff;
	_ =	sdelay $0x4  }
0x1da: {  	(v2sf) =	vpush v26, $0x0;
	_ =	sdelay $0x7  }
0x1db: {  	v26 =	vcvt.s32.f32 v26;
	_ =	sdelay $0x1  }
0x1dc: {  	v26 =	vbroadcast v26, $0x0;
	_ =	sdelay $0x1  }
0x1dd: {  	(erf) = vrcp.f32 v26;
	_ =	sdelay $0x2  }
0x1de: {  	s31 =	spop (v2sf)  }
0x1df: {  	p0 =	slt.s32 s31, $0x1  }
.Ltmp16:
0x1e0: {  	_ = 	snop;
	(pc) =	sbr.rel @p0 .LBB2_26-.Ltmp16, $2  }
0x1e1: {  	_ =	sdelay $0x2  }
0x1e2: {  	v26 =	vpop (erf)  }
0x1e3: {  	p1 =	sne.s32 s31, $0x1  }
.Ltmp17:
0x1e4: {  	_ = 	snop;
	(pc) =	sbr.rel @!p1 .LBB2_28-.Ltmp17, $4  }
0x1e5: {  	s0 =	sshll.u32 s29, $0x9  }
0x1e6: {  	s0 =	sshra.s32 s0, $0x2  }
0x1e7: {  	s0 =	sadd.s32 $0x4CC0, s0  }
0x1e8: {  	v27 =	vimm.f32 $0.0e+00;
	s2 =	sadd.s32 $0xFFFFFFFF, s31;
	p0 =	por $0x0, $0x0;
	v29 =	vld [tilespmem:s0+$0x30]  }
0x1e9: {  	v30 =	vld [tilespmem:s0+$0xFFFFFFD0]  }
0x1ea: {  	v31 =	vld [tilespmem:s0+$0xFFFFFFE0]  }
0x1eb: {  	v32 =	vld [tilespmem:s0+$0xFFFFFFF0];
	p1 =	sne.s32 s2, $0x1  }
.Ltmp18:
0x1ec: {  	v34 =	vld [tilespmem:s0+$0x0];
	(pc) =	sbr.rel @!p1 .LBB2_30-.Ltmp18, $4  }
0x1ed: {  	v35 =	vld [tilespmem:s0+$0x10]  }
0x1ee: {  	v36 =	vld [tilespmem:s0+$0x20];
	v33 =	vimm.f32 $0.0e+00;
	v37 =	vimm.f32 $0.0e+00  }
0x1ef: {  	v38 =	vld [tilespmem:s0+$0xFFFFFFC0];
	s0 =	sadd.s32 $0x80, s0;
	v39 =	vimm.f32 $0.0e+00;
	v28 =	vadd.f32 v29, v27;
	v30 =	vadd.f32 v30, v27  }
0x1f0: {  	s2 =	sadd.s32 $0xFFFFFFFF, s2;
	p0 =	por $0x1, $0x1;
	v40 =	vimm.f32 $0.0e+00;
	v29 =	vld [tilespmem:s0+$0x30];
	v31 =	vadd.f32 v31, v27;
	v32 =	vadd.f32 v32, v27  }
.LBB2_31:
0x1f1: {  	p1 =	sne.s32 s2, $0x1;
	v41 =	vld [tilespmem:s0+$0xFFFFFFD0];
	v33 =	vadd.f32 v34, v33  }
0x1f2: {  	v42 =	vld [tilespmem:s0+$0xFFFFFFE0];
	v37 =	vadd.f32 v35, v37  }
0x1f3: {  	v43 =	vld [tilespmem:s0+$0xFFFFFFF0];
	v39 =	vadd.f32 v36, v39  }
.Ltmp19:
0x1f4: {  	v34 =	vld [tilespmem:s0+$0x0];
	v40 =	vadd.f32 v38, v40;
	(pc) =	sbr.rel @p1 .LBB2_31-.Ltmp19, $4  }
0x1f5: {  	v35 =	vld [tilespmem:s0+$0x10];
	v28 =	vadd.f32 v29, v28  }
0x1f6: {  	v30 =	vadd.f32 v41, v30;
	v36 =	vld [tilespmem:s0+$0x20]  }
0x1f7: {  	v38 =	vld [tilespmem:s0+$0xFFFFFFC0];
	v31 =	vadd.f32 v42, v31;
	s0 =	sadd.s32 $0x80, s0  }
0x1f8: {  	s2 =	sadd.s32 $0xFFFFFFFF, s2;
	v29 =	vld [tilespmem:s0+$0x30];
	v32 =	vadd.f32 v43, v32  }
.LBB2_32:
0x1f9: {  	v41 =	vld [tilespmem:s0+$0xFFFFFFD0]  }
0x1fa: {  	v42 =	vld [tilespmem:s0+$0xFFFFFFE0]  }
0x1fb: {  	v43 =	vld [tilespmem:s0+$0xFFFFFFF0]  }
0x1fc: {  	v44 =	vld [tilespmem:s0+$0x0]  }
0x1fd: {  	v45 =	vld [tilespmem:s0+$0x10]  }
0x1fe: {  	v59 =	vld [tilespmem:s0+$0x20];
	v35 =	vadd.f32 @p0 v35, v37  }
0x1ff: {  	v60 =	vld [tilespmem:s0+$0xFFFFFFC0];
	v36 =	vadd.f32 @p0 v36, v39  }
.Ltmp20:
0x200: {  	v34 =	vadd.f32 @p0 v34, v33;
	v38 =	vadd.f32 @p0 v38, v40;
	v61 =	vpsel p0, v35, v27;
	(pc) =	sbr.rel .LBB2_33-.Ltmp20, $4  }
0x201: {  	v28 =	vadd.f32 v29, v28;
	v62 =	vpsel p0, v36, v27;
	v33 =	vadd.f32 v41, v30  }
0x202: {  	v30 =	vadd.f32 v42, v31;
	v29 =	vadd.f32 v43, v32;
	v31 =	vpsel p0, v34, v27  }
0x203: {  	v63 =	vpsel p0, v38, v27;
	v32 =	vadd.f32 v59, v62;
	v27 =	vadd.f32 v44, v31  }
0x204: {  	v31 =	vadd.f32 v45, v61;
	v34 =	vadd.f32 v60, v63  }
.LBB2_28:
.Ltmp21:
0x205: {  	(pc) =	sbr.rel .LBB2_32-.Ltmp21, $4  }
0x206: {  	_ = 	snop  }
0x207: {  	v33 =	vimm.f32 $0.0e+00;
	v37 =	vimm.f32 $0.0e+00  }
0x208: {  	v39 =	vimm.f32 $0.0e+00;
	v40 =	vimm.f32 $0.0e+00;
	v28 =	vimm.f32 $0.0e+00  }
0x209: {  	v30 =	vimm.f32 $0.0e+00;
	v31 =	vimm.f32 $0.0e+00;
	v32 =	vimm.f32 $0.0e+00  }
.LBB2_30:
.Ltmp22:
0x20a: {  	(pc) =	sbr.rel .LBB2_32-.Ltmp22, $3  }
0x20b: {  	_ =	sdelay $0x1  }
0x20c: {  	v33 =	vimm.f32 $0.0e+00  }
0x20d: {  	v37 =	vimm.f32 $0.0e+00;
	v39 =	vimm.f32 $0.0e+00;
	v40 =	vimm.f32 $0.0e+00  }
.LBB2_34:
0x20e: {  	p3 =	seq.s32 s25, $0x3  }
.Ltmp23:
0x20f: {  	_ = 	snop;
	(pc) =	sbr.rel @p3 .LBB2_38-.Ltmp23, $1  }
0x210: {  	_ =	sdelay $0x3  }
0x211: {  	v25 =	vld [tilespmem:s26+$0x4A82];
	_ =	sdelay $0x4  }
0x212: {  	(v2sf) =	vpush v25, $0x0;
	_ =	sdelay $0xe  }
0x213: {  	s30 =	spop (v2sf)  }
0x214: {  	s0 =	sadd.s32 $0x2, s26;
	p1 =	slt.s32 s30, $0x1  }
0x215: {  	s2 =	smul.u32 @!p1 $0x500, s0;
	_ =	sdelay $0x1  }
0x216: {  	s9 =	simm.s32 @!p1 $0x20;
	s29 =	sshra.s32 @!p1 s2, $0x2  }
0x217: {  	s13 =	simm.s32 @!p1 $0x4C80;
	p2 =	seq.s32 @!p1 s30, $0x1;
	s2 =	sadd.s32 @!p1 $0x4000, s29  }
0x218: {  	[tilespmem:s13], [sflag:$0x1] =	stream.indirect.gather @!p1 [hbm4b:s1+s9], $0x80, s2, s9, $0xb8;
	[tilespmem:$0x19D00] =	vst v63  }
0x219: {  	p1 =	por p1, p2  }
0x21a: {  	s2 =	sadd.s32 @!p1 $0x4020, s29  }
0x21b: {  	s9 =	simm.s32 @!p1 $0x20;
	s13 =	simm.s32 @!p1 $0x5C80;
	p2 =	slt.u32 @!p1 s30, $0x3  }
0x21c: {  	[tilespmem:s13], [sflag:$0x1] =	stream.indirect.gather @!p1 [hbm4b:s1+s9], $0x80, s2, s9, $0xb8;
	[tilespmem:$0x19D00] =	vst v63  }
0x21d: {  	p1 =	por p1, p2  }
0x21e: {  	s2 =	sadd.s32 @!p1 $0x4040, s29  }
0x21f: {  	s9 =	simm.s32 @!p1 $0x20;
	s13 =	simm.s32 @!p1 $0x6C80;
	p2 =	seq.s32 @!p1 s30, $0x3  }
0x220: {  	[tilespmem:s13], [sflag:$0x1] =	stream.indirect.gather @!p1 [hbm4b:s1+s9], $0x80, s2, s9, $0xb8;
	[tilespmem:$0x19D00] =	vst v63  }
0x221: {  	p1 =	por p1, p2  }
0x222: {  	s2 =	sadd.s32 @!p1 $0x4060, s29  }
0x223: {  	s9 =	simm.s32 @!p1 $0x20;
	s13 =	simm.s32 @!p1 $0x7C80;
	p2 =	slt.u32 @!p1 s30, $0x5  }
0x224: {  	[tilespmem:s13], [sflag:$0x1] =	stream.indirect.gather @!p1 [hbm4b:s1+s9], $0x80, s2, s9, $0xb8;
	[tilespmem:$0x19D00] =	vst v63  }
0x225: {  	p1 =	por p1, p2  }
.Ltmp24:
0x226: {  	_ = 	snop;
	(pc) =	sbr.rel @p1 .LBB2_37-.Ltmp24, $1  }
0x227: {  	_ =	sdelay $0x3  }
0x228: {  	s2 =	sadd.s32 $0x4080, s29;
	p1 =	seq.s32 s30, $0x5  }
0x229: {  	[tilespmem:s14], [sflag:$0x1] =	stream.indirect.gather [hbm4b:s1+s12], $0x80, s2, s12, $0xb8;
	[tilespmem:$0x19D00] =	vst v63  }
0x22a: {  	s2 =	sadd.s32 @!p1 $0x40A0, s29;
	s9 =	simm.s32 @!p1 $0x20;
	s13 =	simm.s32 @!p1 $0x9C80  }
0x22b: {  	[tilespmem:s13], [sflag:$0x1] =	stream.indirect.gather @!p1 [hbm4b:s1+s9], $0x80, s2, s9, $0xb8;
	[tilespmem:$0x19D00] =	vst v63  }
0x22c: {  	p2 =	slt.u32 @!p1 s30, $0x7;
	s2 =	simm.s32 @!p3 $0x0  }
0x22d: {  	s2 =	simm.s32 @p3 $0x1;
	p3 =	por p2, p1  }
0x22e: {  	[smem:$0x7FB] =	sst s2;
	s2 =	sadd.s32 @!p3 $0x40C0, s29  }
0x22f: {  	s9 =	simm.s32 @!p3 $0x20;
	s13 =	simm.s32 @!p3 $0xAC80;
	p4 =	seq.s32 @!p3 s30, $0x7  }
0x230: {  	[tilespmem:s13], [sflag:$0x1] =	stream.indirect.gather @!p3 [hbm4b:s1+s9], $0x80, s2, s9, $0xb8;
	[tilespmem:$0x19D00] =	vst v63  }
0x231: {  	p5 =	por @!p1 p4, p2  }
0x232: {  	p5 =	por p5, p1  }
0x233: {  	s2 =	sadd.s32 @!p5 $0x40E0, s29  }
0x234: {  	s9 =	simm.s32 @!p5 $0x20;
	s13 =	simm.s32 @!p5 $0xBC80;
	p6 =	slt.u32 @!p5 s30, $0x9  }
0x235: {  	[tilespmem:s13], [sflag:$0x1] =	stream.indirect.gather @!p5 [hbm4b:s1+s9], $0x80, s2, s9, $0xb8;
	[tilespmem:$0x19D00] =	vst v63  }
0x236: {  	p0 =	por @!p3 p6, p4  }
0x237: {  	p0 =	por @!p1 p0, p2  }
0x238: {  	p0 =	por p0, p1  }
0x239: {  	s2 =	sadd.s32 @!p0 $0x4100, s29;
	s9 =	simm.s32 @!p0 $0x20;
	s13 =	simm.s32 @!p0 $0xCC80  }
0x23a: {  	[tilespmem:s13], [sflag:$0x1] =	stream.indirect.gather @!p0 [hbm4b:s1+s9], $0x80, s2, s9, $0xb8;
	[tilespmem:$0x19D00] =	vst v63  }
0x23b: {  	p0 =	seq.s32 @!p0 s30, $0x9  }
0x23c: {  	s31 =	sld [smem:$0x7FB];
	p0 =	por @!p5 p0, p6  }
0x23d: {  	p0 =	por @!p3 p0, p4  }
0x23e: {  	p0 =	por @!p1 p0, p2  }
0x23f: {  	p3 =	seq.s32 s31, $0x1;
	p0 =	por p0, p1  }
0x240: {  	s2 =	sadd.s32 @!p0 $0x4120, s29;
	s9 =	simm.s32 @!p0 $0x20;
	s13 =	simm.s32 @!p0 $0xDC80  }
0x241: {  	[tilespmem:s13], [sflag:$0x1] =	stream.indirect.gather @!p0 [hbm4b:s1+s9], $0x80, s2, s9, $0xb8;
	[tilespmem:$0x19D00] =	vst v63  }
.LBB2_37:
0x242: {  	s0 =	sshll.u32 s0, $0x4  }
0x243: {  	s0 =	sand.u32 $0x3FFFFFF0, s0  }
0x244: {  	s0 =	sadd.s32 $0x4C00, s0  }
0x245: {  	[tilespmem:s16], [sflag:$0x1] =	stream.indirect.gather [hbm4b:s1+s15], $0x80, s0, s15, $0xb8;
	[tilespmem:$0x19D00] =	vst v63  }
.LBB2_38:
0x246: {  	v25 =	vld [tilespmem:s26+$0x4A81];
	_ =	sdelay $0x4  }
0x247: {  	(v2sf) =	vpush v25, $0x0;
	_ =	sdelay $0xe  }
0x248: {  	s0 =	spop (v2sf)  }
0x249: {  	p0 =	slt.s32 s0, $0x1  }
0x24a: {  	s2 =	simm.s32 @!p0 $0x2  }
0x24b: {  	p1 =	seq.s32 @!p0 s0, $0x1;
	_ =	swait.ge @!p0 [sflag:s2], $0x1000  }
0x24c: {  	p1 =	por p0, p1;
	[sflag:s2] =	ssyncset.done @!p0 $0x0  }
0x24d: {  	[sflag:s2] =	ssyncadd.s32 @!p0 $0xFFFFF000;
	s2 =	simm.s32 @!p1 $0x2  }
0x24e: {  	p0 =	slt.u32 @!p1 s0, $0x3;
	_ =	swait.ge @!p1 [sflag:s2], $0x1000  }
0x24f: {  	p0 =	por p1, p0;
	[sflag:s2] =	ssyncset.done @!p1 $0x0  }
0x250: {  	[sflag:s2] =	ssyncadd.s32 @!p1 $0xFFFFF000;
	s2 =	simm.s32 @!p0 $0x2  }
0x251: {  	p1 =	seq.s32 @!p0 s0, $0x3;
	_ =	swait.ge @!p0 [sflag:s2], $0x1000  }
0x252: {  	p1 =	por p0, p1;
	[sflag:s2] =	ssyncset.done @!p0 $0x0  }
0x253: {  	[sflag:s2] =	ssyncadd.s32 @!p0 $0xFFFFF000;
	p0 =	slt.u32 @!p1 s0, $0x5  }
0x254: {  	p0 =	por p1, p0  }
.Ltmp25:
0x255: {  	_ = 	snop;
	(pc) =	sbr.rel @p0 .LBB2_40-.Ltmp25, $4  }
0x256: {  	s2 =	simm.s32 @!p1 $0x2  }
0x257: {  	_ =	swait.ge @!p1 [sflag:s2], $0x1000  }
0x258: {  	[sflag:s2] =	ssyncset.done @!p1 $0x0  }
0x259: {  	[sflag:s2] =	ssyncadd.s32 @!p1 $0xFFFFF000  }
0x25a: {  	p1 =	seq.s32 s0, $0x5  }
0x25b: {  	s2 =	simm.s32 @!p3 $0x0;
	p2 =	slt.u32 @!p1 s0, $0x7  }
0x25c: {  	_ =	swait.ge [sflag:s21], $0x1000;
	s2 =	simm.s32 @p3 $0x1;
	p3 =	por p2, p1  }
0x25d: {  	[sflag:s21] =	ssyncset.done $0x0;
	p4 =	seq.s32 @!p3 s0, $0x7  }
0x25e: {  	[smem:$0x7FB] =	sst s2;
	s9 =	simm.s32 @!p4 $0x0;
	p0 =	por @!p1 p4, p2  }
0x25f: {  	[sflag:s21] =	ssyncadd.s32 $0xFFFFF000;
	s9 =	simm.s32 @p4 $0x1;
	p5 =	por p0, p1  }
0x260: {  	s2 =	simm.s32 @!p1 $0x2;
	[smem:$0x7FA] =	sst s9;
	p0 =	slt.u32 @!p5 s0, $0x9  }
0x261: {  	_ =	swait.ge @!p1 [sflag:s2], $0x1000;
	s9 =	simm.s32 @!p0 $0x0  }
0x262: {  	[sflag:s2] =	ssyncset.done @!p1 $0x0;
	s9 =	simm.s32 @p0 $0x1  }
0x263: {  	[sflag:s2] =	ssyncadd.s32 @!p1 $0xFFFFF000;
	s2 =	simm.s32 @!p3 $0x2;
	[smem:$0x7F9] =	sst s9  }
0x264: {  	_ =	swait.ge @!p3 [sflag:s2], $0x1000  }
0x265: {  	[sflag:s2] =	ssyncset.done @!p3 $0x0  }
0x266: {  	[sflag:s2] =	ssyncadd.s32 @!p3 $0xFFFFF000;
	s2 =	simm.s32 @!p5 $0x2  }
0x267: {  	_ =	swait.ge @!p5 [sflag:s2], $0x1000  }
0x268: {  	p6 =	por @!p3 p0, p4;
	s29 =	sld [smem:$0x7F9]  }
0x269: {  	p6 =	por @!p1 p6, p2;
	s30 =	sld [smem:$0x7FA]  }
0x26a: {  	p6 =	por p6, p1  }
0x26b: {  	p0 =	seq.s32 @!p6 s0, $0x9;
	p4 =	seq.s32 s29, $0x1  }
0x26c: {  	[sflag:s2] =	ssyncset.done @!p5 $0x0;
	p0 =	por @!p5 p0, p4;
	p4 =	seq.s32 s30, $0x1  }
0x26d: {  	s0 =	simm.s32 @!p6 $0x2;
	[sflag:s2] =	ssyncadd.s32 @!p5 $0xFFFFF000;
	p0 =	por @!p3 p0, p4  }
0x26e: {  	s31 =	sld [smem:$0x7FB];
	_ =	swait.ge @!p6 [sflag:s0], $0x1000;
	p0 =	por @!p1 p0, p2  }
0x26f: {  	[sflag:s0] =	ssyncset.done @!p6 $0x0;
	p0 =	por p0, p1  }
0x270: {  	[sflag:s0] =	ssyncadd.s32 @!p6 $0xFFFFF000;
	s0 =	simm.s32 @!p0 $0x2  }
0x271: {  	_ =	swait.ge @!p0 [sflag:s0], $0x1000  }
0x272: {  	[sflag:s0] =	ssyncset.done @!p0 $0x0  }
0x273: {  	p3 =	seq.s32 s31, $0x1;
	[sflag:s0] =	ssyncadd.s32 @!p0 $0xFFFFF000  }
.LBB2_40:
.Ltmp26:
0x274: {  	(pc) =	sbr.rel .LBB2_41-.Ltmp26, $4  }
0x275: {  	_ = 	snop  }
0x276: {  	_ =	swait.ge [sflag:s21], $0x800  }
0x277: {  	s0 =	sadd.s32 $0x4B10, s28;
	[sflag:s21] =	ssyncset.done $0x0  }
0x278: {  	s28 =	simm.s32 $0x0;
	s29 =	simm.s32 $0x0;
	v25 =	vmov s0;
	[sflag:s21] =	ssyncadd.s32 $0xFFFFF800  }
.LBB2_42:
0x279: {  	v34 =	vimm.f32 $0.0e+00;
	v33 =	vimm.f32 $0.0e+00  }
0x27a: {  	v30 =	vimm.f32 $0.0e+00;
	v29 =	vimm.f32 $0.0e+00;
	v27 =	vimm.f32 $0.0e+00  }
0x27b: {  	v31 =	vimm.f32 $0.0e+00;
	v32 =	vimm.f32 $0.0e+00;
	v28 =	vimm.f32 $0.0e+00  }
.LBB2_49:
0x27c: {  	s0 =	sshll.u32 s29, $0x7  }
0x27d: {  	s0 =	sand.u32 $0x3FFFFF80, s0  }
0x27e: {  	v35 =	vld [tilespmem:s0+$0x19480]  }
0x27f: {  	v36 =	vld [tilespmem:s0+$0x19490]  }
0x280: {  	v37 =	vld [tilespmem:s0+$0x194A0]  }
0x281: {  	v38 =	vld [tilespmem:s0+$0x194B0]  }
0x282: {  	v57 =	vld [tilespmem:s0+$0x194C0]  }
0x283: {  	v34 =	vmul.f32 v34, v26;
	v33 =	vmul.f32 v33, v26;
	v58 =	vld [tilespmem:s0+$0x194D0]  }
0x284: {  	v30 =	vmul.f32 v30, v26;
	v29 =	vmul.f32 v29, v26;
	v39 =	vld [tilespmem:s0+$0x194E0]  }
0x285: {  	v27 =	vmul.f32 v27, v26;
	v31 =	vmul.f32 v31, v26;
	v40 =	vld [tilespmem:s0+$0x194F0];
	v34 =	vsub.f32 v34, v35  }
0x286: {  	v32 =	vmul.f32 v32, v26;
	v33 =	vsub.f32 v33, v36;
	v30 =	vsub.f32 v30, v37  }
0x287: {  	v26 =	vmul.f32 v28, v26;
	v29 =	vsub.f32 v29, v38;
	v27 =	vsub.f32 v27, v57  }
0x288: {  	s29 =	sadd.s32 $0x1, s29;
	v60 =	vsub.f32 v31, v58;
	v34 =	vmul.f32 v34, v34;
	v33 =	vmul.f32 v33, v33  }
0x289: {  	p0 =	sne.s32 s29, $0x10;
	v61 =	vsub.f32 v32, v39;
	v59 =	vmul.f32 v30, v30;
	v29 =	vmul.f32 v29, v29  }
.Ltmp27:
0x28a: {  	v26 =	vsub.f32 v26, v40;
	v27 =	vmul.f32 v27, v27;
	v62 =	vmul.f32 v60, v60;
	(pc) =	sbr.rel @!p0 .LBB2_50-.Ltmp27, $4  }
0x28b: {  	v63 =	vmul.f32 v61, v61;
	v24 =	vadd.f32 v34, v24;
	v23 =	vadd.f32 v33, v23  }
0x28c: {  	v26 =	vmul.f32 v26, v26;
	v22 =	vadd.f32 v59, v22;
	v21 =	vadd.f32 v29, v21  }
0x28d: {  	v20 =	vadd.f32 v27, v20;
	v19 =	vadd.f32 v62, v19  }
0x28e: {  	s28 =	sadd.s32 s28, s30;
	v18 =	vadd.f32 v63, v18;
	v17 =	vadd.f32 v26, v17  }
.LBB2_41:
0x28f: {  	_ =	sdelay $0x3  }
0x290: {  	v26 =	vld.idx.msk [tilespmem:v25+s29+$0x0 ss:$0x1], $0xffff;
	_ =	sdelay $0x4  }
0x291: {  	(v2sf) =	vpush v26, $0x0;
	_ =	sdelay $0x7  }
0x292: {  	v26 =	vcvt.s32.f32 v26;
	_ =	sdelay $0x1  }
0x293: {  	v26 =	vbroadcast v26, $0x0;
	_ =	sdelay $0x1  }
0x294: {  	(erf) = vrcp.f32 v26;
	_ =	sdelay $0x2  }
0x295: {  	s30 =	spop (v2sf)  }
0x296: {  	p0 =	slt.s32 s30, $0x1  }
.Ltmp28:
0x297: {  	_ = 	snop;
	(pc) =	sbr.rel @p0 .LBB2_42-.Ltmp28, $2  }
0x298: {  	_ =	sdelay $0x2  }
0x299: {  	v26 =	vpop (erf)  }
0x29a: {  	p0 =	sne.s32 s30, $0x1  }
.Ltmp29:
0x29b: {  	_ = 	snop;
	(pc) =	sbr.rel @!p0 .LBB2_44-.Ltmp29, $4  }
0x29c: {  	s0 =	sshll.u32 s28, $0x9  }
0x29d: {  	s0 =	sshra.s32 s0, $0x2  }
0x29e: {  	s0 =	sadd.s32 $0xECC0, s0  }
0x29f: {  	v27 =	vimm.f32 $0.0e+00;
	s2 =	sadd.s32 $0xFFFFFFFF, s30;
	p1 =	por $0x0, $0x0;
	v29 =	vld [tilespmem:s0+$0x30]  }
0x2a0: {  	v30 =	vld [tilespmem:s0+$0xFFFFFFD0]  }
0x2a1: {  	v31 =	vld [tilespmem:s0+$0xFFFFFFE0]  }
0x2a2: {  	v32 =	vld [tilespmem:s0+$0xFFFFFFF0];
	p0 =	sne.s32 s2, $0x1  }
.Ltmp30:
0x2a3: {  	v34 =	vld [tilespmem:s0+$0x0];
	(pc) =	sbr.rel @!p0 .LBB2_46-.Ltmp30, $4  }
0x2a4: {  	v35 =	vld [tilespmem:s0+$0x10]  }
0x2a5: {  	v36 =	vld [tilespmem:s0+$0x20];
	v33 =	vimm.f32 $0.0e+00;
	v37 =	vimm.f32 $0.0e+00  }
0x2a6: {  	v38 =	vld [tilespmem:s0+$0xFFFFFFC0];
	s0 =	sadd.s32 $0x80, s0;
	v39 =	vimm.f32 $0.0e+00;
	v28 =	vadd.f32 v29, v27;
	v30 =	vadd.f32 v30, v27  }
0x2a7: {  	s2 =	sadd.s32 $0xFFFFFFFF, s2;
	p1 =	por $0x1, $0x1;
	v40 =	vimm.f32 $0.0e+00;
	v29 =	vld [tilespmem:s0+$0x30];
	v31 =	vadd.f32 v31, v27;
	v32 =	vadd.f32 v32, v27  }
.LBB2_47:
0x2a8: {  	p2 =	sne.s32 s2, $0x1;
	v41 =	vld [tilespmem:s0+$0xFFFFFFD0];
	v33 =	vadd.f32 v34, v33  }
0x2a9: {  	v42 =	vld [tilespmem:s0+$0xFFFFFFE0];
	v37 =	vadd.f32 v35, v37  }
0x2aa: {  	v43 =	vld [tilespmem:s0+$0xFFFFFFF0];
	v39 =	vadd.f32 v36, v39  }
.Ltmp31:
0x2ab: {  	v34 =	vld [tilespmem:s0+$0x0];
	v40 =	vadd.f32 v38, v40;
	(pc) =	sbr.rel @p2 .LBB2_47-.Ltmp31, $4  }
0x2ac: {  	v35 =	vld [tilespmem:s0+$0x10];
	v28 =	vadd.f32 v29, v28  }
0x2ad: {  	v30 =	vadd.f32 v41, v30;
	v36 =	vld [tilespmem:s0+$0x20]  }
0x2ae: {  	v38 =	vld [tilespmem:s0+$0xFFFFFFC0];
	v31 =	vadd.f32 v42, v31;
	s0 =	sadd.s32 $0x80, s0  }
0x2af: {  	s2 =	sadd.s32 $0xFFFFFFFF, s2;
	v29 =	vld [tilespmem:s0+$0x30];
	v32 =	vadd.f32 v43, v32  }
.LBB2_48:
0x2b0: {  	v41 =	vld [tilespmem:s0+$0xFFFFFFD0]  }
0x2b1: {  	v42 =	vld [tilespmem:s0+$0xFFFFFFE0]  }
0x2b2: {  	v43 =	vld [tilespmem:s0+$0xFFFFFFF0]  }
0x2b3: {  	v44 =	vld [tilespmem:s0+$0x0]  }
0x2b4: {  	v45 =	vld [tilespmem:s0+$0x10]  }
0x2b5: {  	v59 =	vld [tilespmem:s0+$0x20];
	v35 =	vadd.f32 @p1 v35, v37  }
0x2b6: {  	v60 =	vld [tilespmem:s0+$0xFFFFFFC0];
	v36 =	vadd.f32 @p1 v36, v39  }
.Ltmp32:
0x2b7: {  	v34 =	vadd.f32 @p1 v34, v33;
	v38 =	vadd.f32 @p1 v38, v40;
	v61 =	vpsel p1, v35, v27;
	(pc) =	sbr.rel .LBB2_49-.Ltmp32, $4  }
0x2b8: {  	v28 =	vadd.f32 v29, v28;
	v62 =	vpsel p1, v36, v27;
	v33 =	vadd.f32 v41, v30  }
0x2b9: {  	v30 =	vadd.f32 v42, v31;
	v29 =	vadd.f32 v43, v32;
	v31 =	vpsel p1, v34, v27  }
0x2ba: {  	v63 =	vpsel p1, v38, v27;
	v32 =	vadd.f32 v59, v62;
	v27 =	vadd.f32 v44, v31  }
0x2bb: {  	v31 =	vadd.f32 v45, v61;
	v34 =	vadd.f32 v60, v63  }
.LBB2_44:
.Ltmp33:
0x2bc: {  	(pc) =	sbr.rel .LBB2_48-.Ltmp33, $4  }
0x2bd: {  	_ = 	snop  }
0x2be: {  	v33 =	vimm.f32 $0.0e+00;
	v37 =	vimm.f32 $0.0e+00  }
0x2bf: {  	v39 =	vimm.f32 $0.0e+00;
	v40 =	vimm.f32 $0.0e+00;
	v28 =	vimm.f32 $0.0e+00  }
0x2c0: {  	v30 =	vimm.f32 $0.0e+00;
	v31 =	vimm.f32 $0.0e+00;
	v32 =	vimm.f32 $0.0e+00  }
.LBB2_46:
.Ltmp34:
0x2c1: {  	(pc) =	sbr.rel .LBB2_48-.Ltmp34, $3  }
0x2c2: {  	_ =	sdelay $0x1  }
0x2c3: {  	v33 =	vimm.f32 $0.0e+00  }
0x2c4: {  	v37 =	vimm.f32 $0.0e+00;
	v39 =	vimm.f32 $0.0e+00;
	v40 =	vimm.f32 $0.0e+00  }
.LBB2_50:
.Ltmp35:
0x2c5: {  	(pc) =	sbr.rel @p3 .LBB2_54-.Ltmp35, $1  }
0x2c6: {  	_ =	sdelay $0x3  }
0x2c7: {  	v25 =	vld [tilespmem:s26+$0x4A83];
	_ =	sdelay $0x4  }
0x2c8: {  	(v2sf) =	vpush v25, $0x0;
	_ =	sdelay $0xe  }
0x2c9: {  	s28 =	spop (v2sf)  }
0x2ca: {  	s0 =	sadd.s32 $0x3, s26;
	p0 =	slt.s32 s28, $0x1  }
0x2cb: {  	s2 =	smul.u32 @!p0 $0x500, s0;
	_ =	sdelay $0x1  }
0x2cc: {  	s9 =	simm.s32 @!p0 $0x20;
	s26 =	sshra.s32 @!p0 s2, $0x2  }
0x2cd: {  	s13 =	simm.s32 @!p0 $0xEC80;
	p1 =	seq.s32 @!p0 s28, $0x1;
	s2 =	sadd.s32 @!p0 $0x4000, s26  }
0x2ce: {  	[tilespmem:s13], [sflag:$0x2] =	stream.indirect.gather @!p0 [hbm4b:s1+s9], $0x80, s2, s9, $0xb8;
	[tilespmem:$0x19D00] =	vst v63  }
0x2cf: {  	p0 =	por p0, p1  }
0x2d0: {  	s2 =	sadd.s32 @!p0 $0x4020, s26  }
0x2d1: {  	s9 =	simm.s32 @!p0 $0x20;
	s13 =	simm.s32 @!p0 $0xFC80;
	p1 =	slt.u32 @!p0 s28, $0x3  }
0x2d2: {  	[tilespmem:s13], [sflag:$0x2] =	stream.indirect.gather @!p0 [hbm4b:s1+s9], $0x80, s2, s9, $0xb8;
	[tilespmem:$0x19D00] =	vst v63  }
0x2d3: {  	p0 =	por p0, p1  }
0x2d4: {  	s2 =	sadd.s32 @!p0 $0x4040, s26  }
0x2d5: {  	s9 =	simm.s32 @!p0 $0x20;
	s13 =	simm.s32 @!p0 $0x10C80;
	p1 =	seq.s32 @!p0 s28, $0x3  }
0x2d6: {  	[tilespmem:s13], [sflag:$0x2] =	stream.indirect.gather @!p0 [hbm4b:s1+s9], $0x80, s2, s9, $0xb8;
	[tilespmem:$0x19D00] =	vst v63  }
0x2d7: {  	p0 =	por p0, p1  }
0x2d8: {  	s2 =	sadd.s32 @!p0 $0x4060, s26  }
0x2d9: {  	s9 =	simm.s32 @!p0 $0x20;
	s13 =	simm.s32 @!p0 $0x11C80;
	p1 =	slt.u32 @!p0 s28, $0x5  }
0x2da: {  	[tilespmem:s13], [sflag:$0x2] =	stream.indirect.gather @!p0 [hbm4b:s1+s9], $0x80, s2, s9, $0xb8;
	[tilespmem:$0x19D00] =	vst v63  }
0x2db: {  	p0 =	por p0, p1  }
.Ltmp36:
0x2dc: {  	_ = 	snop;
	(pc) =	sbr.rel @p0 .LBB2_53-.Ltmp36, $1  }
0x2dd: {  	_ =	sdelay $0x3  }
0x2de: {  	s2 =	sadd.s32 $0x4080, s26;
	p0 =	seq.s32 s28, $0x5  }
0x2df: {  	[tilespmem:s18], [sflag:$0x2] =	stream.indirect.gather [hbm4b:s1+s12], $0x80, s2, s12, $0xb8;
	[tilespmem:$0x19D00] =	vst v63  }
0x2e0: {  	s2 =	sadd.s32 @!p0 $0x40A0, s26;
	p1 =	slt.u32 @!p0 s28, $0x7  }
0x2e1: {  	s9 =	simm.s32 @!p0 $0x20;
	s13 =	simm.s32 @!p0 $0x13C80;
	p2 =	por p1, p0  }
0x2e2: {  	[tilespmem:s13], [sflag:$0x2] =	stream.indirect.gather @!p0 [hbm4b:s1+s9], $0x80, s2, s9, $0xb8;
	[tilespmem:$0x19D00] =	vst v63  }
0x2e3: {  	s2 =	sadd.s32 @!p2 $0x40C0, s26;
	p3 =	seq.s32 @!p2 s28, $0x7  }
0x2e4: {  	s9 =	simm.s32 @!p2 $0x20;
	s13 =	simm.s32 @!p2 $0x14C80;
	p4 =	por @!p0 p3, p1  }
0x2e5: {  	[tilespmem:s13], [sflag:$0x2] =	stream.indirect.gather @!p2 [hbm4b:s1+s9], $0x80, s2, s9, $0xb8;
	[tilespmem:$0x19D00] =	vst v63  }
0x2e6: {  	p4 =	por p4, p0  }
0x2e7: {  	s2 =	sadd.s32 @!p4 $0x40E0, s26  }
0x2e8: {  	s9 =	simm.s32 @!p4 $0x20;
	s13 =	simm.s32 @!p4 $0x15C80;
	p5 =	slt.u32 @!p4 s28, $0x9  }
0x2e9: {  	[tilespmem:s13], [sflag:$0x2] =	stream.indirect.gather @!p4 [hbm4b:s1+s9], $0x80, s2, s9, $0xb8;
	[tilespmem:$0x19D00] =	vst v63  }
0x2ea: {  	p6 =	por @!p2 p5, p3  }
0x2eb: {  	p6 =	por @!p0 p6, p1  }
0x2ec: {  	p6 =	por p6, p0  }
0x2ed: {  	s2 =	sadd.s32 @!p6 $0x4100, s26;
	s9 =	simm.s32 @!p6 $0x20;
	s13 =	simm.s32 @!p6 $0x16C80  }
0x2ee: {  	[tilespmem:s13], [sflag:$0x2] =	stream.indirect.gather @!p6 [hbm4b:s1+s9], $0x80, s2, s9, $0xb8;
	[tilespmem:$0x19D00] =	vst v63  }
0x2ef: {  	p6 =	seq.s32 @!p6 s28, $0x9  }
0x2f0: {  	p4 =	por @!p4 p6, p5  }
.Ltmp37:
0x2f1: {  	p2 =	por @!p2 p4, p3;
	(pc) =	sbr.rel .LBB2_53-.Ltmp37, $4  }
0x2f2: {  	p1 =	por @!p0 p2, p1  }
0x2f3: {  	p0 =	por p1, p0  }
0x2f4: {  	s2 =	sadd.s32 @!p0 $0x4120, s26;
	s9 =	simm.s32 @!p0 $0x20;
	s13 =	simm.s32 @!p0 $0x17C80  }
0x2f5: {  	[tilespmem:s13], [sflag:$0x2] =	stream.indirect.gather @!p0 [hbm4b:s1+s9], $0x80, s2, s9, $0xb8;
	[tilespmem:$0x19D00] =	vst v63  }
.LBB2_55:
0x2f6: {  	_ =	sfence.sel $0x180000  }
0x2f7: {  	[bflag:$0x0] =	sbarrier.arrive $0xFFFF  }
0x2f8: {  	_ =	strace $0x90000047  }
0x2f9: {  	s0 =	stileid.u32;
	[bflag:$0x2] =	sbarrier.arrive $0xFFFF  }
0x2fa: {  	p0 =	sne.s32 s0, $0x0;
	s0 =	rddreg [dreg:$0x4]  }
0x2fb: {  	s0 =	sadd.s32 @!p0 $0x100000, s0  }
0x2fc: {  	[sflag:s0] =	ssyncadd.tile.s32 @!p0 $0x1;
	_ =	shalt  }
.Lfunc_end2:
_tile_overlayer_lowered:
.L_overlay_start_2:
0x2fd: {  	(tag) =	ssettag $0x2  }
0x2fe: {  	s0 =	rddreg [dreg:$0x0];
	s2 =	stileid.u32  }
0x2ff: {  	s1 =	rddreg [dreg:$0x1];
	p0 =	sne.s32 s2, $0x0  }
0x300: {  	s3 =	rddreg [dreg:$0x2];
	[bflag:$0x3] =	sbarrier.arrive $0xFFFF;
	s2 =	simm.s32 @!p0 $0x1C03  }
0x301: {  	[timem:s3], [sflag:s2] =	dma.local @!p0 [hbm:s0], s1  }
0x302: {  	s0 =	simm.s32 @!p0 $0x3  }
0x303: {  	_ =	swait.ge @!p0 [sflag:s0], s1  }
0x304: {  	s1 =	ssub.s32 @!p0 $0x0, s1;
	[sflag:s0] =	ssyncset.done @!p0 $0x0  }
0x305: {  	[sflag:s0] =	ssyncadd.s32 @!p0 s1  }
0x306: {  	[bflag:$0x3] =	sbarrier.arrive $0xFFFF  }
0x307: {  	_ =	shalt  }

</sc_bundles>
